<compile_context>
chip_gen: v7x
topology: tpu7x:2x2x1
jax: 0.10.2.dev20260603
libtpu: 0.0.44.dev20260713+nightly
codegen_flags: <defaults>
</compile_context>

<pallas_src>
import functools

import jax
import jax.numpy as jnp
from jax import lax
from jax.experimental import pallas as pl
from jax.experimental.pallas import tpu as pltpu
from jax.experimental.pallas import tpu_sc as plsc

_BATCH = 8
_NUM_ROIS = 100
_RES = 28
_NUM_CLASSES = 91
_ROWS = _BATCH * _NUM_ROIS
_YX = _RES * _RES
_NW = 32
_SC_PER_W = 14
_SC_YX = _NW * _SC_PER_W
_TC_YX = _YX - _SC_YX
_NXB = 4
_L = 16


@functools.partial(
    pl.kernel,
    mesh=plsc.VectorSubcoreMesh(core_axis_name="c", subcore_axis_name="s"),
    out_type=jax.ShapeDtypeStruct((_SC_YX, _BATCH, _NUM_ROIS), jnp.float32),
    scratch_types=[
        pltpu.VMEM((_ROWS,), jnp.int32),
        pltpu.VMEM((_NUM_CLASSES, _BATCH, _NUM_ROIS), jnp.float32),
        pltpu.VMEM((_SC_PER_W, _BATCH, _NUM_ROIS), jnp.float32),
        pltpu.SemaphoreType.DMA,
    ],
    compiler_params=pltpu.CompilerParams(needs_layout_passes=False),
)
def _sc_gather(planes_hbm, cls_hbm, out_hbm, cls_v, stage_v, out_v, sem):
    wid = lax.axis_index("s") * 2 + lax.axis_index("c")
    base = wid * _SC_PER_W
    pltpu.sync_copy(cls_hbm, cls_v)
    iota = lax.iota(jnp.int32, _L)

    def body(j, _):
        pltpu.async_copy(planes_hbm.at[:, _TC_YX + base + j], stage_v,
                         sem).wait()
        jvec = iota * 0 + j
        for k in range(_ROWS // _L):
            pos = iota + (k * _L)
            b0 = (k * _L) // _NUM_ROIS
            bvec = jnp.where(pos >= (b0 + 1) * _NUM_ROIS, b0 + 1, b0)
            rvec = pos - bvec * _NUM_ROIS
            vals = plsc.load_gather(
                stage_v, [cls_v[pl.ds(k * _L, _L)], bvec, rvec])
            plsc.store_scatter(out_v, [jvec, bvec, rvec], vals)
        return 0

    lax.fori_loop(0, _SC_PER_W, body, 0)
    pltpu.sync_copy(out_v, out_hbm.at[pl.ds(base, _SC_PER_W)])


def _tc_body(cls_ref, in_ref, out_ref):
    cls = cls_ref[...]
    acc = in_ref[0]
    for c in range(1, _NUM_CLASSES):
        acc = jnp.where((cls == c)[None], in_ref[c], acc)
    out_ref[...] = acc


def kernel(mask_outputs, class_indices):
    planes = jnp.transpose(mask_outputs, (2, 3, 4, 0, 1)).reshape(
        _NUM_CLASSES, _YX, _BATCH, _NUM_ROIS)
    cls2 = class_indices.astype(jnp.int32)
    cls1 = class_indices.reshape(_ROWS).astype(jnp.int32)
    out_sc = _sc_gather(planes, cls1)
    out_tc = pl.pallas_call(
        _tc_body,
        grid=(_TC_YX // _NXB,),
        in_specs=[
            pl.BlockSpec((_BATCH, _NUM_ROIS), lambda i: (0, 0)),
            pl.BlockSpec((_NUM_CLASSES, _NXB, _BATCH, _NUM_ROIS),
                         lambda i: (0, i, 0, 0)),
        ],
        out_specs=pl.BlockSpec((_NXB, _BATCH, _NUM_ROIS),
                               lambda i: (i, 0, 0)),
        out_shape=jax.ShapeDtypeStruct((_TC_YX, _BATCH, _NUM_ROIS),
                                       jnp.float32),
        compiler_params=pltpu.CompilerParams(
            dimension_semantics=("arbitrary",)),
    )(cls2, planes)
    out = jnp.concatenate([out_tc, out_sc], axis=0)
    return jnp.transpose(out.reshape(_RES, _RES, _BATCH, _NUM_ROIS),
                         (2, 3, 0, 1))

# --- scband reference (transcript-rebuilt; emitter-appended) ---
"""Pipeline reference for scband-mask-postprocess-20169166422204 (READ-ONLY COPY).

The authoritative reference and input builder live on the scoring server;
editing this copy changes nothing except your own understanding.
"""

import jax, jax.numpy as jnp
import numpy as np

BATCH = 8
NUM_ROIS = 100
RES = 28
NUM_CLASSES = 91


def setup_inputs(seed: int = 0) -> dict:
    key = jax.random.key(seed)
    k1, k2 = jax.random.split(key)
    mask_outputs = jax.random.normal(k1, (BATCH, NUM_ROIS, NUM_CLASSES, RES, RES), dtype=jnp.float32)
    class_indices = jax.random.randint(k2, (BATCH, NUM_ROIS), 0, NUM_CLASSES, dtype=jnp.int32)
    return {"mask_outputs": mask_outputs, "class_indices": class_indices}


def reference(mask_outputs, class_indices):
    # class_indices cast to int32 (is_gpu_inference=False path)
    class_indices = class_indices.astype(jnp.int32)
    m = jnp.reshape(mask_outputs, (-1, NUM_ROIS, NUM_CLASSES, RES, RES))
    # batch_size > 1 path: gather_nd over (batch, roi, class)
    batch_indices = jnp.arange(BATCH, dtype=jnp.int32)[:, None] * jnp.ones((1, NUM_ROIS), dtype=jnp.int32)
    mask_indices = jnp.arange(NUM_ROIS, dtype=jnp.int32)[None, :] * jnp.ones((BATCH, 1), dtype=jnp.int32)
    out = m[batch_indices, mask_indices, class_indices]
    return out

if __name__ == "__main__":
    import jax
    _d = setup_inputs()
    print(jax.jit(kernel)(*tuple(_d.values())))

</pallas_src>

<mosaic_0001>
#map = affine_map<(d0, d1) -> (0, 0, 0, 0)>
#map1 = affine_map<(d0, d1) -> (0)>
#map2 = affine_map<(d0, d1) -> (0, 0, 0)>
module attributes {stable_mosaic.version = 14 : i64} {
  func.func @_sc_gather(%arg0: i32, %arg1: i32, %arg2: memref<91x784x8x100xf32, #tpu.memory_space<hbm>>, %arg3: memref<800xi32, #tpu.memory_space<hbm>>, %arg4: memref<448x8x100xf32, #tpu.memory_space<hbm>>, %arg5: memref<800xi32, #tpu.memory_space<vmem>>, %arg6: memref<91x8x100xf32, #tpu.memory_space<vmem>>, %arg7: memref<14x8x100xf32, #tpu.memory_space<vmem>>, %arg8: memref<!tpu.dma_semaphore, #tpu.memory_space<semaphore_mem>>) attributes {dimension_semantics = [#tpu.dimension_semantics<core_parallel>, #tpu.dimension_semantics<subcore_parallel>], iteration_bounds = array<i64: 2, 16>, scalar_prefetch = 0 : i64, scratch_operands = 4 : i64, tpu.core_type = #tpu.core_type<sc_vector_subcore>, window_params = [{transform_indices = #map}, {transform_indices = #map1}, {transform_indices = #map2}]} {
    %mul3A = arith.constant 2 : i32
    %mul3A_0 = arith.muli %arg1, %mul3A : i32
    %add3A = arith.addi %mul3A_0, %arg0 : i32
    %mul3A_1 = arith.constant 14 : i32
    %mul3A_2 = arith.muli %add3A, %mul3A_1 : i32
    "tpu.region"() ({
      %run_scoped3A = tpu.sem_alloc : memref<!tpu.dma_semaphore, #tpu.memory_space<semaphore_mem>>
      tpu.enqueue_dma source(%arg3 : memref<800xi32, #tpu.memory_space<hbm>>) target(%arg5 : memref<800xi32, #tpu.memory_space<vmem>>) target_semaphore(%run_scoped3A : memref<!tpu.dma_semaphore, #tpu.memory_space<semaphore_mem>>)
      tpu.wait_dma2 semaphore(%run_scoped3A : memref<!tpu.dma_semaphore, #tpu.memory_space<semaphore_mem>>) src(%arg3 : memref<800xi32, #tpu.memory_space<hbm>>) dst(%arg5 : memref<800xi32, #tpu.memory_space<vmem>>)
      tpu.yield
    }) : () -> ()
    %iota3A = tpu.iota {dimensions = array<i32: 0>} : vector<16xi32>
    %scan3A = arith.constant 0 : i32
    %scan3A_3 = arith.constant 0 : i32
    %scan3A_4 = arith.constant 14 : i32
    %scan3A_5 = arith.addi %scan3A_3, %scan3A_4 : i32
    %scan3A_6 = arith.constant 1 : i32
    %scan3A_7 = scf.for %scan3A_9 = %scan3A_3 to %scan3A_5 step %scan3A_6 iter_args(%scan3A_10 = %scan3A) -> (i32)  : i32 {
      %add3A_11 = arith.constant 336 : i32
      %add3A_12 = arith.addi %add3A_11, %mul3A_2 : i32
      %add3A_13 = arith.addi %add3A_12, %scan3A_9 : i32
      %dma_start3A = arith.constant 0 : i32
      %dma_start3A_14 = arith.constant 0 : i32
      %dma_start3A_15 = arith.constant 0 : i32
      %dma_start3A_16 = tpu.memref_slice %arg2[%dma_start3A, %add3A_13, %dma_start3A_14, %dma_start3A_15] : memref<91x784x8x100xf32, #tpu.memory_space<hbm>> -> memref<91x1x8x100xf32, #tpu.memory_space<hbm>>
      %dma_start3A_17 = tpu.memref_squeeze %dma_start3A_16 : memref<91x1x8x100xf32, #tpu.memory_space<hbm>> -> memref<91x8x100xf32, #tpu.memory_space<hbm>>
      %dma_start3A_18 = arith.constant 0 : i32
      %dma_start3A_19 = arith.constant 0 : i32
      %dma_start3A_20 = arith.constant 0 : i32
      %dma_start3A_21 = tpu.memref_slice %arg2[%dma_start3A_18, %add3A_13, %dma_start3A_19, %dma_start3A_20] : memref<91x784x8x100xf32, #tpu.memory_space<hbm>> -> memref<91x1x8x100xf32, #tpu.memory_space<hbm>>
      %dma_start3A_22 = tpu.memref_squeeze %dma_start3A_21 : memref<91x1x8x100xf32, #tpu.memory_space<hbm>> -> memref<91x8x100xf32, #tpu.memory_space<hbm>>
      tpu.enqueue_dma source(%dma_start3A_22 : memref<91x8x100xf32, #tpu.memory_space<hbm>>) target(%arg6 : memref<91x8x100xf32, #tpu.memory_space<vmem>>) target_semaphore(%arg8 : memref<!tpu.dma_semaphore, #tpu.memory_space<semaphore_mem>>)
      %dma_wait3A = arith.constant 0 : i32
      %dma_wait3A_23 = arith.constant 0 : i32
      %dma_wait3A_24 = arith.constant 0 : i32
      %dma_wait3A_25 = tpu.memref_slice %arg2[%dma_wait3A, %add3A_13, %dma_wait3A_23, %dma_wait3A_24] : memref<91x784x8x100xf32, #tpu.memory_space<hbm>> -> memref<91x1x8x100xf32, #tpu.memory_space<hbm>>
      %dma_wait3A_26 = tpu.memref_squeeze %dma_wait3A_25 : memref<91x1x8x100xf32, #tpu.memory_space<hbm>> -> memref<91x8x100xf32, #tpu.memory_space<hbm>>
      %dma_wait3A_27 = arith.constant 0 : i32
      %dma_wait3A_28 = arith.constant 0 : i32
      %dma_wait3A_29 = arith.constant 0 : i32
      %dma_wait3A_30 = tpu.memref_slice %arg2[%dma_wait3A_27, %add3A_13, %dma_wait3A_28, %dma_wait3A_29] : memref<91x784x8x100xf32, #tpu.memory_space<hbm>> -> memref<91x1x8x100xf32, #tpu.memory_space<hbm>>
      %dma_wait3A_31 = tpu.memref_squeeze %dma_wait3A_30 : memref<91x1x8x100xf32, #tpu.memory_space<hbm>> -> memref<91x8x100xf32, #tpu.memory_space<hbm>>
      tpu.wait_dma2 semaphore(%arg8 : memref<!tpu.dma_semaphore, #tpu.memory_space<semaphore_mem>>) src(%dma_wait3A_31 : memref<91x8x100xf32, #tpu.memory_space<hbm>>) dst(%arg6 : memref<91x8x100xf32, #tpu.memory_space<vmem>>)
      %mul3A_32 = arith.constant 0 : i32
      %mul3A_33 = vector.broadcast %mul3A_32 : i32 to vector<16xi32>
      %mul3A_34 = arith.muli %iota3A, %mul3A_33 : vector<16xi32>
      %add3A_35 = vector.broadcast %scan3A_9 : i32 to vector<16xi32>
      %add3A_36 = arith.addi %mul3A_34, %add3A_35 : vector<16xi32>
      %add3A_37 = arith.constant 0 : i32
      %add3A_38 = vector.broadcast %add3A_37 : i32 to vector<16xi32>
      %add3A_39 = arith.addi %iota3A, %add3A_38 : vector<16xi32>
      %ge3A = arith.constant 100 : i32
      %ge3A_40 = vector.broadcast %ge3A : i32 to vector<16xi32>
      %ge3A_41 = arith.cmpi sge, %add3A_39, %ge3A_40 : vector<16xi32>
      %jit3A = arith.constant 1 : i32
      %jit3A_42 = arith.constant 0 : i32
      %broadcast_in_dim3A = vector.broadcast %jit3A : i32 to vector<16xi32>
      %broadcast_in_dim3A_43 = vector.broadcast %jit3A_42 : i32 to vector<16xi32>
      %select_n3A = arith.select %ge3A_41, %broadcast_in_dim3A, %broadcast_in_dim3A_43 : vector<16xi1>, vector<16xi32>
      %mul3A_44 = arith.constant 100 : i32
      %mul3A_45 = vector.broadcast %mul3A_44 : i32 to vector<16xi32>
      %mul3A_46 = arith.muli %select_n3A, %mul3A_45 : vector<16xi32>
      %sub3A = arith.subi %add3A_39, %mul3A_46 : vector<16xi32>
      %get3A = arith.constant 0 : index
      %get3A_47 = tpu.vector_load %arg5[%get3A] {strides = array<i32>} : memref<800xi32, #tpu.memory_space<vmem>>, vector<16xi32>,
      %gather3A = tpu.vector_load_idx %arg6[%get3A_47, %select_n3A, %sub3A] : memref<91x8x100xf32, #tpu.memory_space<vmem>>[vector<16xi32>, vector<16xi32>, vector<16xi32>], vector<16xf32>,
      tpu.vector_store_idx %arg7[%add3A_36, %select_n3A, %sub3A], %gather3A : memref<14x8x100xf32, #tpu.memory_space<vmem>>[vector<16xi32>, vector<16xi32>, vector<16xi32>], vector<16xf32>,
      %add3A_48 = arith.constant 16 : i32
      %add3A_49 = vector.broadcast %add3A_48 : i32 to vector<16xi32>
      %add3A_50 = arith.addi %iota3A, %add3A_49 : vector<16xi32>
      %ge3A_51 = arith.constant 100 : i32
      %ge3A_52 = vector.broadcast %ge3A_51 : i32 to vector<16xi32>
      %ge3A_53 = arith.cmpi sge, %add3A_50, %ge3A_52 : vector<16xi32>
      %jit3A_54 = arith.constant 1 : i32
      %jit3A_55 = arith.constant 0 : i32
      %broadcast_in_dim3A_56 = vector.broadcast %jit3A_54 : i32 to vector<16xi32>
      %broadcast_in_dim3A_57 = vector.broadcast %jit3A_55 : i32 to vector<16xi32>
      %select_n3A_58 = arith.select %ge3A_53, %broadcast_in_dim3A_56, %broadcast_in_dim3A_57 : vector<16xi1>, vector<16xi32>
      %mul3A_59 = arith.constant 100 : i32
      %mul3A_60 = vector.broadcast %mul3A_59 : i32 to vector<16xi32>
      %mul3A_61 = arith.muli %select_n3A_58, %mul3A_60 : vector<16xi32>
      %sub3A_62 = arith.subi %add3A_50, %mul3A_61 : vector<16xi32>
      %get3A_63 = arith.constant 16 : index
      %get3A_64 = tpu.vector_load %arg5[%get3A_63] {strides = array<i32>} : memref<800xi32, #tpu.memory_space<vmem>>, vector<16xi32>,
      %gather3A_65 = tpu.vector_load_idx %arg6[%get3A_64, %select_n3A_58, %sub3A_62] : memref<91x8x100xf32, #tpu.memory_space<vmem>>[vector<16xi32>, vector<16xi32>, vector<16xi32>], vector<16xf32>,
      tpu.vector_store_idx %arg7[%add3A_36, %select_n3A_58, %sub3A_62], %gather3A_65 : memref<14x8x100xf32, #tpu.memory_space<vmem>>[vector<16xi32>, vector<16xi32>, vector<16xi32>], vector<16xf32>,
      %add3A_66 = arith.constant 32 : i32
      %add3A_67 = vector.broadcast %add3A_66 : i32 to vector<16xi32>
      %add3A_68 = arith.addi %iota3A, %add3A_67 : vector<16xi32>
      %ge3A_69 = arith.constant 100 : i32
      %ge3A_70 = vector.broadcast %ge3A_69 : i32 to vector<16xi32>
      %ge3A_71 = arith.cmpi sge, %add3A_68, %ge3A_70 : vector<16xi32>
      %jit3A_72 = arith.constant 1 : i32
      %jit3A_73 = arith.constant 0 : i32
      %broadcast_in_dim3A_74 = vector.broadcast %jit3A_72 : i32 to vector<16xi32>
      %broadcast_in_dim3A_75 = vector.broadcast %jit3A_73 : i32 to vector<16xi32>
      %select_n3A_76 = arith.select %ge3A_71, %broadcast_in_dim3A_74, %broadcast_in_dim3A_75 : vector<16xi1>, vector<16xi32>
      %mul3A_77 = arith.constant 100 : i32
      %mul3A_78 = vector.broadcast %mul3A_77 : i32 to vector<16xi32>
      %mul3A_79 = arith.muli %select_n3A_76, %mul3A_78 : vector<16xi32>
      %sub3A_80 = arith.subi %add3A_68, %mul3A_79 : vector<16xi32>
      %get3A_81 = arith.constant 32 : index
      %get3A_82 = tpu.vector_load %arg5[%get3A_81] {strides = array<i32>} : memref<800xi32, #tpu.memory_space<vmem>>, vector<16xi32>,
      %gather3A_83 = tpu.vector_load_idx %arg6[%get3A_82, %select_n3A_76, %sub3A_80] : memref<91x8x100xf32, #tpu.memory_space<vmem>>[vector<16xi32>, vector<16xi32>, vector<16xi32>], vector<16xf32>,
      tpu.vector_store_idx %arg7[%add3A_36, %select_n3A_76, %sub3A_80], %gather3A_83 : memref<14x8x100xf32, #tpu.memory_space<vmem>>[vector<16xi32>, vector<16xi32>, vector<16xi32>], vector<16xf32>,
      %add3A_84 = arith.constant 48 : i32
      %add3A_85 = vector.broadcast %add3A_84 : i32 to vector<16xi32>
      %add3A_86 = arith.addi %iota3A, %add3A_85 : vector<16xi32>
      %ge3A_87 = arith.constant 100 : i32
      %ge3A_88 = vector.broadcast %ge3A_87 : i32 to vector<16xi32>
      %ge3A_89 = arith.cmpi sge, %add3A_86, %ge3A_88 : vector<16xi32>
      %jit3A_90 = arith.constant 1 : i32
      %jit3A_91 = arith.constant 0 : i32
      %broadcast_in_dim3A_92 = vector.broadcast %jit3A_90 : i32 to vector<16xi32>
      %broadcast_in_dim3A_93 = vector.broadcast %jit3A_91 : i32 to vector<16xi32>
      %select_n3A_94 = arith.select %ge3A_89, %broadcast_in_dim3A_92, %broadcast_in_dim3A_93 : vector<16xi1>, vector<16xi32>
      %mul3A_95 = arith.constant 100 : i32
      %mul3A_96 = vector.broadcast %mul3A_95 : i32 to vector<16xi32>
      %mul3A_97 = arith.muli %select_n3A_94, %mul3A_96 : vector<16xi32>
      %sub3A_98 = arith.subi %add3A_86, %mul3A_97 : vector<16xi32>
      %get3A_99 = arith.constant 48 : index
      %get3A_100 = tpu.vector_load %arg5[%get3A_99] {strides = array<i32>} : memref<800xi32, #tpu.memory_space<vmem>>, vector<16xi32>,
      %gather3A_101 = tpu.vector_load_idx %arg6[%get3A_100, %select_n3A_94, %sub3A_98] : memref<91x8x100xf32, #tpu.memory_space<vmem>>[vector<16xi32>, vector<16xi32>, vector<16xi32>], vector<16xf32>,
      tpu.vector_store_idx %arg7[%add3A_36, %select_n3A_94, %sub3A_98], %gather3A_101 : memref<14x8x100xf32, #tpu.memory_space<vmem>>[vector<16xi32>, vector<16xi32>, vector<16xi32>], vector<16xf32>,
      %add3A_102 = arith.constant 64 : i32
      %add3A_103 = vector.broadcast %add3A_102 : i32 to vector<16xi32>
      %add3A_104 = arith.addi %iota3A, %add3A_103 : vector<16xi32>
      %ge3A_105 = arith.constant 100 : i32
      %ge3A_106 = vector.broadcast %ge3A_105 : i32 to vector<16xi32>
      %ge3A_107 = arith.cmpi sge, %add3A_104, %ge3A_106 : vector<16xi32>
      %jit3A_108 = arith.constant 1 : i32
      %jit3A_109 = arith.constant 0 : i32
      %broadcast_in_dim3A_110 = vector.broadcast %jit3A_108 : i32 to vector<16xi32>
      %broadcast_in_dim3A_111 = vector.broadcast %jit3A_109 : i32 to vector<16xi32>
      %select_n3A_112 = arith.select %ge3A_107, %broadcast_in_dim3A_110, %broadcast_in_dim3A_111 : vector<16xi1>, vector<16xi32>
      %mul3A_113 = arith.constant 100 : i32
      %mul3A_114 = vector.broadcast %mul3A_113 : i32 to vector<16xi32>
      %mul3A_115 = arith.muli %select_n3A_112, %mul3A_114 : vector<16xi32>
      %sub3A_116 = arith.subi %add3A_104, %mul3A_115 : vector<16xi32>
      %get3A_117 = arith.constant 64 : index
      %get3A_118 = tpu.vector_load %arg5[%get3A_117] {strides = array<i32>} : memref<800xi32, #tpu.memory_space<vmem>>, vector<16xi32>,
      %gather3A_119 = tpu.vector_load_idx %arg6[%get3A_118, %select_n3A_112, %sub3A_116] : memref<91x8x100xf32, #tpu.memory_space<vmem>>[vector<16xi32>, vector<16xi32>, vector<16xi32>], vector<16xf32>,
      tpu.vector_store_idx %arg7[%add3A_36, %select_n3A_112, %sub3A_116], %gather3A_119 : memref<14x8x100xf32, #tpu.memory_space<vmem>>[vector<16xi32>, vector<16xi32>, vector<16xi32>], vector<16xf32>,
      %add3A_120 = arith.constant 80 : i32
      %add3A_121 = vector.broadcast %add3A_120 : i32 to vector<16xi32>
      %add3A_122 = arith.addi %iota3A, %add3A_121 : vector<16xi32>
      %ge3A_123 = arith.constant 100 : i32
      %ge3A_124 = vector.broadcast %ge3A_123 : i32 to vector<16xi32>
      %ge3A_125 = arith.cmpi sge, %add3A_122, %ge3A_124 : vector<16xi32>
      %jit3A_126 = arith.constant 1 : i32
      %jit3A_127 = arith.constant 0 : i32
      %broadcast_in_dim3A_128 = vector.broadcast %jit3A_126 : i32 to vector<16xi32>
      %broadcast_in_dim3A_129 = vector.broadcast %jit3A_127 : i32 to vector<16xi32>
      %select_n3A_130 = arith.select %ge3A_125, %broadcast_in_dim3A_128, %broadcast_in_dim3A_129 : vector<16xi1>, vector<16xi32>
      %mul3A_131 = arith.constant 100 : i32
      %mul3A_132 = vector.broadcast %mul3A_131 : i32 to vector<16xi32>
      %mul3A_133 = arith.muli %select_n3A_130, %mul3A_132 : vector<16xi32>
      %sub3A_134 = arith.subi %add3A_122, %mul3A_133 : vector<16xi32>
      %get3A_135 = arith.constant 80 : index
      %get3A_136 = tpu.vector_load %arg5[%get3A_135] {strides = array<i32>} : memref<800xi32, #tpu.memory_space<vmem>>, vector<16xi32>,
      %gather3A_137 = tpu.vector_load_idx %arg6[%get3A_136, %select_n3A_130, %sub3A_134] : memref<91x8x100xf32, #tpu.memory_space<vmem>>[vector<16xi32>, vector<16xi32>, vector<16xi32>], vector<16xf32>,
      tpu.vector_store_idx %arg7[%add3A_36, %select_n3A_130, %sub3A_134], %gather3A_137 : memref<14x8x100xf32, #tpu.memory_space<vmem>>[vector<16xi32>, vector<16xi32>, vector<16xi32>], vector<16xf32>,
      %add3A_138 = arith.constant 96 : i32
      %add3A_139 = vector.broadcast %add3A_138 : i32 to vector<16xi32>
      %add3A_140 = arith.addi %iota3A, %add3A_139 : vector<16xi32>
      %ge3A_141 = arith.constant 100 : i32
      %ge3A_142 = vector.broadcast %ge3A_141 : i32 to vector<16xi32>
      %ge3A_143 = arith.cmpi sge, %add3A_140, %ge3A_142 : vector<16xi32>
      %jit3A_144 = arith.constant 1 : i32
      %jit3A_145 = arith.constant 0 : i32
      %broadcast_in_dim3A_146 = vector.broadcast %jit3A_144 : i32 to vector<16xi32>
      %broadcast_in_dim3A_147 = vector.broadcast %jit3A_145 : i32 to vector<16xi32>
      %select_n3A_148 = arith.select %ge3A_143, %broadcast_in_dim3A_146, %broadcast_in_dim3A_147 : vector<16xi1>, vector<16xi32>
      %mul3A_149 = arith.constant 100 : i32
      %mul3A_150 = vector.broadcast %mul3A_149 : i32 to vector<16xi32>
      %mul3A_151 = arith.muli %select_n3A_148, %mul3A_150 : vector<16xi32>
      %sub3A_152 = arith.subi %add3A_140, %mul3A_151 : vector<16xi32>
      %get3A_153 = arith.constant 96 : index
      %get3A_154 = tpu.vector_load %arg5[%get3A_153] {strides = array<i32>} : memref<800xi32, #tpu.memory_space<vmem>>, vector<16xi32>,
      %gather3A_155 = tpu.vector_load_idx %arg6[%get3A_154, %select_n3A_148, %sub3A_152] : memref<91x8x100xf32, #tpu.memory_space<vmem>>[vector<16xi32>, vector<16xi32>, vector<16xi32>], vector<16xf32>,
      tpu.vector_store_idx %arg7[%add3A_36, %select_n3A_148, %sub3A_152], %gather3A_155 : memref<14x8x100xf32, #tpu.memory_space<vmem>>[vector<16xi32>, vector<16xi32>, vector<16xi32>], vector<16xf32>,
      %add3A_156 = arith.constant 112 : i32
      %add3A_157 = vector.broadcast %add3A_156 : i32 to vector<16xi32>
      %add3A_158 = arith.addi %iota3A, %add3A_157 : vector<16xi32>
      %ge3A_159 = arith.constant 200 : i32
      %ge3A_160 = vector.broadcast %ge3A_159 : i32 to vector<16xi32>
      %ge3A_161 = arith.cmpi sge, %add3A_158, %ge3A_160 : vector<16xi32>
      %jit3A_162 = arith.constant 2 : i32
      %jit3A_163 = arith.constant 1 : i32
      %broadcast_in_dim3A_164 = vector.broadcast %jit3A_162 : i32 to vector<16xi32>
      %broadcast_in_dim3A_165 = vector.broadcast %jit3A_163 : i32 to vector<16xi32>
      %select_n3A_166 = arith.select %ge3A_161, %broadcast_in_dim3A_164, %broadcast_in_dim3A_165 : vector<16xi1>, vector<16xi32>
      %mul3A_167 = arith.constant 100 : i32
      %mul3A_168 = vector.broadcast %mul3A_167 : i32 to vector<16xi32>
      %mul3A_169 = arith.muli %select_n3A_166, %mul3A_168 : vector<16xi32>
      %sub3A_170 = arith.subi %add3A_158, %mul3A_169 : vector<16xi32>
      %get3A_171 = arith.constant 112 : index
      %get3A_172 = tpu.vector_load %arg5[%get3A_171] {strides = array<i32>} : memref<800xi32, #tpu.memory_space<vmem>>, vector<16xi32>,
      %gather3A_173 = tpu.vector_load_idx %arg6[%get3A_172, %select_n3A_166, %sub3A_170] : memref<91x8x100xf32, #tpu.memory_space<vmem>>[vector<16xi32>, vector<16xi32>, vector<16xi32>], vector<16xf32>,
      tpu.vector_store_idx %arg7[%add3A_36, %select_n3A_166, %sub3A_170], %gather3A_173 : memref<14x8x100xf32, #tpu.memory_space<vmem>>[vector<16xi32>, vector<16xi32>, vector<16xi32>], vector<16xf32>,
      %add3A_174 = arith.constant 128 : i32
      %add3A_175 = vector.broadcast %add3A_174 : i32 to vector<16xi32>
      %add3A_176 = arith.addi %iota3A, %add3A_175 : vector<16xi32>
      %ge3A_177 = arith.constant 200 : i32
      %ge3A_178 = vector.broadcast %ge3A_177 : i32 to vector<16xi32>
      %ge3A_179 = arith.cmpi sge, %add3A_176, %ge3A_178 : vector<16xi32>
      %jit3A_180 = arith.constant 2 : i32
      %jit3A_181 = arith.constant 1 : i32
      %broadcast_in_dim3A_182 = vector.broadcast %jit3A_180 : i32 to vector<16xi32>
      %broadcast_in_dim3A_183 = vector.broadcast %jit3A_181 : i32 to vector<16xi32>
      %select_n3A_184 = arith.select %ge3A_179, %broadcast_in_dim3A_182, %broadcast_in_dim3A_183 : vector<16xi1>, vector<16xi32>
      %mul3A_185 = arith.constant 100 : i32
      %mul3A_186 = vector.broadcast %mul3A_185 : i32 to vector<16xi32>
      %mul3A_187 = arith.muli %select_n3A_184, %mul3A_186 : vector<16xi32>
      %sub3A_188 = arith.subi %add3A_176, %mul3A_187 : vector<16xi32>
      %get3A_189 = arith.constant 128 : index
      %get3A_190 = tpu.vector_load %arg5[%get3A_189] {strides = array<i32>} : memref<800xi32, #tpu.memory_space<vmem>>, vector<16xi32>,
      %gather3A_191 = tpu.vector_load_idx %arg6[%get3A_190, %select_n3A_184, %sub3A_188] : memref<91x8x100xf32, #tpu.memory_space<vmem>>[vector<16xi32>, vector<16xi32>, vector<16xi32>], vector<16xf32>,
      tpu.vector_store_idx %arg7[%add3A_36, %select_n3A_184, %sub3A_188], %gather3A_191 : memref<14x8x100xf32, #tpu.memory_space<vmem>>[vector<16xi32>, vector<16xi32>, vector<16xi32>], vector<16xf32>,
      %add3A_192 = arith.constant 144 : i32
      %add3A_193 = vector.broadcast %add3A_192 : i32 to vector<16xi32>
      %add3A_194 = arith.addi %iota3A, %add3A_193 : vector<16xi32>
      %ge3A_195 = arith.constant 200 : i32
      %ge3A_196 = vector.broadcast %ge3A_195 : i32 to vector<16xi32>
      %ge3A_197 = arith.cmpi sge, %add3A_194, %ge3A_196 : vector<16xi32>
      %jit3A_198 = arith.constant 2 : i32
      %jit3A_199 = arith.constant 1 : i32
      %broadcast_in_dim3A_200 = vector.broadcast %jit3A_198 : i32 to vector<16xi32>
      %broadcast_in_dim3A_201 = vector.broadcast %jit3A_199 : i32 to vector<16xi32>
      %select_n3A_202 = arith.select %ge3A_197, %broadcast_in_dim3A_200, %broadcast_in_dim3A_201 : vector<16xi1>, vector<16xi32>
      %mul3A_203 = arith.constant 100 : i32
      %mul3A_204 = vector.broadcast %mul3A_203 : i32 to vector<16xi32>
      %mul3A_205 = arith.muli %select_n3A_202, %mul3A_204 : vector<16xi32>
      %sub3A_206 = arith.subi %add3A_194, %mul3A_205 : vector<16xi32>
      %get3A_207 = arith.constant 144 : index
      %get3A_208 = tpu.vector_load %arg5[%get3A_207] {strides = array<i32>} : memref<800xi32, #tpu.memory_space<vmem>>, vector<16xi32>,
      %gather3A_209 = tpu.vector_load_idx %arg6[%get3A_208, %select_n3A_202, %sub3A_206] : memref<91x8x100xf32, #tpu.memory_space<vmem>>[vector<16xi32>, vector<16xi32>, vector<16xi32>], vector<16xf32>,
      tpu.vector_store_idx %arg7[%add3A_36, %select_n3A_202, %sub3A_206], %gather3A_209 : memref<14x8x100xf32, #tpu.memory_space<vmem>>[vector<16xi32>, vector<16xi32>, vector<16xi32>], vector<16xf32>,
      %add3A_210 = arith.constant 160 : i32
      %add3A_211 = vector.broadcast %add3A_210 : i32 to vector<16xi32>
      %add3A_212 = arith.addi %iota3A, %add3A_211 : vector<16xi32>
      %ge3A_213 = arith.constant 200 : i32
      %ge3A_214 = vector.broadcast %ge3A_213 : i32 to vector<16xi32>
      %ge3A_215 = arith.cmpi sge, %add3A_212, %ge3A_214 : vector<16xi32>
      %jit3A_216 = arith.constant 2 : i32
      %jit3A_217 = arith.constant 1 : i32
      %broadcast_in_dim3A_218 = vector.broadcast %jit3A_216 : i32 to vector<16xi32>
      %broadcast_in_dim3A_219 = vector.broadcast %jit3A_217 : i32 to vector<16xi32>
      %select_n3A_220 = arith.select %ge3A_215, %broadcast_in_dim3A_218, %broadcast_in_dim3A_219 : vector<16xi1>, vector<16xi32>
      %mul3A_221 = arith.constant 100 : i32
      %mul3A_222 = vector.broadcast %mul3A_221 : i32 to vector<16xi32>
      %mul3A_223 = arith.muli %select_n3A_220, %mul3A_222 : vector<16xi32>
      %sub3A_224 = arith.subi %add3A_212, %mul3A_223 : vector<16xi32>
      %get3A_225 = arith.constant 160 : index
      %get3A_226 = tpu.vector_load %arg5[%get3A_225] {strides = array<i32>} : memref<800xi32, #tpu.memory_space<vmem>>, vector<16xi32>,
      %gather3A_227 = tpu.vector_load_idx %arg6[%get3A_226, %select_n3A_220, %sub3A_224] : memref<91x8x100xf32, #tpu.memory_space<vmem>>[vector<16xi32>, vector<16xi32>, vector<16xi32>], vector<16xf32>,
      tpu.vector_store_idx %arg7[%add3A_36, %select_n3A_220, %sub3A_224], %gather3A_227 : memref<14x8x100xf32, #tpu.memory_space<vmem>>[vector<16xi32>, vector<16xi32>, vector<16xi32>], vector<16xf32>,
      %add3A_228 = arith.constant 176 : i32
      %add3A_229 = vector.broadcast %add3A_228 : i32 to vector<16xi32>
      %add3A_230 = arith.addi %iota3A, %add3A_229 : vector<16xi32>
      %ge3A_231 = arith.constant 200 : i32
      %ge3A_232 = vector.broadcast %ge3A_231 : i32 to vector<16xi32>
      %ge3A_233 = arith.cmpi sge, %add3A_230, %ge3A_232 : vector<16xi32>
      %jit3A_234 = arith.constant 2 : i32
      %jit3A_235 = arith.constant 1 : i32
      %broadcast_in_dim3A_236 = vector.broadcast %jit3A_234 : i32 to vector<16xi32>
      %broadcast_in_dim3A_237 = vector.broadcast %jit3A_235 : i32 to vector<16xi32>
      %select_n3A_238 = arith.select %ge3A_233, %broadcast_in_dim3A_236, %broadcast_in_dim3A_237 : vector<16xi1>, vector<16xi32>
      %mul3A_239 = arith.constant 100 : i32
      %mul3A_240 = vector.broadcast %mul3A_239 : i32 to vector<16xi32>
      %mul3A_241 = arith.muli %select_n3A_238, %mul3A_240 : vector<16xi32>
      %sub3A_242 = arith.subi %add3A_230, %mul3A_241 : vector<16xi32>
      %get3A_243 = arith.constant 176 : index
      %get3A_244 = tpu.vector_load %arg5[%get3A_243] {strides = array<i32>} : memref<800xi32, #tpu.memory_space<vmem>>, vector<16xi32>,
      %gather3A_245 = tpu.vector_load_idx %arg6[%get3A_244, %select_n3A_238, %sub3A_242] : memref<91x8x100xf32, #tpu.memory_space<vmem>>[vector<16xi32>, vector<16xi32>, vector<16xi32>], vector<16xf32>,
      tpu.vector_store_idx %arg7[%add3A_36, %select_n3A_238, %sub3A_242], %gather3A_245 : memref<14x8x100xf32, #tpu.memory_space<vmem>>[vector<16xi32>, vector<16xi32>, vector<16xi32>], vector<16xf32>,
      %add3A_246 = arith.constant 192 : i32
      %add3A_247 = vector.broadcast %add3A_246 : i32 to vector<16xi32>
      %add3A_248 = arith.addi %iota3A, %add3A_247 : vector<16xi32>
      %ge3A_249 = arith.constant 200 : i32
      %ge3A_250 = vector.broadcast %ge3A_249 : i32 to vector<16xi32>
      %ge3A_251 = arith.cmpi sge, %add3A_248, %ge3A_250 : vector<16xi32>
      %jit3A_252 = arith.constant 2 : i32
      %jit3A_253 = arith.constant 1 : i32
      %broadcast_in_dim3A_254 = vector.broadcast %jit3A_252 : i32 to vector<16xi32>
      %broadcast_in_dim3A_255 = vector.broadcast %jit3A_253 : i32 to vector<16xi32>
      %select_n3A_256 = arith.select %ge3A_251, %broadcast_in_dim3A_254, %broadcast_in_dim3A_255 : vector<16xi1>, vector<16xi32>
      %mul3A_257 = arith.constant 100 : i32
      %mul3A_258 = vector.broadcast %mul3A_257 : i32 to vector<16xi32>
      %mul3A_259 = arith.muli %select_n3A_256, %mul3A_258 : vector<16xi32>
      %sub3A_260 = arith.subi %add3A_248, %mul3A_259 : vector<16xi32>
      %get3A_261 = arith.constant 192 : index
      %get3A_262 = tpu.vector_load %arg5[%get3A_261] {strides = array<i32>} : memref<800xi32, #tpu.memory_space<vmem>>, vector<16xi32>,
      %gather3A_263 = tpu.vector_load_idx %arg6[%get3A_262, %select_n3A_256, %sub3A_260] : memref<91x8x100xf32, #tpu.memory_space<vmem>>[vector<16xi32>, vector<16xi32>, vector<16xi32>], vector<16xf32>,
      tpu.vector_store_idx %arg7[%add3A_36, %select_n3A_256, %sub3A_260], %gather3A_263 : memref<14x8x100xf32, #tpu.memory_space<vmem>>[vector<16xi32>, vector<16xi32>, vector<16xi32>], vector<16xf32>,
      %add3A_264 = arith.constant 208 : i32
      %add3A_265 = vector.broadcast %add3A_264 : i32 to vector<16xi32>
      %add3A_266 = arith.addi %iota3A, %add3A_265 : vector<16xi32>
      %ge3A_267 = arith.constant 300 : i32
      %ge3A_268 = vector.broadcast %ge3A_267 : i32 to vector<16xi32>
      %ge3A_269 = arith.cmpi sge, %add3A_266, %ge3A_268 : vector<16xi32>
      %jit3A_270 = arith.constant 3 : i32
      %jit3A_271 = arith.constant 2 : i32
      %broadcast_in_dim3A_272 = vector.broadcast %jit3A_270 : i32 to vector<16xi32>
      %broadcast_in_dim3A_273 = vector.broadcast %jit3A_271 : i32 to vector<16xi32>
      %select_n3A_274 = arith.select %ge3A_269, %broadcast_in_dim3A_272, %broadcast_in_dim3A_273 : vector<16xi1>, vector<16xi32>
      %mul3A_275 = arith.constant 100 : i32
      %mul3A_276 = vector.broadcast %mul3A_275 : i32 to vector<16xi32>
      %mul3A_277 = arith.muli %select_n3A_274, %mul3A_276 : vector<16xi32>
      %sub3A_278 = arith.subi %add3A_266, %mul3A_277 : vector<16xi32>
      %get3A_279 = arith.constant 208 : index
      %get3A_280 = tpu.vector_load %arg5[%get3A_279] {strides = array<i32>} : memref<800xi32, #tpu.memory_space<vmem>>, vector<16xi32>,
      %gather3A_281 = tpu.vector_load_idx %arg6[%get3A_280, %select_n3A_274, %sub3A_278] : memref<91x8x100xf32, #tpu.memory_space<vmem>>[vector<16xi32>, vector<16xi32>, vector<16xi32>], vector<16xf32>,
      tpu.vector_store_idx %arg7[%add3A_36, %select_n3A_274, %sub3A_278], %gather3A_281 : memref<14x8x100xf32, #tpu.memory_space<vmem>>[vector<16xi32>, vector<16xi32>, vector<16xi32>], vector<16xf32>,
      %add3A_282 = arith.constant 224 : i32
      %add3A_283 = vector.broadcast %add3A_282 : i32 to vector<16xi32>
      %add3A_284 = arith.addi %iota3A, %add3A_283 : vector<16xi32>
      %ge3A_285 = arith.constant 300 : i32
      %ge3A_286 = vector.broadcast %ge3A_285 : i32 to vector<16xi32>
      %ge3A_287 = arith.cmpi sge, %add3A_284, %ge3A_286 : vector<16xi32>
      %jit3A_288 = arith.constant 3 : i32
      %jit3A_289 = arith.constant 2 : i32
      %broadcast_in_dim3A_290 = vector.broadcast %jit3A_288 : i32 to vector<16xi32>
      %broadcast_in_dim3A_291 = vector.broadcast %jit3A_289 : i32 to vector<16xi32>
      %select_n3A_292 = arith.select %ge3A_287, %broadcast_in_dim3A_290, %broadcast_in_dim3A_291 : vector<16xi1>, vector<16xi32>
      %mul3A_293 = arith.constant 100 : i32
      %mul3A_294 = vector.broadcast %mul3A_293 : i32 to vector<16xi32>
      %mul3A_295 = arith.muli %select_n3A_292, %mul3A_294 : vector<16xi32>
      %sub3A_296 = arith.subi %add3A_284, %mul3A_295 : vector<16xi32>
      %get3A_297 = arith.constant 224 : index
      %get3A_298 = tpu.vector_load %arg5[%get3A_297] {strides = array<i32>} : memref<800xi32, #tpu.memory_space<vmem>>, vector<16xi32>,
      %gather3A_299 = tpu.vector_load_idx %arg6[%get3A_298, %select_n3A_292, %sub3A_296] : memref<91x8x100xf32, #tpu.memory_space<vmem>>[vector<16xi32>, vector<16xi32>, vector<16xi32>], vector<16xf32>,
      tpu.vector_store_idx %arg7[%add3A_36, %select_n3A_292, %sub3A_296], %gather3A_299 : memref<14x8x100xf32, #tpu.memory_space<vmem>>[vector<16xi32>, vector<16xi32>, vector<16xi32>], vector<16xf32>,
      %add3A_300 = arith.constant 240 : i32
      %add3A_301 = vector.broadcast %add3A_300 : i32 to vector<16xi32>
      %add3A_302 = arith.addi %iota3A, %add3A_301 : vector<16xi32>
      %ge3A_303 = arith.constant 300 : i32
      %ge3A_304 = vector.broadcast %ge3A_303 : i32 to vector<16xi32>
      %ge3A_305 = arith.cmpi sge, %add3A_302, %ge3A_304 : vector<16xi32>
      %jit3A_306 = arith.constant 3 : i32
      %jit3A_307 = arith.constant 2 : i32
      %broadcast_in_dim3A_308 = vector.broadcast %jit3A_306 : i32 to vector<16xi32>
      %broadcast_in_dim3A_309 = vector.broadcast %jit3A_307 : i32 to vector<16xi32>
      %select_n3A_310 = arith.select %ge3A_305, %broadcast_in_dim3A_308, %broadcast_in_dim3A_309 : vector<16xi1>, vector<16xi32>
      %mul3A_311 = arith.constant 100 : i32
      %mul3A_312 = vector.broadcast %mul3A_311 : i32 to vector<16xi32>
      %mul3A_313 = arith.muli %select_n3A_310, %mul3A_312 : vector<16xi32>
      %sub3A_314 = arith.subi %add3A_302, %mul3A_313 : vector<16xi32>
      %get3A_315 = arith.constant 240 : index
      %get3A_316 = tpu.vector_load %arg5[%get3A_315] {strides = array<i32>} : memref<800xi32, #tpu.memory_space<vmem>>, vector<16xi32>,
      %gather3A_317 = tpu.vector_load_idx %arg6[%get3A_316, %select_n3A_310, %sub3A_314] : memref<91x8x100xf32, #tpu.memory_space<vmem>>[vector<16xi32>, vector<16xi32>, vector<16xi32>], vector<16xf32>,
      tpu.vector_store_idx %arg7[%add3A_36, %select_n3A_310, %sub3A_314], %gather3A_317 : memref<14x8x100xf32, #tpu.memory_space<vmem>>[vector<16xi32>, vector<16xi32>, vector<16xi32>], vector<16xf32>,
      %add3A_318 = arith.constant 256 : i32
      %add3A_319 = vector.broadcast %add3A_318 : i32 to vector<16xi32>
      %add3A_320 = arith.addi %iota3A, %add3A_319 : vector<16xi32>
      %ge3A_321 = arith.constant 300 : i32
      %ge3A_322 = vector.broadcast %ge3A_321 : i32 to vector<16xi32>
      %ge3A_323 = arith.cmpi sge, %add3A_320, %ge3A_322 : vector<16xi32>
      %jit3A_324 = arith.constant 3 : i32
      %jit3A_325 = arith.constant 2 : i32
      %broadcast_in_dim3A_326 = vector.broadcast %jit3A_324 : i32 to vector<16xi32>
      %broadcast_in_dim3A_327 = vector.broadcast %jit3A_325 : i32 to vector<16xi32>
      %select_n3A_328 = arith.select %ge3A_323, %broadcast_in_dim3A_326, %broadcast_in_dim3A_327 : vector<16xi1>, vector<16xi32>
      %mul3A_329 = arith.constant 100 : i32
      %mul3A_330 = vector.broadcast %mul3A_329 : i32 to vector<16xi32>
      %mul3A_331 = arith.muli %select_n3A_328, %mul3A_330 : vector<16xi32>
      %sub3A_332 = arith.subi %add3A_320, %mul3A_331 : vector<16xi32>
      %get3A_333 = arith.constant 256 : index
      %get3A_334 = tpu.vector_load %arg5[%get3A_333] {strides = array<i32>} : memref<800xi32, #tpu.memory_space<vmem>>, vector<16xi32>,
      %gather3A_335 = tpu.vector_load_idx %arg6[%get3A_334, %select_n3A_328, %sub3A_332] : memref<91x8x100xf32, #tpu.memory_space<vmem>>[vector<16xi32>, vector<16xi32>, vector<16xi32>], vector<16xf32>,
      tpu.vector_store_idx %arg7[%add3A_36, %select_n3A_328, %sub3A_332], %gather3A_335 : memref<14x8x100xf32, #tpu.memory_space<vmem>>[vector<16xi32>, vector<16xi32>, vector<16xi32>], vector<16xf32>,
      %add3A_336 = arith.constant 272 : i32
      %add3A_337 = vector.broadcast %add3A_336 : i32 to vector<16xi32>
      %add3A_338 = arith.addi %iota3A, %add3A_337 : vector<16xi32>
      %ge3A_339 = arith.constant 300 : i32
      %ge3A_340 = vector.broadcast %ge3A_339 : i32 to vector<16xi32>
      %ge3A_341 = arith.cmpi sge, %add3A_338, %ge3A_340 : vector<16xi32>
      %jit3A_342 = arith.constant 3 : i32
      %jit3A_343 = arith.constant 2 : i32
      %broadcast_in_dim3A_344 = vector.broadcast %jit3A_342 : i32 to vector<16xi32>
      %broadcast_in_dim3A_345 = vector.broadcast %jit3A_343 : i32 to vector<16xi32>
      %select_n3A_346 = arith.select %ge3A_341, %broadcast_in_dim3A_344, %broadcast_in_dim3A_345 : vector<16xi1>, vector<16xi32>
      %mul3A_347 = arith.constant 100 : i32
      %mul3A_348 = vector.broadcast %mul3A_347 : i32 to vector<16xi32>
      %mul3A_349 = arith.muli %select_n3A_346, %mul3A_348 : vector<16xi32>
      %sub3A_350 = arith.subi %add3A_338, %mul3A_349 : vector<16xi32>
      %get3A_351 = arith.constant 272 : index
      %get3A_352 = tpu.vector_load %arg5[%get3A_351] {strides = array<i32>} : memref<800xi32, #tpu.memory_space<vmem>>, vector<16xi32>,
      %gather3A_353 = tpu.vector_load_idx %arg6[%get3A_352, %select_n3A_346, %sub3A_350] : memref<91x8x100xf32, #tpu.memory_space<vmem>>[vector<16xi32>, vector<16xi32>, vector<16xi32>], vector<16xf32>,
      tpu.vector_store_idx %arg7[%add3A_36, %select_n3A_346, %sub3A_350], %gather3A_353 : memref<14x8x100xf32, #tpu.memory_space<vmem>>[vector<16xi32>, vector<16xi32>, vector<16xi32>], vector<16xf32>,
      %add3A_354 = arith.constant 288 : i32
      %add3A_355 = vector.broadcast %add3A_354 : i32 to vector<16xi32>
      %add3A_356 = arith.addi %iota3A, %add3A_355 : vector<16xi32>
      %ge3A_357 = arith.constant 300 : i32
      %ge3A_358 = vector.broadcast %ge3A_357 : i32 to vector<16xi32>
      %ge3A_359 = arith.cmpi sge, %add3A_356, %ge3A_358 : vector<16xi32>
      %jit3A_360 = arith.constant 3 : i32
      %jit3A_361 = arith.constant 2 : i32
      %broadcast_in_dim3A_362 = vector.broadcast %jit3A_360 : i32 to vector<16xi32>
      %broadcast_in_dim3A_363 = vector.broadcast %jit3A_361 : i32 to vector<16xi32>
      %select_n3A_364 = arith.select %ge3A_359, %broadcast_in_dim3A_362, %broadcast_in_dim3A_363 : vector<16xi1>, vector<16xi32>
      %mul3A_365 = arith.constant 100 : i32
      %mul3A_366 = vector.broadcast %mul3A_365 : i32 to vector<16xi32>
      %mul3A_367 = arith.muli %select_n3A_364, %mul3A_366 : vector<16xi32>
      %sub3A_368 = arith.subi %add3A_356, %mul3A_367 : vector<16xi32>
      %get3A_369 = arith.constant 288 : index
      %get3A_370 = tpu.vector_load %arg5[%get3A_369] {strides = array<i32>} : memref<800xi32, #tpu.memory_space<vmem>>, vector<16xi32>,
      %gather3A_371 = tpu.vector_load_idx %arg6[%get3A_370, %select_n3A_364, %sub3A_368] : memref<91x8x100xf32, #tpu.memory_space<vmem>>[vector<16xi32>, vector<16xi32>, vector<16xi32>], vector<16xf32>,
      tpu.vector_store_idx %arg7[%add3A_36, %select_n3A_364, %sub3A_368], %gather3A_371 : memref<14x8x100xf32, #tpu.memory_space<vmem>>[vector<16xi32>, vector<16xi32>, vector<16xi32>], vector<16xf32>,
      %add3A_372 = arith.constant 304 : i32
      %add3A_373 = vector.broadcast %add3A_372 : i32 to vector<16xi32>
      %add3A_374 = arith.addi %iota3A, %add3A_373 : vector<16xi32>
      %ge3A_375 = arith.constant 400 : i32
      %ge3A_376 = vector.broadcast %ge3A_375 : i32 to vector<16xi32>
      %ge3A_377 = arith.cmpi sge, %add3A_374, %ge3A_376 : vector<16xi32>
      %jit3A_378 = arith.constant 4 : i32
      %jit3A_379 = arith.constant 3 : i32
      %broadcast_in_dim3A_380 = vector.broadcast %jit3A_378 : i32 to vector<16xi32>
      %broadcast_in_dim3A_381 = vector.broadcast %jit3A_379 : i32 to vector<16xi32>
      %select_n3A_382 = arith.select %ge3A_377, %broadcast_in_dim3A_380, %broadcast_in_dim3A_381 : vector<16xi1>, vector<16xi32>
      %mul3A_383 = arith.constant 100 : i32
      %mul3A_384 = vector.broadcast %mul3A_383 : i32 to vector<16xi32>
      %mul3A_385 = arith.muli %select_n3A_382, %mul3A_384 : vector<16xi32>
      %sub3A_386 = arith.subi %add3A_374, %mul3A_385 : vector<16xi32>
      %get3A_387 = arith.constant 304 : index
      %get3A_388 = tpu.vector_load %arg5[%get3A_387] {strides = array<i32>} : memref<800xi32, #tpu.memory_space<vmem>>, vector<16xi32>,
      %gather3A_389 = tpu.vector_load_idx %arg6[%get3A_388, %select_n3A_382, %sub3A_386] : memref<91x8x100xf32, #tpu.memory_space<vmem>>[vector<16xi32>, vector<16xi32>, vector<16xi32>], vector<16xf32>,
      tpu.vector_store_idx %arg7[%add3A_36, %select_n3A_382, %sub3A_386], %gather3A_389 : memref<14x8x100xf32, #tpu.memory_space<vmem>>[vector<16xi32>, vector<16xi32>, vector<16xi32>], vector<16xf32>,
      %add3A_390 = arith.constant 320 : i32
      %add3A_391 = vector.broadcast %add3A_390 : i32 to vector<16xi32>
      %add3A_392 = arith.addi %iota3A, %add3A_391 : vector<16xi32>
      %ge3A_393 = arith.constant 400 : i32
      %ge3A_394 = vector.broadcast %ge3A_393 : i32 to vector<16xi32>
      %ge3A_395 = arith.cmpi sge, %add3A_392, %ge3A_394 : vector<16xi32>
      %jit3A_396 = arith.constant 4 : i32
      %jit3A_397 = arith.constant 3 : i32
      %broadcast_in_dim3A_398 = vector.broadcast %jit3A_396 : i32 to vector<16xi32>
      %broadcast_in_dim3A_399 = vector.broadcast %jit3A_397 : i32 to vector<16xi32>
      %select_n3A_400 = arith.select %ge3A_395, %broadcast_in_dim3A_398, %broadcast_in_dim3A_399 : vector<16xi1>, vector<16xi32>
      %mul3A_401 = arith.constant 100 : i32
      %mul3A_402 = vector.broadcast %mul3A_401 : i32 to vector<16xi32>
      %mul3A_403 = arith.muli %select_n3A_400, %mul3A_402 : vector<16xi32>
      %sub3A_404 = arith.subi %add3A_392, %mul3A_403 : vector<16xi32>
      %get3A_405 = arith.constant 320 : index
      %get3A_406 = tpu.vector_load %arg5[%get3A_405] {strides = array<i32>} : memref<800xi32, #tpu.memory_space<vmem>>, vector<16xi32>,
      %gather3A_407 = tpu.vector_load_idx %arg6[%get3A_406, %select_n3A_400, %sub3A_404] : memref<91x8x100xf32, #tpu.memory_space<vmem>>[vector<16xi32>, vector<16xi32>, vector<16xi32>], vector<16xf32>,
      tpu.vector_store_idx %arg7[%add3A_36, %select_n3A_400, %sub3A_404], %gather3A_407 : memref<14x8x100xf32, #tpu.memory_space<vmem>>[vector<16xi32>, vector<16xi32>, vector<16xi32>], vector<16xf32>,
      %add3A_408 = arith.constant 336 : i32
      %add3A_409 = vector.broadcast %add3A_408 : i32 to vector<16xi32>
      %add3A_410 = arith.addi %iota3A, %add3A_409 : vector<16xi32>
      %ge3A_411 = arith.constant 400 : i32
      %ge3A_412 = vector.broadcast %ge3A_411 : i32 to vector<16xi32>
      %ge3A_413 = arith.cmpi sge, %add3A_410, %ge3A_412 : vector<16xi32>
      %jit3A_414 = arith.constant 4 : i32
      %jit3A_415 = arith.constant 3 : i32
      %broadcast_in_dim3A_416 = vector.broadcast %jit3A_414 : i32 to vector<16xi32>
      %broadcast_in_dim3A_417 = vector.broadcast %jit3A_415 : i32 to vector<16xi32>
      %select_n3A_418 = arith.select %ge3A_413, %broadcast_in_dim3A_416, %broadcast_in_dim3A_417 : vector<16xi1>, vector<16xi32>
      %mul3A_419 = arith.constant 100 : i32
      %mul3A_420 = vector.broadcast %mul3A_419 : i32 to vector<16xi32>
      %mul3A_421 = arith.muli %select_n3A_418, %mul3A_420 : vector<16xi32>
      %sub3A_422 = arith.subi %add3A_410, %mul3A_421 : vector<16xi32>
      %get3A_423 = arith.constant 336 : index
      %get3A_424 = tpu.vector_load %arg5[%get3A_423] {strides = array<i32>} : memref<800xi32, #tpu.memory_space<vmem>>, vector<16xi32>,
      %gather3A_425 = tpu.vector_load_idx %arg6[%get3A_424, %select_n3A_418, %sub3A_422] : memref<91x8x100xf32, #tpu.memory_space<vmem>>[vector<16xi32>, vector<16xi32>, vector<16xi32>], vector<16xf32>,
      tpu.vector_store_idx %arg7[%add3A_36, %select_n3A_418, %sub3A_422], %gather3A_425 : memref<14x8x100xf32, #tpu.memory_space<vmem>>[vector<16xi32>, vector<16xi32>, vector<16xi32>], vector<16xf32>,
      %add3A_426 = arith.constant 352 : i32
      %add3A_427 = vector.broadcast %add3A_426 : i32 to vector<16xi32>
      %add3A_428 = arith.addi %iota3A, %add3A_427 : vector<16xi32>
      %ge3A_429 = arith.constant 400 : i32
      %ge3A_430 = vector.broadcast %ge3A_429 : i32 to vector<16xi32>
      %ge3A_431 = arith.cmpi sge, %add3A_428, %ge3A_430 : vector<16xi32>
      %jit3A_432 = arith.constant 4 : i32
      %jit3A_433 = arith.constant 3 : i32
      %broadcast_in_dim3A_434 = vector.broadcast %jit3A_432 : i32 to vector<16xi32>
      %broadcast_in_dim3A_435 = vector.broadcast %jit3A_433 : i32 to vector<16xi32>
      %select_n3A_436 = arith.select %ge3A_431, %broadcast_in_dim3A_434, %broadcast_in_dim3A_435 : vector<16xi1>, vector<16xi32>
      %mul3A_437 = arith.constant 100 : i32
      %mul3A_438 = vector.broadcast %mul3A_437 : i32 to vector<16xi32>
      %mul3A_439 = arith.muli %select_n3A_436, %mul3A_438 : vector<16xi32>
      %sub3A_440 = arith.subi %add3A_428, %mul3A_439 : vector<16xi32>
      %get3A_441 = arith.constant 352 : index
      %get3A_442 = tpu.vector_load %arg5[%get3A_441] {strides = array<i32>} : memref<800xi32, #tpu.memory_space<vmem>>, vector<16xi32>,
      %gather3A_443 = tpu.vector_load_idx %arg6[%get3A_442, %select_n3A_436, %sub3A_440] : memref<91x8x100xf32, #tpu.memory_space<vmem>>[vector<16xi32>, vector<16xi32>, vector<16xi32>], vector<16xf32>,
      tpu.vector_store_idx %arg7[%add3A_36, %select_n3A_436, %sub3A_440], %gather3A_443 : memref<14x8x100xf32, #tpu.memory_space<vmem>>[vector<16xi32>, vector<16xi32>, vector<16xi32>], vector<16xf32>,
      %add3A_444 = arith.constant 368 : i32
      %add3A_445 = vector.broadcast %add3A_444 : i32 to vector<16xi32>
      %add3A_446 = arith.addi %iota3A, %add3A_445 : vector<16xi32>
      %ge3A_447 = arith.constant 400 : i32
      %ge3A_448 = vector.broadcast %ge3A_447 : i32 to vector<16xi32>
      %ge3A_449 = arith.cmpi sge, %add3A_446, %ge3A_448 : vector<16xi32>
      %jit3A_450 = arith.constant 4 : i32
      %jit3A_451 = arith.constant 3 : i32
      %broadcast_in_dim3A_452 = vector.broadcast %jit3A_450 : i32 to vector<16xi32>
      %broadcast_in_dim3A_453 = vector.broadcast %jit3A_451 : i32 to vector<16xi32>
      %select_n3A_454 = arith.select %ge3A_449, %broadcast_in_dim3A_452, %broadcast_in_dim3A_453 : vector<16xi1>, vector<16xi32>
      %mul3A_455 = arith.constant 100 : i32
      %mul3A_456 = vector.broadcast %mul3A_455 : i32 to vector<16xi32>
      %mul3A_457 = arith.muli %select_n3A_454, %mul3A_456 : vector<16xi32>
      %sub3A_458 = arith.subi %add3A_446, %mul3A_457 : vector<16xi32>
      %get3A_459 = arith.constant 368 : index
      %get3A_460 = tpu.vector_load %arg5[%get3A_459] {strides = array<i32>} : memref<800xi32, #tpu.memory_space<vmem>>, vector<16xi32>,
      %gather3A_461 = tpu.vector_load_idx %arg6[%get3A_460, %select_n3A_454, %sub3A_458] : memref<91x8x100xf32, #tpu.memory_space<vmem>>[vector<16xi32>, vector<16xi32>, vector<16xi32>], vector<16xf32>,
      tpu.vector_store_idx %arg7[%add3A_36, %select_n3A_454, %sub3A_458], %gather3A_461 : memref<14x8x100xf32, #tpu.memory_space<vmem>>[vector<16xi32>, vector<16xi32>, vector<16xi32>], vector<16xf32>,
      %add3A_462 = arith.constant 384 : i32
      %add3A_463 = vector.broadcast %add3A_462 : i32 to vector<16xi32>
      %add3A_464 = arith.addi %iota3A, %add3A_463 : vector<16xi32>
      %ge3A_465 = arith.constant 400 : i32
      %ge3A_466 = vector.broadcast %ge3A_465 : i32 to vector<16xi32>
      %ge3A_467 = arith.cmpi sge, %add3A_464, %ge3A_466 : vector<16xi32>
      %jit3A_468 = arith.constant 4 : i32
      %jit3A_469 = arith.constant 3 : i32
      %broadcast_in_dim3A_470 = vector.broadcast %jit3A_468 : i32 to vector<16xi32>
      %broadcast_in_dim3A_471 = vector.broadcast %jit3A_469 : i32 to vector<16xi32>
      %select_n3A_472 = arith.select %ge3A_467, %broadcast_in_dim3A_470, %broadcast_in_dim3A_471 : vector<16xi1>, vector<16xi32>
      %mul3A_473 = arith.constant 100 : i32
      %mul3A_474 = vector.broadcast %mul3A_473 : i32 to vector<16xi32>
      %mul3A_475 = arith.muli %select_n3A_472, %mul3A_474 : vector<16xi32>
      %sub3A_476 = arith.subi %add3A_464, %mul3A_475 : vector<16xi32>
      %get3A_477 = arith.constant 384 : index
      %get3A_478 = tpu.vector_load %arg5[%get3A_477] {strides = array<i32>} : memref<800xi32, #tpu.memory_space<vmem>>, vector<16xi32>,
      %gather3A_479 = tpu.vector_load_idx %arg6[%get3A_478, %select_n3A_472, %sub3A_476] : memref<91x8x100xf32, #tpu.memory_space<vmem>>[vector<16xi32>, vector<16xi32>, vector<16xi32>], vector<16xf32>,
      tpu.vector_store_idx %arg7[%add3A_36, %select_n3A_472, %sub3A_476], %gather3A_479 : memref<14x8x100xf32, #tpu.memory_space<vmem>>[vector<16xi32>, vector<16xi32>, vector<16xi32>], vector<16xf32>,
      %add3A_480 = arith.constant 400 : i32
      %add3A_481 = vector.broadcast %add3A_480 : i32 to vector<16xi32>
      %add3A_482 = arith.addi %iota3A, %add3A_481 : vector<16xi32>
      %ge3A_483 = arith.constant 500 : i32
      %ge3A_484 = vector.broadcast %ge3A_483 : i32 to vector<16xi32>
      %ge3A_485 = arith.cmpi sge, %add3A_482, %ge3A_484 : vector<16xi32>
      %jit3A_486 = arith.constant 5 : i32
      %jit3A_487 = arith.constant 4 : i32
      %broadcast_in_dim3A_488 = vector.broadcast %jit3A_486 : i32 to vector<16xi32>
      %broadcast_in_dim3A_489 = vector.broadcast %jit3A_487 : i32 to vector<16xi32>
      %select_n3A_490 = arith.select %ge3A_485, %broadcast_in_dim3A_488, %broadcast_in_dim3A_489 : vector<16xi1>, vector<16xi32>
      %mul3A_491 = arith.constant 100 : i32
      %mul3A_492 = vector.broadcast %mul3A_491 : i32 to vector<16xi32>
      %mul3A_493 = arith.muli %select_n3A_490, %mul3A_492 : vector<16xi32>
      %sub3A_494 = arith.subi %add3A_482, %mul3A_493 : vector<16xi32>
      %get3A_495 = arith.constant 400 : index
      %get3A_496 = tpu.vector_load %arg5[%get3A_495] {strides = array<i32>} : memref<800xi32, #tpu.memory_space<vmem>>, vector<16xi32>,
      %gather3A_497 = tpu.vector_load_idx %arg6[%get3A_496, %select_n3A_490, %sub3A_494] : memref<91x8x100xf32, #tpu.memory_space<vmem>>[vector<16xi32>, vector<16xi32>, vector<16xi32>], vector<16xf32>,
      tpu.vector_store_idx %arg7[%add3A_36, %select_n3A_490, %sub3A_494], %gather3A_497 : memref<14x8x100xf32, #tpu.memory_space<vmem>>[vector<16xi32>, vector<16xi32>, vector<16xi32>], vector<16xf32>,
      %add3A_498 = arith.constant 416 : i32
      %add3A_499 = vector.broadcast %add3A_498 : i32 to vector<16xi32>
      %add3A_500 = arith.addi %iota3A, %add3A_499 : vector<16xi32>
      %ge3A_501 = arith.constant 500 : i32
      %ge3A_502 = vector.broadcast %ge3A_501 : i32 to vector<16xi32>
      %ge3A_503 = arith.cmpi sge, %add3A_500, %ge3A_502 : vector<16xi32>
      %jit3A_504 = arith.constant 5 : i32
      %jit3A_505 = arith.constant 4 : i32
      %broadcast_in_dim3A_506 = vector.broadcast %jit3A_504 : i32 to vector<16xi32>
      %broadcast_in_dim3A_507 = vector.broadcast %jit3A_505 : i32 to vector<16xi32>
      %select_n3A_508 = arith.select %ge3A_503, %broadcast_in_dim3A_506, %broadcast_in_dim3A_507 : vector<16xi1>, vector<16xi32>
      %mul3A_509 = arith.constant 100 : i32
      %mul3A_510 = vector.broadcast %mul3A_509 : i32 to vector<16xi32>
      %mul3A_511 = arith.muli %select_n3A_508, %mul3A_510 : vector<16xi32>
      %sub3A_512 = arith.subi %add3A_500, %mul3A_511 : vector<16xi32>
      %get3A_513 = arith.constant 416 : index
      %get3A_514 = tpu.vector_load %arg5[%get3A_513] {strides = array<i32>} : memref<800xi32, #tpu.memory_space<vmem>>, vector<16xi32>,
      %gather3A_515 = tpu.vector_load_idx %arg6[%get3A_514, %select_n3A_508, %sub3A_512] : memref<91x8x100xf32, #tpu.memory_space<vmem>>[vector<16xi32>, vector<16xi32>, vector<16xi32>], vector<16xf32>,
      tpu.vector_store_idx %arg7[%add3A_36, %select_n3A_508, %sub3A_512], %gather3A_515 : memref<14x8x100xf32, #tpu.memory_space<vmem>>[vector<16xi32>, vector<16xi32>, vector<16xi32>], vector<16xf32>,
      %add3A_516 = arith.constant 432 : i32
      %add3A_517 = vector.broadcast %add3A_516 : i32 to vector<16xi32>
      %add3A_518 = arith.addi %iota3A, %add3A_517 : vector<16xi32>
      %ge3A_519 = arith.constant 500 : i32
      %ge3A_520 = vector.broadcast %ge3A_519 : i32 to vector<16xi32>
      %ge3A_521 = arith.cmpi sge, %add3A_518, %ge3A_520 : vector<16xi32>
      %jit3A_522 = arith.constant 5 : i32
      %jit3A_523 = arith.constant 4 : i32
      %broadcast_in_dim3A_524 = vector.broadcast %jit3A_522 : i32 to vector<16xi32>
      %broadcast_in_dim3A_525 = vector.broadcast %jit3A_523 : i32 to vector<16xi32>
      %select_n3A_526 = arith.select %ge3A_521, %broadcast_in_dim3A_524, %broadcast_in_dim3A_525 : vector<16xi1>, vector<16xi32>
      %mul3A_527 = arith.constant 100 : i32
      %mul3A_528 = vector.broadcast %mul3A_527 : i32 to vector<16xi32>
      %mul3A_529 = arith.muli %select_n3A_526, %mul3A_528 : vector<16xi32>
      %sub3A_530 = arith.subi %add3A_518, %mul3A_529 : vector<16xi32>
      %get3A_531 = arith.constant 432 : index
      %get3A_532 = tpu.vector_load %arg5[%get3A_531] {strides = array<i32>} : memref<800xi32, #tpu.memory_space<vmem>>, vector<16xi32>,
      %gather3A_533 = tpu.vector_load_idx %arg6[%get3A_532, %select_n3A_526, %sub3A_530] : memref<91x8x100xf32, #tpu.memory_space<vmem>>[vector<16xi32>, vector<16xi32>, vector<16xi32>], vector<16xf32>,
      tpu.vector_store_idx %arg7[%add3A_36, %select_n3A_526, %sub3A_530], %gather3A_533 : memref<14x8x100xf32, #tpu.memory_space<vmem>>[vector<16xi32>, vector<16xi32>, vector<16xi32>], vector<16xf32>,
      %add3A_534 = arith.constant 448 : i32
      %add3A_535 = vector.broadcast %add3A_534 : i32 to vector<16xi32>
      %add3A_536 = arith.addi %iota3A, %add3A_535 : vector<16xi32>
      %ge3A_537 = arith.constant 500 : i32
      %ge3A_538 = vector.broadcast %ge3A_537 : i32 to vector<16xi32>
      %ge3A_539 = arith.cmpi sge, %add3A_536, %ge3A_538 : vector<16xi32>
      %jit3A_540 = arith.constant 5 : i32
      %jit3A_541 = arith.constant 4 : i32
      %broadcast_in_dim3A_542 = vector.broadcast %jit3A_540 : i32 to vector<16xi32>
      %broadcast_in_dim3A_543 = vector.broadcast %jit3A_541 : i32 to vector<16xi32>
      %select_n3A_544 = arith.select %ge3A_539, %broadcast_in_dim3A_542, %broadcast_in_dim3A_543 : vector<16xi1>, vector<16xi32>
      %mul3A_545 = arith.constant 100 : i32
      %mul3A_546 = vector.broadcast %mul3A_545 : i32 to vector<16xi32>
      %mul3A_547 = arith.muli %select_n3A_544, %mul3A_546 : vector<16xi32>
      %sub3A_548 = arith.subi %add3A_536, %mul3A_547 : vector<16xi32>
      %get3A_549 = arith.constant 448 : index
      %get3A_550 = tpu.vector_load %arg5[%get3A_549] {strides = array<i32>} : memref<800xi32, #tpu.memory_space<vmem>>, vector<16xi32>,
      %gather3A_551 = tpu.vector_load_idx %arg6[%get3A_550, %select_n3A_544, %sub3A_548] : memref<91x8x100xf32, #tpu.memory_space<vmem>>[vector<16xi32>, vector<16xi32>, vector<16xi32>], vector<16xf32>,
      tpu.vector_store_idx %arg7[%add3A_36, %select_n3A_544, %sub3A_548], %gather3A_551 : memref<14x8x100xf32, #tpu.memory_space<vmem>>[vector<16xi32>, vector<16xi32>, vector<16xi32>], vector<16xf32>,
      %add3A_552 = arith.constant 464 : i32
      %add3A_553 = vector.broadcast %add3A_552 : i32 to vector<16xi32>
      %add3A_554 = arith.addi %iota3A, %add3A_553 : vector<16xi32>
      %ge3A_555 = arith.constant 500 : i32
      %ge3A_556 = vector.broadcast %ge3A_555 : i32 to vector<16xi32>
      %ge3A_557 = arith.cmpi sge, %add3A_554, %ge3A_556 : vector<16xi32>
      %jit3A_558 = arith.constant 5 : i32
      %jit3A_559 = arith.constant 4 : i32
      %broadcast_in_dim3A_560 = vector.broadcast %jit3A_558 : i32 to vector<16xi32>
      %broadcast_in_dim3A_561 = vector.broadcast %jit3A_559 : i32 to vector<16xi32>
      %select_n3A_562 = arith.select %ge3A_557, %broadcast_in_dim3A_560, %broadcast_in_dim3A_561 : vector<16xi1>, vector<16xi32>
      %mul3A_563 = arith.constant 100 : i32
      %mul3A_564 = vector.broadcast %mul3A_563 : i32 to vector<16xi32>
      %mul3A_565 = arith.muli %select_n3A_562, %mul3A_564 : vector<16xi32>
      %sub3A_566 = arith.subi %add3A_554, %mul3A_565 : vector<16xi32>
      %get3A_567 = arith.constant 464 : index
      %get3A_568 = tpu.vector_load %arg5[%get3A_567] {strides = array<i32>} : memref<800xi32, #tpu.memory_space<vmem>>, vector<16xi32>,
      %gather3A_569 = tpu.vector_load_idx %arg6[%get3A_568, %select_n3A_562, %sub3A_566] : memref<91x8x100xf32, #tpu.memory_space<vmem>>[vector<16xi32>, vector<16xi32>, vector<16xi32>], vector<16xf32>,
      tpu.vector_store_idx %arg7[%add3A_36, %select_n3A_562, %sub3A_566], %gather3A_569 : memref<14x8x100xf32, #tpu.memory_space<vmem>>[vector<16xi32>, vector<16xi32>, vector<16xi32>], vector<16xf32>,
      %add3A_570 = arith.constant 480 : i32
      %add3A_571 = vector.broadcast %add3A_570 : i32 to vector<16xi32>
      %add3A_572 = arith.addi %iota3A, %add3A_571 : vector<16xi32>
      %ge3A_573 = arith.constant 500 : i32
      %ge3A_574 = vector.broadcast %ge3A_573 : i32 to vector<16xi32>
      %ge3A_575 = arith.cmpi sge, %add3A_572, %ge3A_574 : vector<16xi32>
      %jit3A_576 = arith.constant 5 : i32
      %jit3A_577 = arith.constant 4 : i32
      %broadcast_in_dim3A_578 = vector.broadcast %jit3A_576 : i32 to vector<16xi32>
      %broadcast_in_dim3A_579 = vector.broadcast %jit3A_577 : i32 to vector<16xi32>
      %select_n3A_580 = arith.select %ge3A_575, %broadcast_in_dim3A_578, %broadcast_in_dim3A_579 : vector<16xi1>, vector<16xi32>
      %mul3A_581 = arith.constant 100 : i32
      %mul3A_582 = vector.broadcast %mul3A_581 : i32 to vector<16xi32>
      %mul3A_583 = arith.muli %select_n3A_580, %mul3A_582 : vector<16xi32>
      %sub3A_584 = arith.subi %add3A_572, %mul3A_583 : vector<16xi32>
      %get3A_585 = arith.constant 480 : index
      %get3A_586 = tpu.vector_load %arg5[%get3A_585] {strides = array<i32>} : memref<800xi32, #tpu.memory_space<vmem>>, vector<16xi32>,
      %gather3A_587 = tpu.vector_load_idx %arg6[%get3A_586, %select_n3A_580, %sub3A_584] : memref<91x8x100xf32, #tpu.memory_space<vmem>>[vector<16xi32>, vector<16xi32>, vector<16xi32>], vector<16xf32>,
      tpu.vector_store_idx %arg7[%add3A_36, %select_n3A_580, %sub3A_584], %gather3A_587 : memref<14x8x100xf32, #tpu.memory_space<vmem>>[vector<16xi32>, vector<16xi32>, vector<16xi32>], vector<16xf32>,
      %add3A_588 = arith.constant 496 : i32
      %add3A_589 = vector.broadcast %add3A_588 : i32 to vector<16xi32>
      %add3A_590 = arith.addi %iota3A, %add3A_589 : vector<16xi32>
      %ge3A_591 = arith.constant 500 : i32
      %ge3A_592 = vector.broadcast %ge3A_591 : i32 to vector<16xi32>
      %ge3A_593 = arith.cmpi sge, %add3A_590, %ge3A_592 : vector<16xi32>
      %jit3A_594 = arith.constant 5 : i32
      %jit3A_595 = arith.constant 4 : i32
      %broadcast_in_dim3A_596 = vector.broadcast %jit3A_594 : i32 to vector<16xi32>
      %broadcast_in_dim3A_597 = vector.broadcast %jit3A_595 : i32 to vector<16xi32>
      %select_n3A_598 = arith.select %ge3A_593, %broadcast_in_dim3A_596, %broadcast_in_dim3A_597 : vector<16xi1>, vector<16xi32>
      %mul3A_599 = arith.constant 100 : i32
      %mul3A_600 = vector.broadcast %mul3A_599 : i32 to vector<16xi32>
      %mul3A_601 = arith.muli %select_n3A_598, %mul3A_600 : vector<16xi32>
      %sub3A_602 = arith.subi %add3A_590, %mul3A_601 : vector<16xi32>
      %get3A_603 = arith.constant 496 : index
      %get3A_604 = tpu.vector_load %arg5[%get3A_603] {strides = array<i32>} : memref<800xi32, #tpu.memory_space<vmem>>, vector<16xi32>,
      %gather3A_605 = tpu.vector_load_idx %arg6[%get3A_604, %select_n3A_598, %sub3A_602] : memref<91x8x100xf32, #tpu.memory_space<vmem>>[vector<16xi32>, vector<16xi32>, vector<16xi32>], vector<16xf32>,
      tpu.vector_store_idx %arg7[%add3A_36, %select_n3A_598, %sub3A_602], %gather3A_605 : memref<14x8x100xf32, #tpu.memory_space<vmem>>[vector<16xi32>, vector<16xi32>, vector<16xi32>], vector<16xf32>,
      %add3A_606 = arith.constant 512 : i32
      %add3A_607 = vector.broadcast %add3A_606 : i32 to vector<16xi32>
      %add3A_608 = arith.addi %iota3A, %add3A_607 : vector<16xi32>
      %ge3A_609 = arith.constant 600 : i32
      %ge3A_610 = vector.broadcast %ge3A_609 : i32 to vector<16xi32>
      %ge3A_611 = arith.cmpi sge, %add3A_608, %ge3A_610 : vector<16xi32>
      %jit3A_612 = arith.constant 6 : i32
      %jit3A_613 = arith.constant 5 : i32
      %broadcast_in_dim3A_614 = vector.broadcast %jit3A_612 : i32 to vector<16xi32>
      %broadcast_in_dim3A_615 = vector.broadcast %jit3A_613 : i32 to vector<16xi32>
      %select_n3A_616 = arith.select %ge3A_611, %broadcast_in_dim3A_614, %broadcast_in_dim3A_615 : vector<16xi1>, vector<16xi32>
      %mul3A_617 = arith.constant 100 : i32
      %mul3A_618 = vector.broadcast %mul3A_617 : i32 to vector<16xi32>
      %mul3A_619 = arith.muli %select_n3A_616, %mul3A_618 : vector<16xi32>
      %sub3A_620 = arith.subi %add3A_608, %mul3A_619 : vector<16xi32>
      %get3A_621 = arith.constant 512 : index
      %get3A_622 = tpu.vector_load %arg5[%get3A_621] {strides = array<i32>} : memref<800xi32, #tpu.memory_space<vmem>>, vector<16xi32>,
      %gather3A_623 = tpu.vector_load_idx %arg6[%get3A_622, %select_n3A_616, %sub3A_620] : memref<91x8x100xf32, #tpu.memory_space<vmem>>[vector<16xi32>, vector<16xi32>, vector<16xi32>], vector<16xf32>,
      tpu.vector_store_idx %arg7[%add3A_36, %select_n3A_616, %sub3A_620], %gather3A_623 : memref<14x8x100xf32, #tpu.memory_space<vmem>>[vector<16xi32>, vector<16xi32>, vector<16xi32>], vector<16xf32>,
      %add3A_624 = arith.constant 528 : i32
      %add3A_625 = vector.broadcast %add3A_624 : i32 to vector<16xi32>
      %add3A_626 = arith.addi %iota3A, %add3A_625 : vector<16xi32>
      %ge3A_627 = arith.constant 600 : i32
      %ge3A_628 = vector.broadcast %ge3A_627 : i32 to vector<16xi32>
      %ge3A_629 = arith.cmpi sge, %add3A_626, %ge3A_628 : vector<16xi32>
      %jit3A_630 = arith.constant 6 : i32
      %jit3A_631 = arith.constant 5 : i32
      %broadcast_in_dim3A_632 = vector.broadcast %jit3A_630 : i32 to vector<16xi32>
      %broadcast_in_dim3A_633 = vector.broadcast %jit3A_631 : i32 to vector<16xi32>
      %select_n3A_634 = arith.select %ge3A_629, %broadcast_in_dim3A_632, %broadcast_in_dim3A_633 : vector<16xi1>, vector<16xi32>
      %mul3A_635 = arith.constant 100 : i32
      %mul3A_636 = vector.broadcast %mul3A_635 : i32 to vector<16xi32>
      %mul3A_637 = arith.muli %select_n3A_634, %mul3A_636 : vector<16xi32>
      %sub3A_638 = arith.subi %add3A_626, %mul3A_637 : vector<16xi32>
      %get3A_639 = arith.constant 528 : index
      %get3A_640 = tpu.vector_load %arg5[%get3A_639] {strides = array<i32>} : memref<800xi32, #tpu.memory_space<vmem>>, vector<16xi32>,
      %gather3A_641 = tpu.vector_load_idx %arg6[%get3A_640, %select_n3A_634, %sub3A_638] : memref<91x8x100xf32, #tpu.memory_space<vmem>>[vector<16xi32>, vector<16xi32>, vector<16xi32>], vector<16xf32>,
      tpu.vector_store_idx %arg7[%add3A_36, %select_n3A_634, %sub3A_638], %gather3A_641 : memref<14x8x100xf32, #tpu.memory_space<vmem>>[vector<16xi32>, vector<16xi32>, vector<16xi32>], vector<16xf32>,
      %add3A_642 = arith.constant 544 : i32
      %add3A_643 = vector.broadcast %add3A_642 : i32 to vector<16xi32>
      %add3A_644 = arith.addi %iota3A, %add3A_643 : vector<16xi32>
      %ge3A_645 = arith.constant 600 : i32
      %ge3A_646 = vector.broadcast %ge3A_645 : i32 to vector<16xi32>
      %ge3A_647 = arith.cmpi sge, %add3A_644, %ge3A_646 : vector<16xi32>
      %jit3A_648 = arith.constant 6 : i32
      %jit3A_649 = arith.constant 5 : i32
      %broadcast_in_dim3A_650 = vector.broadcast %jit3A_648 : i32 to vector<16xi32>
      %broadcast_in_dim3A_651 = vector.broadcast %jit3A_649 : i32 to vector<16xi32>
      %select_n3A_652 = arith.select %ge3A_647, %broadcast_in_dim3A_650, %broadcast_in_dim3A_651 : vector<16xi1>, vector<16xi32>
      %mul3A_653 = arith.constant 100 : i32
      %mul3A_654 = vector.broadcast %mul3A_653 : i32 to vector<16xi32>
      %mul3A_655 = arith.muli %select_n3A_652, %mul3A_654 : vector<16xi32>
      %sub3A_656 = arith.subi %add3A_644, %mul3A_655 : vector<16xi32>
      %get3A_657 = arith.constant 544 : index
      %get3A_658 = tpu.vector_load %arg5[%get3A_657] {strides = array<i32>} : memref<800xi32, #tpu.memory_space<vmem>>, vector<16xi32>,
      %gather3A_659 = tpu.vector_load_idx %arg6[%get3A_658, %select_n3A_652, %sub3A_656] : memref<91x8x100xf32, #tpu.memory_space<vmem>>[vector<16xi32>, vector<16xi32>, vector<16xi32>], vector<16xf32>,
      tpu.vector_store_idx %arg7[%add3A_36, %select_n3A_652, %sub3A_656], %gather3A_659 : memref<14x8x100xf32, #tpu.memory_space<vmem>>[vector<16xi32>, vector<16xi32>, vector<16xi32>], vector<16xf32>,
      %add3A_660 = arith.constant 560 : i32
      %add3A_661 = vector.broadcast %add3A_660 : i32 to vector<16xi32>
      %add3A_662 = arith.addi %iota3A, %add3A_661 : vector<16xi32>
      %ge3A_663 = arith.constant 600 : i32
      %ge3A_664 = vector.broadcast %ge3A_663 : i32 to vector<16xi32>
      %ge3A_665 = arith.cmpi sge, %add3A_662, %ge3A_664 : vector<16xi32>
      %jit3A_666 = arith.constant 6 : i32
      %jit3A_667 = arith.constant 5 : i32
      %broadcast_in_dim3A_668 = vector.broadcast %jit3A_666 : i32 to vector<16xi32>
      %broadcast_in_dim3A_669 = vector.broadcast %jit3A_667 : i32 to vector<16xi32>
      %select_n3A_670 = arith.select %ge3A_665, %broadcast_in_dim3A_668, %broadcast_in_dim3A_669 : vector<16xi1>, vector<16xi32>
      %mul3A_671 = arith.constant 100 : i32
      %mul3A_672 = vector.broadcast %mul3A_671 : i32 to vector<16xi32>
      %mul3A_673 = arith.muli %select_n3A_670, %mul3A_672 : vector<16xi32>
      %sub3A_674 = arith.subi %add3A_662, %mul3A_673 : vector<16xi32>
      %get3A_675 = arith.constant 560 : index
      %get3A_676 = tpu.vector_load %arg5[%get3A_675] {strides = array<i32>} : memref<800xi32, #tpu.memory_space<vmem>>, vector<16xi32>,
      %gather3A_677 = tpu.vector_load_idx %arg6[%get3A_676, %select_n3A_670, %sub3A_674] : memref<91x8x100xf32, #tpu.memory_space<vmem>>[vector<16xi32>, vector<16xi32>, vector<16xi32>], vector<16xf32>,
      tpu.vector_store_idx %arg7[%add3A_36, %select_n3A_670, %sub3A_674], %gather3A_677 : memref<14x8x100xf32, #tpu.memory_space<vmem>>[vector<16xi32>, vector<16xi32>, vector<16xi32>], vector<16xf32>,
      %add3A_678 = arith.constant 576 : i32
      %add3A_679 = vector.broadcast %add3A_678 : i32 to vector<16xi32>
      %add3A_680 = arith.addi %iota3A, %add3A_679 : vector<16xi32>
      %ge3A_681 = arith.constant 600 : i32
      %ge3A_682 = vector.broadcast %ge3A_681 : i32 to vector<16xi32>
      %ge3A_683 = arith.cmpi sge, %add3A_680, %ge3A_682 : vector<16xi32>
      %jit3A_684 = arith.constant 6 : i32
      %jit3A_685 = arith.constant 5 : i32
      %broadcast_in_dim3A_686 = vector.broadcast %jit3A_684 : i32 to vector<16xi32>
      %broadcast_in_dim3A_687 = vector.broadcast %jit3A_685 : i32 to vector<16xi32>
      %select_n3A_688 = arith.select %ge3A_683, %broadcast_in_dim3A_686, %broadcast_in_dim3A_687 : vector<16xi1>, vector<16xi32>
      %mul3A_689 = arith.constant 100 : i32
      %mul3A_690 = vector.broadcast %mul3A_689 : i32 to vector<16xi32>
      %mul3A_691 = arith.muli %select_n3A_688, %mul3A_690 : vector<16xi32>
      %sub3A_692 = arith.subi %add3A_680, %mul3A_691 : vector<16xi32>
      %get3A_693 = arith.constant 576 : index
      %get3A_694 = tpu.vector_load %arg5[%get3A_693] {strides = array<i32>} : memref<800xi32, #tpu.memory_space<vmem>>, vector<16xi32>,
      %gather3A_695 = tpu.vector_load_idx %arg6[%get3A_694, %select_n3A_688, %sub3A_692] : memref<91x8x100xf32, #tpu.memory_space<vmem>>[vector<16xi32>, vector<16xi32>, vector<16xi32>], vector<16xf32>,
      tpu.vector_store_idx %arg7[%add3A_36, %select_n3A_688, %sub3A_692], %gather3A_695 : memref<14x8x100xf32, #tpu.memory_space<vmem>>[vector<16xi32>, vector<16xi32>, vector<16xi32>], vector<16xf32>,
      %add3A_696 = arith.constant 592 : i32
      %add3A_697 = vector.broadcast %add3A_696 : i32 to vector<16xi32>
      %add3A_698 = arith.addi %iota3A, %add3A_697 : vector<16xi32>
      %ge3A_699 = arith.constant 600 : i32
      %ge3A_700 = vector.broadcast %ge3A_699 : i32 to vector<16xi32>
      %ge3A_701 = arith.cmpi sge, %add3A_698, %ge3A_700 : vector<16xi32>
      %jit3A_702 = arith.constant 6 : i32
      %jit3A_703 = arith.constant 5 : i32
      %broadcast_in_dim3A_704 = vector.broadcast %jit3A_702 : i32 to vector<16xi32>
      %broadcast_in_dim3A_705 = vector.broadcast %jit3A_703 : i32 to vector<16xi32>
      %select_n3A_706 = arith.select %ge3A_701, %broadcast_in_dim3A_704, %broadcast_in_dim3A_705 : vector<16xi1>, vector<16xi32>
      %mul3A_707 = arith.constant 100 : i32
      %mul3A_708 = vector.broadcast %mul3A_707 : i32 to vector<16xi32>
      %mul3A_709 = arith.muli %select_n3A_706, %mul3A_708 : vector<16xi32>
      %sub3A_710 = arith.subi %add3A_698, %mul3A_709 : vector<16xi32>
      %get3A_711 = arith.constant 592 : index
      %get3A_712 = tpu.vector_load %arg5[%get3A_711] {strides = array<i32>} : memref<800xi32, #tpu.memory_space<vmem>>, vector<16xi32>,
      %gather3A_713 = tpu.vector_load_idx %arg6[%get3A_712, %select_n3A_706, %sub3A_710] : memref<91x8x100xf32, #tpu.memory_space<vmem>>[vector<16xi32>, vector<16xi32>, vector<16xi32>], vector<16xf32>,
      tpu.vector_store_idx %arg7[%add3A_36, %select_n3A_706, %sub3A_710], %gather3A_713 : memref<14x8x100xf32, #tpu.memory_space<vmem>>[vector<16xi32>, vector<16xi32>, vector<16xi32>], vector<16xf32>,
      %add3A_714 = arith.constant 608 : i32
      %add3A_715 = vector.broadcast %add3A_714 : i32 to vector<16xi32>
      %add3A_716 = arith.addi %iota3A, %add3A_715 : vector<16xi32>
      %ge3A_717 = arith.constant 700 : i32
      %ge3A_718 = vector.broadcast %ge3A_717 : i32 to vector<16xi32>
      %ge3A_719 = arith.cmpi sge, %add3A_716, %ge3A_718 : vector<16xi32>
      %jit3A_720 = arith.constant 7 : i32
      %jit3A_721 = arith.constant 6 : i32
      %broadcast_in_dim3A_722 = vector.broadcast %jit3A_720 : i32 to vector<16xi32>
      %broadcast_in_dim3A_723 = vector.broadcast %jit3A_721 : i32 to vector<16xi32>
      %select_n3A_724 = arith.select %ge3A_719, %broadcast_in_dim3A_722, %broadcast_in_dim3A_723 : vector<16xi1>, vector<16xi32>
      %mul3A_725 = arith.constant 100 : i32
      %mul3A_726 = vector.broadcast %mul3A_725 : i32 to vector<16xi32>
      %mul3A_727 = arith.muli %select_n3A_724, %mul3A_726 : vector<16xi32>
      %sub3A_728 = arith.subi %add3A_716, %mul3A_727 : vector<16xi32>
      %get3A_729 = arith.constant 608 : index
      %get3A_730 = tpu.vector_load %arg5[%get3A_729] {strides = array<i32>} : memref<800xi32, #tpu.memory_space<vmem>>, vector<16xi32>,
      %gather3A_731 = tpu.vector_load_idx %arg6[%get3A_730, %select_n3A_724, %sub3A_728] : memref<91x8x100xf32, #tpu.memory_space<vmem>>[vector<16xi32>, vector<16xi32>, vector<16xi32>], vector<16xf32>,
      tpu.vector_store_idx %arg7[%add3A_36, %select_n3A_724, %sub3A_728], %gather3A_731 : memref<14x8x100xf32, #tpu.memory_space<vmem>>[vector<16xi32>, vector<16xi32>, vector<16xi32>], vector<16xf32>,
      %add3A_732 = arith.constant 624 : i32
      %add3A_733 = vector.broadcast %add3A_732 : i32 to vector<16xi32>
      %add3A_734 = arith.addi %iota3A, %add3A_733 : vector<16xi32>
      %ge3A_735 = arith.constant 700 : i32
      %ge3A_736 = vector.broadcast %ge3A_735 : i32 to vector<16xi32>
      %ge3A_737 = arith.cmpi sge, %add3A_734, %ge3A_736 : vector<16xi32>
      %jit3A_738 = arith.constant 7 : i32
      %jit3A_739 = arith.constant 6 : i32
      %broadcast_in_dim3A_740 = vector.broadcast %jit3A_738 : i32 to vector<16xi32>
      %broadcast_in_dim3A_741 = vector.broadcast %jit3A_739 : i32 to vector<16xi32>
      %select_n3A_742 = arith.select %ge3A_737, %broadcast_in_dim3A_740, %broadcast_in_dim3A_741 : vector<16xi1>, vector<16xi32>
      %mul3A_743 = arith.constant 100 : i32
      %mul3A_744 = vector.broadcast %mul3A_743 : i32 to vector<16xi32>
      %mul3A_745 = arith.muli %select_n3A_742, %mul3A_744 : vector<16xi32>
      %sub3A_746 = arith.subi %add3A_734, %mul3A_745 : vector<16xi32>
      %get3A_747 = arith.constant 624 : index
      %get3A_748 = tpu.vector_load %arg5[%get3A_747] {strides = array<i32>} : memref<800xi32, #tpu.memory_space<vmem>>, vector<16xi32>,
      %gather3A_749 = tpu.vector_load_idx %arg6[%get3A_748, %select_n3A_742, %sub3A_746] : memref<91x8x100xf32, #tpu.memory_space<vmem>>[vector<16xi32>, vector<16xi32>, vector<16xi32>], vector<16xf32>,
      tpu.vector_store_idx %arg7[%add3A_36, %select_n3A_742, %sub3A_746], %gather3A_749 : memref<14x8x100xf32, #tpu.memory_space<vmem>>[vector<16xi32>, vector<16xi32>, vector<16xi32>], vector<16xf32>,
      %add3A_750 = arith.constant 640 : i32
      %add3A_751 = vector.broadcast %add3A_750 : i32 to vector<16xi32>
      %add3A_752 = arith.addi %iota3A, %add3A_751 : vector<16xi32>
      %ge3A_753 = arith.constant 700 : i32
      %ge3A_754 = vector.broadcast %ge3A_753 : i32 to vector<16xi32>
      %ge3A_755 = arith.cmpi sge, %add3A_752, %ge3A_754 : vector<16xi32>
      %jit3A_756 = arith.constant 7 : i32
      %jit3A_757 = arith.constant 6 : i32
      %broadcast_in_dim3A_758 = vector.broadcast %jit3A_756 : i32 to vector<16xi32>
      %broadcast_in_dim3A_759 = vector.broadcast %jit3A_757 : i32 to vector<16xi32>
      %select_n3A_760 = arith.select %ge3A_755, %broadcast_in_dim3A_758, %broadcast_in_dim3A_759 : vector<16xi1>, vector<16xi32>
      %mul3A_761 = arith.constant 100 : i32
      %mul3A_762 = vector.broadcast %mul3A_761 : i32 to vector<16xi32>
      %mul3A_763 = arith.muli %select_n3A_760, %mul3A_762 : vector<16xi32>
      %sub3A_764 = arith.subi %add3A_752, %mul3A_763 : vector<16xi32>
      %get3A_765 = arith.constant 640 : index
      %get3A_766 = tpu.vector_load %arg5[%get3A_765] {strides = array<i32>} : memref<800xi32, #tpu.memory_space<vmem>>, vector<16xi32>,
      %gather3A_767 = tpu.vector_load_idx %arg6[%get3A_766, %select_n3A_760, %sub3A_764] : memref<91x8x100xf32, #tpu.memory_space<vmem>>[vector<16xi32>, vector<16xi32>, vector<16xi32>], vector<16xf32>,
      tpu.vector_store_idx %arg7[%add3A_36, %select_n3A_760, %sub3A_764], %gather3A_767 : memref<14x8x100xf32, #tpu.memory_space<vmem>>[vector<16xi32>, vector<16xi32>, vector<16xi32>], vector<16xf32>,
      %add3A_768 = arith.constant 656 : i32
      %add3A_769 = vector.broadcast %add3A_768 : i32 to vector<16xi32>
      %add3A_770 = arith.addi %iota3A, %add3A_769 : vector<16xi32>
      %ge3A_771 = arith.constant 700 : i32
      %ge3A_772 = vector.broadcast %ge3A_771 : i32 to vector<16xi32>
      %ge3A_773 = arith.cmpi sge, %add3A_770, %ge3A_772 : vector<16xi32>
      %jit3A_774 = arith.constant 7 : i32
      %jit3A_775 = arith.constant 6 : i32
      %broadcast_in_dim3A_776 = vector.broadcast %jit3A_774 : i32 to vector<16xi32>
      %broadcast_in_dim3A_777 = vector.broadcast %jit3A_775 : i32 to vector<16xi32>
      %select_n3A_778 = arith.select %ge3A_773, %broadcast_in_dim3A_776, %broadcast_in_dim3A_777 : vector<16xi1>, vector<16xi32>
      %mul3A_779 = arith.constant 100 : i32
      %mul3A_780 = vector.broadcast %mul3A_779 : i32 to vector<16xi32>
      %mul3A_781 = arith.muli %select_n3A_778, %mul3A_780 : vector<16xi32>
      %sub3A_782 = arith.subi %add3A_770, %mul3A_781 : vector<16xi32>
      %get3A_783 = arith.constant 656 : index
      %get3A_784 = tpu.vector_load %arg5[%get3A_783] {strides = array<i32>} : memref<800xi32, #tpu.memory_space<vmem>>, vector<16xi32>,
      %gather3A_785 = tpu.vector_load_idx %arg6[%get3A_784, %select_n3A_778, %sub3A_782] : memref<91x8x100xf32, #tpu.memory_space<vmem>>[vector<16xi32>, vector<16xi32>, vector<16xi32>], vector<16xf32>,
      tpu.vector_store_idx %arg7[%add3A_36, %select_n3A_778, %sub3A_782], %gather3A_785 : memref<14x8x100xf32, #tpu.memory_space<vmem>>[vector<16xi32>, vector<16xi32>, vector<16xi32>], vector<16xf32>,
      %add3A_786 = arith.constant 672 : i32
      %add3A_787 = vector.broadcast %add3A_786 : i32 to vector<16xi32>
      %add3A_788 = arith.addi %iota3A, %add3A_787 : vector<16xi32>
      %ge3A_789 = arith.constant 700 : i32
      %ge3A_790 = vector.broadcast %ge3A_789 : i32 to vector<16xi32>
      %ge3A_791 = arith.cmpi sge, %add3A_788, %ge3A_790 : vector<16xi32>
      %jit3A_792 = arith.constant 7 : i32
      %jit3A_793 = arith.constant 6 : i32
      %broadcast_in_dim3A_794 = vector.broadcast %jit3A_792 : i32 to vector<16xi32>
      %broadcast_in_dim3A_795 = vector.broadcast %jit3A_793 : i32 to vector<16xi32>
      %select_n3A_796 = arith.select %ge3A_791, %broadcast_in_dim3A_794, %broadcast_in_dim3A_795 : vector<16xi1>, vector<16xi32>
      %mul3A_797 = arith.constant 100 : i32
      %mul3A_798 = vector.broadcast %mul3A_797 : i32 to vector<16xi32>
      %mul3A_799 = arith.muli %select_n3A_796, %mul3A_798 : vector<16xi32>
      %sub3A_800 = arith.subi %add3A_788, %mul3A_799 : vector<16xi32>
      %get3A_801 = arith.constant 672 : index
      %get3A_802 = tpu.vector_load %arg5[%get3A_801] {strides = array<i32>} : memref<800xi32, #tpu.memory_space<vmem>>, vector<16xi32>,
      %gather3A_803 = tpu.vector_load_idx %arg6[%get3A_802, %select_n3A_796, %sub3A_800] : memref<91x8x100xf32, #tpu.memory_space<vmem>>[vector<16xi32>, vector<16xi32>, vector<16xi32>], vector<16xf32>,
      tpu.vector_store_idx %arg7[%add3A_36, %select_n3A_796, %sub3A_800], %gather3A_803 : memref<14x8x100xf32, #tpu.memory_space<vmem>>[vector<16xi32>, vector<16xi32>, vector<16xi32>], vector<16xf32>,
      %add3A_804 = arith.constant 688 : i32
      %add3A_805 = vector.broadcast %add3A_804 : i32 to vector<16xi32>
      %add3A_806 = arith.addi %iota3A, %add3A_805 : vector<16xi32>
      %ge3A_807 = arith.constant 700 : i32
      %ge3A_808 = vector.broadcast %ge3A_807 : i32 to vector<16xi32>
      %ge3A_809 = arith.cmpi sge, %add3A_806, %ge3A_808 : vector<16xi32>
      %jit3A_810 = arith.constant 7 : i32
      %jit3A_811 = arith.constant 6 : i32
      %broadcast_in_dim3A_812 = vector.broadcast %jit3A_810 : i32 to vector<16xi32>
      %broadcast_in_dim3A_813 = vector.broadcast %jit3A_811 : i32 to vector<16xi32>
      %select_n3A_814 = arith.select %ge3A_809, %broadcast_in_dim3A_812, %broadcast_in_dim3A_813 : vector<16xi1>, vector<16xi32>
      %mul3A_815 = arith.constant 100 : i32
      %mul3A_816 = vector.broadcast %mul3A_815 : i32 to vector<16xi32>
      %mul3A_817 = arith.muli %select_n3A_814, %mul3A_816 : vector<16xi32>
      %sub3A_818 = arith.subi %add3A_806, %mul3A_817 : vector<16xi32>
      %get3A_819 = arith.constant 688 : index
      %get3A_820 = tpu.vector_load %arg5[%get3A_819] {strides = array<i32>} : memref<800xi32, #tpu.memory_space<vmem>>, vector<16xi32>,
      %gather3A_821 = tpu.vector_load_idx %arg6[%get3A_820, %select_n3A_814, %sub3A_818] : memref<91x8x100xf32, #tpu.memory_space<vmem>>[vector<16xi32>, vector<16xi32>, vector<16xi32>], vector<16xf32>,
      tpu.vector_store_idx %arg7[%add3A_36, %select_n3A_814, %sub3A_818], %gather3A_821 : memref<14x8x100xf32, #tpu.memory_space<vmem>>[vector<16xi32>, vector<16xi32>, vector<16xi32>], vector<16xf32>,
      %add3A_822 = arith.constant 704 : i32
      %add3A_823 = vector.broadcast %add3A_822 : i32 to vector<16xi32>
      %add3A_824 = arith.addi %iota3A, %add3A_823 : vector<16xi32>
      %ge3A_825 = arith.constant 800 : i32
      %ge3A_826 = vector.broadcast %ge3A_825 : i32 to vector<16xi32>
      %ge3A_827 = arith.cmpi sge, %add3A_824, %ge3A_826 : vector<16xi32>
      %jit3A_828 = arith.constant 8 : i32
      %jit3A_829 = arith.constant 7 : i32
      %broadcast_in_dim3A_830 = vector.broadcast %jit3A_828 : i32 to vector<16xi32>
      %broadcast_in_dim3A_831 = vector.broadcast %jit3A_829 : i32 to vector<16xi32>
      %select_n3A_832 = arith.select %ge3A_827, %broadcast_in_dim3A_830, %broadcast_in_dim3A_831 : vector<16xi1>, vector<16xi32>
      %mul3A_833 = arith.constant 100 : i32
      %mul3A_834 = vector.broadcast %mul3A_833 : i32 to vector<16xi32>
      %mul3A_835 = arith.muli %select_n3A_832, %mul3A_834 : vector<16xi32>
      %sub3A_836 = arith.subi %add3A_824, %mul3A_835 : vector<16xi32>
      %get3A_837 = arith.constant 704 : index
      %get3A_838 = tpu.vector_load %arg5[%get3A_837] {strides = array<i32>} : memref<800xi32, #tpu.memory_space<vmem>>, vector<16xi32>,
      %gather3A_839 = tpu.vector_load_idx %arg6[%get3A_838, %select_n3A_832, %sub3A_836] : memref<91x8x100xf32, #tpu.memory_space<vmem>>[vector<16xi32>, vector<16xi32>, vector<16xi32>], vector<16xf32>,
      tpu.vector_store_idx %arg7[%add3A_36, %select_n3A_832, %sub3A_836], %gather3A_839 : memref<14x8x100xf32, #tpu.memory_space<vmem>>[vector<16xi32>, vector<16xi32>, vector<16xi32>], vector<16xf32>,
      %add3A_840 = arith.constant 720 : i32
      %add3A_841 = vector.broadcast %add3A_840 : i32 to vector<16xi32>
      %add3A_842 = arith.addi %iota3A, %add3A_841 : vector<16xi32>
      %ge3A_843 = arith.constant 800 : i32
      %ge3A_844 = vector.broadcast %ge3A_843 : i32 to vector<16xi32>
      %ge3A_845 = arith.cmpi sge, %add3A_842, %ge3A_844 : vector<16xi32>
      %jit3A_846 = arith.constant 8 : i32
      %jit3A_847 = arith.constant 7 : i32
      %broadcast_in_dim3A_848 = vector.broadcast %jit3A_846 : i32 to vector<16xi32>
      %broadcast_in_dim3A_849 = vector.broadcast %jit3A_847 : i32 to vector<16xi32>
      %select_n3A_850 = arith.select %ge3A_845, %broadcast_in_dim3A_848, %broadcast_in_dim3A_849 : vector<16xi1>, vector<16xi32>
      %mul3A_851 = arith.constant 100 : i32
      %mul3A_852 = vector.broadcast %mul3A_851 : i32 to vector<16xi32>
      %mul3A_853 = arith.muli %select_n3A_850, %mul3A_852 : vector<16xi32>
      %sub3A_854 = arith.subi %add3A_842, %mul3A_853 : vector<16xi32>
      %get3A_855 = arith.constant 720 : index
      %get3A_856 = tpu.vector_load %arg5[%get3A_855] {strides = array<i32>} : memref<800xi32, #tpu.memory_space<vmem>>, vector<16xi32>,
      %gather3A_857 = tpu.vector_load_idx %arg6[%get3A_856, %select_n3A_850, %sub3A_854] : memref<91x8x100xf32, #tpu.memory_space<vmem>>[vector<16xi32>, vector<16xi32>, vector<16xi32>], vector<16xf32>,
      tpu.vector_store_idx %arg7[%add3A_36, %select_n3A_850, %sub3A_854], %gather3A_857 : memref<14x8x100xf32, #tpu.memory_space<vmem>>[vector<16xi32>, vector<16xi32>, vector<16xi32>], vector<16xf32>,
      %add3A_858 = arith.constant 736 : i32
      %add3A_859 = vector.broadcast %add3A_858 : i32 to vector<16xi32>
      %add3A_860 = arith.addi %iota3A, %add3A_859 : vector<16xi32>
      %ge3A_861 = arith.constant 800 : i32
      %ge3A_862 = vector.broadcast %ge3A_861 : i32 to vector<16xi32>
      %ge3A_863 = arith.cmpi sge, %add3A_860, %ge3A_862 : vector<16xi32>
      %jit3A_864 = arith.constant 8 : i32
      %jit3A_865 = arith.constant 7 : i32
      %broadcast_in_dim3A_866 = vector.broadcast %jit3A_864 : i32 to vector<16xi32>
      %broadcast_in_dim3A_867 = vector.broadcast %jit3A_865 : i32 to vector<16xi32>
      %select_n3A_868 = arith.select %ge3A_863, %broadcast_in_dim3A_866, %broadcast_in_dim3A_867 : vector<16xi1>, vector<16xi32>
      %mul3A_869 = arith.constant 100 : i32
      %mul3A_870 = vector.broadcast %mul3A_869 : i32 to vector<16xi32>
      %mul3A_871 = arith.muli %select_n3A_868, %mul3A_870 : vector<16xi32>
      %sub3A_872 = arith.subi %add3A_860, %mul3A_871 : vector<16xi32>
      %get3A_873 = arith.constant 736 : index
      %get3A_874 = tpu.vector_load %arg5[%get3A_873] {strides = array<i32>} : memref<800xi32, #tpu.memory_space<vmem>>, vector<16xi32>,
      %gather3A_875 = tpu.vector_load_idx %arg6[%get3A_874, %select_n3A_868, %sub3A_872] : memref<91x8x100xf32, #tpu.memory_space<vmem>>[vector<16xi32>, vector<16xi32>, vector<16xi32>], vector<16xf32>,
      tpu.vector_store_idx %arg7[%add3A_36, %select_n3A_868, %sub3A_872], %gather3A_875 : memref<14x8x100xf32, #tpu.memory_space<vmem>>[vector<16xi32>, vector<16xi32>, vector<16xi32>], vector<16xf32>,
      %add3A_876 = arith.constant 752 : i32
      %add3A_877 = vector.broadcast %add3A_876 : i32 to vector<16xi32>
      %add3A_878 = arith.addi %iota3A, %add3A_877 : vector<16xi32>
      %ge3A_879 = arith.constant 800 : i32
      %ge3A_880 = vector.broadcast %ge3A_879 : i32 to vector<16xi32>
      %ge3A_881 = arith.cmpi sge, %add3A_878, %ge3A_880 : vector<16xi32>
      %jit3A_882 = arith.constant 8 : i32
      %jit3A_883 = arith.constant 7 : i32
      %broadcast_in_dim3A_884 = vector.broadcast %jit3A_882 : i32 to vector<16xi32>
      %broadcast_in_dim3A_885 = vector.broadcast %jit3A_883 : i32 to vector<16xi32>
      %select_n3A_886 = arith.select %ge3A_881, %broadcast_in_dim3A_884, %broadcast_in_dim3A_885 : vector<16xi1>, vector<16xi32>
      %mul3A_887 = arith.constant 100 : i32
      %mul3A_888 = vector.broadcast %mul3A_887 : i32 to vector<16xi32>
      %mul3A_889 = arith.muli %select_n3A_886, %mul3A_888 : vector<16xi32>
      %sub3A_890 = arith.subi %add3A_878, %mul3A_889 : vector<16xi32>
      %get3A_891 = arith.constant 752 : index
      %get3A_892 = tpu.vector_load %arg5[%get3A_891] {strides = array<i32>} : memref<800xi32, #tpu.memory_space<vmem>>, vector<16xi32>,
      %gather3A_893 = tpu.vector_load_idx %arg6[%get3A_892, %select_n3A_886, %sub3A_890] : memref<91x8x100xf32, #tpu.memory_space<vmem>>[vector<16xi32>, vector<16xi32>, vector<16xi32>], vector<16xf32>,
      tpu.vector_store_idx %arg7[%add3A_36, %select_n3A_886, %sub3A_890], %gather3A_893 : memref<14x8x100xf32, #tpu.memory_space<vmem>>[vector<16xi32>, vector<16xi32>, vector<16xi32>], vector<16xf32>,
      %add3A_894 = arith.constant 768 : i32
      %add3A_895 = vector.broadcast %add3A_894 : i32 to vector<16xi32>
      %add3A_896 = arith.addi %iota3A, %add3A_895 : vector<16xi32>
      %ge3A_897 = arith.constant 800 : i32
      %ge3A_898 = vector.broadcast %ge3A_897 : i32 to vector<16xi32>
      %ge3A_899 = arith.cmpi sge, %add3A_896, %ge3A_898 : vector<16xi32>
      %jit3A_900 = arith.constant 8 : i32
      %jit3A_901 = arith.constant 7 : i32
      %broadcast_in_dim3A_902 = vector.broadcast %jit3A_900 : i32 to vector<16xi32>
      %broadcast_in_dim3A_903 = vector.broadcast %jit3A_901 : i32 to vector<16xi32>
      %select_n3A_904 = arith.select %ge3A_899, %broadcast_in_dim3A_902, %broadcast_in_dim3A_903 : vector<16xi1>, vector<16xi32>
      %mul3A_905 = arith.constant 100 : i32
      %mul3A_906 = vector.broadcast %mul3A_905 : i32 to vector<16xi32>
      %mul3A_907 = arith.muli %select_n3A_904, %mul3A_906 : vector<16xi32>
      %sub3A_908 = arith.subi %add3A_896, %mul3A_907 : vector<16xi32>
      %get3A_909 = arith.constant 768 : index
      %get3A_910 = tpu.vector_load %arg5[%get3A_909] {strides = array<i32>} : memref<800xi32, #tpu.memory_space<vmem>>, vector<16xi32>,
      %gather3A_911 = tpu.vector_load_idx %arg6[%get3A_910, %select_n3A_904, %sub3A_908] : memref<91x8x100xf32, #tpu.memory_space<vmem>>[vector<16xi32>, vector<16xi32>, vector<16xi32>], vector<16xf32>,
      tpu.vector_store_idx %arg7[%add3A_36, %select_n3A_904, %sub3A_908], %gather3A_911 : memref<14x8x100xf32, #tpu.memory_space<vmem>>[vector<16xi32>, vector<16xi32>, vector<16xi32>], vector<16xf32>,
      %add3A_912 = arith.constant 784 : i32
      %add3A_913 = vector.broadcast %add3A_912 : i32 to vector<16xi32>
      %add3A_914 = arith.addi %iota3A, %add3A_913 : vector<16xi32>
      %ge3A_915 = arith.constant 800 : i32
      %ge3A_916 = vector.broadcast %ge3A_915 : i32 to vector<16xi32>
      %ge3A_917 = arith.cmpi sge, %add3A_914, %ge3A_916 : vector<16xi32>
      %jit3A_918 = arith.constant 8 : i32
      %jit3A_919 = arith.constant 7 : i32
      %broadcast_in_dim3A_920 = vector.broadcast %jit3A_918 : i32 to vector<16xi32>
      %broadcast_in_dim3A_921 = vector.broadcast %jit3A_919 : i32 to vector<16xi32>
      %select_n3A_922 = arith.select %ge3A_917, %broadcast_in_dim3A_920, %broadcast_in_dim3A_921 : vector<16xi1>, vector<16xi32>
      %mul3A_923 = arith.constant 100 : i32
      %mul3A_924 = vector.broadcast %mul3A_923 : i32 to vector<16xi32>
      %mul3A_925 = arith.muli %select_n3A_922, %mul3A_924 : vector<16xi32>
      %sub3A_926 = arith.subi %add3A_914, %mul3A_925 : vector<16xi32>
      %get3A_927 = arith.constant 784 : index
      %get3A_928 = tpu.vector_load %arg5[%get3A_927] {strides = array<i32>} : memref<800xi32, #tpu.memory_space<vmem>>, vector<16xi32>,
      %gather3A_929 = tpu.vector_load_idx %arg6[%get3A_928, %select_n3A_922, %sub3A_926] : memref<91x8x100xf32, #tpu.memory_space<vmem>>[vector<16xi32>, vector<16xi32>, vector<16xi32>], vector<16xf32>,
      tpu.vector_store_idx %arg7[%add3A_36, %select_n3A_922, %sub3A_926], %gather3A_929 : memref<14x8x100xf32, #tpu.memory_space<vmem>>[vector<16xi32>, vector<16xi32>, vector<16xi32>], vector<16xf32>,
      %scan3A_930 = arith.constant 0 : i32
      scf.yield %scan3A_930 : i32
    }
    %scan3A_8 = arith.constant 14 : i32
    "tpu.region"() ({
      %run_scoped3A = tpu.sem_alloc : memref<!tpu.dma_semaphore, #tpu.memory_space<semaphore_mem>>
      %dma_start3A = arith.constant 0 : i32
      %dma_start3A_9 = arith.constant 0 : i32
      %dma_start3A_10 = tpu.memref_slice %arg4[%mul3A_2, %dma_start3A, %dma_start3A_9] : memref<448x8x100xf32, #tpu.memory_space<hbm>> -> memref<14x8x100xf32, #tpu.memory_space<hbm>>
      %dma_start3A_11 = arith.constant 0 : i32
      %dma_start3A_12 = arith.constant 0 : i32
      %dma_start3A_13 = tpu.memref_slice %arg4[%mul3A_2, %dma_start3A_11, %dma_start3A_12] : memref<448x8x100xf32, #tpu.memory_space<hbm>> -> memref<14x8x100xf32, #tpu.memory_space<hbm>>
      tpu.enqueue_dma source(%arg7 : memref<14x8x100xf32, #tpu.memory_space<vmem>>) target(%dma_start3A_13 : memref<14x8x100xf32, #tpu.memory_space<hbm>>) target_semaphore(%run_scoped3A : memref<!tpu.dma_semaphore, #tpu.memory_space<semaphore_mem>>)
      %dma_wait3A = arith.constant 0 : i32
      %dma_wait3A_14 = arith.constant 0 : i32
      %dma_wait3A_15 = tpu.memref_slice %arg4[%mul3A_2, %dma_wait3A, %dma_wait3A_14] : memref<448x8x100xf32, #tpu.memory_space<hbm>> -> memref<14x8x100xf32, #tpu.memory_space<hbm>>
      %dma_wait3A_16 = arith.constant 0 : i32
      %dma_wait3A_17 = arith.constant 0 : i32
      %dma_wait3A_18 = tpu.memref_slice %arg4[%mul3A_2, %dma_wait3A_16, %dma_wait3A_17] : memref<448x8x100xf32, #tpu.memory_space<hbm>> -> memref<14x8x100xf32, #tpu.memory_space<hbm>>
      tpu.wait_dma2 semaphore(%run_scoped3A : memref<!tpu.dma_semaphore, #tpu.memory_space<semaphore_mem>>) src(%arg7 : memref<14x8x100xf32, #tpu.memory_space<vmem>>) dst(%dma_wait3A_18 : memref<14x8x100xf32, #tpu.memory_space<hbm>>)
      tpu.yield
    }) : () -> ()
    return
  }
}

module attributes {stable_mosaic.version = 14 : i64} {
  func.func @_tc_body(%arg0: i32, %arg1: memref<8x100xi32, #tpu.memory_space<vmem>>, %arg2: memref<91x4x8x100xf32, #tpu.memory_space<vmem>>, %arg3: memref<4x8x100xf32, #tpu.memory_space<vmem>>) attributes {dimension_semantics = [#tpu.dimension_semantics<arbitrary>], iteration_bounds = array<i64: 84>, scalar_prefetch = 0 : i64, scratch_operands = 0 : i64, tpu.core_type = #tpu.core_type<tc>, window_params = [{pipeline_mode = #tpu.pipeline_mode<synchronous>, transform_indices = @transform_0, window_bounds = array<i64: 8, 100>}, {transform_indices = @transform_1, window_bounds = array<i64: 91, 4, 8, 100>}, {transform_indices = @transform_2, window_bounds = array<i64: 4, 8, 100>}]} {
    %get3A = arith.constant 0 : index
    %get3A_0 = arith.constant 0 : index
    %get3A_1 = vector.load %arg1[%get3A, %get3A_0] : memref<8x100xi32, #tpu.memory_space<vmem>>, vector<8x100xi32>
    %get3A_2 = arith.constant 0 : index
    %get3A_3 = arith.constant 0 : index
    %get3A_4 = arith.constant 0 : index
    %get3A_5 = arith.constant 0 : index
    %get3A_6 = vector.load %arg2[%get3A_2, %get3A_3, %get3A_4, %get3A_5] : memref<91x4x8x100xf32, #tpu.memory_space<vmem>>, vector<1x4x8x100xf32>
    %get3A_7 = vector.shape_cast %get3A_6 : vector<1x4x8x100xf32> to vector<4x8x100xf32>
    %eq3A = arith.constant 1 : i32
    %eq3A_8 = vector.broadcast %eq3A : i32 to vector<8x100xi32>
    %eq3A_9 = arith.cmpi eq, %get3A_1, %eq3A_8 : vector<8x100xi32>
    %broadcast_in_dim3A = vector.shape_cast %eq3A_9 : vector<8x100xi1> to vector<1x8x100xi1>
    %get3A_10 = arith.constant 1 : index
    %get3A_11 = arith.constant 0 : index
    %get3A_12 = arith.constant 0 : index
    %get3A_13 = arith.constant 0 : index
    %get3A_14 = vector.load %arg2[%get3A_10, %get3A_11, %get3A_12, %get3A_13] : memref<91x4x8x100xf32, #tpu.memory_space<vmem>>, vector<1x4x8x100xf32>
    %get3A_15 = vector.shape_cast %get3A_14 : vector<1x4x8x100xf32> to vector<4x8x100xf32>
    %broadcast_in_dim3A_16 = vector.shape_cast %broadcast_in_dim3A : vector<1x8x100xi1> to vector<1x8x100xi1>
    %broadcast_in_dim3A_17 = vector.broadcast %broadcast_in_dim3A_16 : vector<1x8x100xi1> to vector<4x8x100xi1>
    %select_n3A = arith.select %broadcast_in_dim3A_17, %get3A_15, %get3A_7 : vector<4x8x100xi1>, vector<4x8x100xf32>
    %eq3A_18 = arith.constant 2 : i32
    %eq3A_19 = vector.broadcast %eq3A_18 : i32 to vector<8x100xi32>
    %eq3A_20 = arith.cmpi eq, %get3A_1, %eq3A_19 : vector<8x100xi32>
    %broadcast_in_dim3A_21 = vector.shape_cast %eq3A_20 : vector<8x100xi1> to vector<1x8x100xi1>
    %get3A_22 = arith.constant 2 : index
    %get3A_23 = arith.constant 0 : index
    %get3A_24 = arith.constant 0 : index
    %get3A_25 = arith.constant 0 : index
    %get3A_26 = vector.load %arg2[%get3A_22, %get3A_23, %get3A_24, %get3A_25] : memref<91x4x8x100xf32, #tpu.memory_space<vmem>>, vector<1x4x8x100xf32>
    %get3A_27 = vector.shape_cast %get3A_26 : vector<1x4x8x100xf32> to vector<4x8x100xf32>
    %broadcast_in_dim3A_28 = vector.shape_cast %broadcast_in_dim3A_21 : vector<1x8x100xi1> to vector<1x8x100xi1>
    %broadcast_in_dim3A_29 = vector.broadcast %broadcast_in_dim3A_28 : vector<1x8x100xi1> to vector<4x8x100xi1>
    %select_n3A_30 = arith.select %broadcast_in_dim3A_29, %get3A_27, %select_n3A : vector<4x8x100xi1>, vector<4x8x100xf32>
    %eq3A_31 = arith.constant 3 : i32
    %eq3A_32 = vector.broadcast %eq3A_31 : i32 to vector<8x100xi32>
    %eq3A_33 = arith.cmpi eq, %get3A_1, %eq3A_32 : vector<8x100xi32>
    %broadcast_in_dim3A_34 = vector.shape_cast %eq3A_33 : vector<8x100xi1> to vector<1x8x100xi1>
    %get3A_35 = arith.constant 3 : index
    %get3A_36 = arith.constant 0 : index
    %get3A_37 = arith.constant 0 : index
    %get3A_38 = arith.constant 0 : index
    %get3A_39 = vector.load %arg2[%get3A_35, %get3A_36, %get3A_37, %get3A_38] : memref<91x4x8x100xf32, #tpu.memory_space<vmem>>, vector<1x4x8x100xf32>
    %get3A_40 = vector.shape_cast %get3A_39 : vector<1x4x8x100xf32> to vector<4x8x100xf32>
    %broadcast_in_dim3A_41 = vector.shape_cast %broadcast_in_dim3A_34 : vector<1x8x100xi1> to vector<1x8x100xi1>
    %broadcast_in_dim3A_42 = vector.broadcast %broadcast_in_dim3A_41 : vector<1x8x100xi1> to vector<4x8x100xi1>
    %select_n3A_43 = arith.select %broadcast_in_dim3A_42, %get3A_40, %select_n3A_30 : vector<4x8x100xi1>, vector<4x8x100xf32>
    %eq3A_44 = arith.constant 4 : i32
    %eq3A_45 = vector.broadcast %eq3A_44 : i32 to vector<8x100xi32>
    %eq3A_46 = arith.cmpi eq, %get3A_1, %eq3A_45 : vector<8x100xi32>
    %broadcast_in_dim3A_47 = vector.shape_cast %eq3A_46 : vector<8x100xi1> to vector<1x8x100xi1>
    %get3A_48 = arith.constant 4 : index
    %get3A_49 = arith.constant 0 : index
    %get3A_50 = arith.constant 0 : index
    %get3A_51 = arith.constant 0 : index
    %get3A_52 = vector.load %arg2[%get3A_48, %get3A_49, %get3A_50, %get3A_51] : memref<91x4x8x100xf32, #tpu.memory_space<vmem>>, vector<1x4x8x100xf32>
    %get3A_53 = vector.shape_cast %get3A_52 : vector<1x4x8x100xf32> to vector<4x8x100xf32>
    %broadcast_in_dim3A_54 = vector.shape_cast %broadcast_in_dim3A_47 : vector<1x8x100xi1> to vector<1x8x100xi1>
    %broadcast_in_dim3A_55 = vector.broadcast %broadcast_in_dim3A_54 : vector<1x8x100xi1> to vector<4x8x100xi1>
    %select_n3A_56 = arith.select %broadcast_in_dim3A_55, %get3A_53, %select_n3A_43 : vector<4x8x100xi1>, vector<4x8x100xf32>
    %eq3A_57 = arith.constant 5 : i32
    %eq3A_58 = vector.broadcast %eq3A_57 : i32 to vector<8x100xi32>
    %eq3A_59 = arith.cmpi eq, %get3A_1, %eq3A_58 : vector<8x100xi32>
    %broadcast_in_dim3A_60 = vector.shape_cast %eq3A_59 : vector<8x100xi1> to vector<1x8x100xi1>
    %get3A_61 = arith.constant 5 : index
    %get3A_62 = arith.constant 0 : index
    %get3A_63 = arith.constant 0 : index
    %get3A_64 = arith.constant 0 : index
    %get3A_65 = vector.load %arg2[%get3A_61, %get3A_62, %get3A_63, %get3A_64] : memref<91x4x8x100xf32, #tpu.memory_space<vmem>>, vector<1x4x8x100xf32>
    %get3A_66 = vector.shape_cast %get3A_65 : vector<1x4x8x100xf32> to vector<4x8x100xf32>
    %broadcast_in_dim3A_67 = vector.shape_cast %broadcast_in_dim3A_60 : vector<1x8x100xi1> to vector<1x8x100xi1>
    %broadcast_in_dim3A_68 = vector.broadcast %broadcast_in_dim3A_67 : vector<1x8x100xi1> to vector<4x8x100xi1>
    %select_n3A_69 = arith.select %broadcast_in_dim3A_68, %get3A_66, %select_n3A_56 : vector<4x8x100xi1>, vector<4x8x100xf32>
    %eq3A_70 = arith.constant 6 : i32
    %eq3A_71 = vector.broadcast %eq3A_70 : i32 to vector<8x100xi32>
    %eq3A_72 = arith.cmpi eq, %get3A_1, %eq3A_71 : vector<8x100xi32>
    %broadcast_in_dim3A_73 = vector.shape_cast %eq3A_72 : vector<8x100xi1> to vector<1x8x100xi1>
    %get3A_74 = arith.constant 6 : index
    %get3A_75 = arith.constant 0 : index
    %get3A_76 = arith.constant 0 : index
    %get3A_77 = arith.constant 0 : index
    %get3A_78 = vector.load %arg2[%get3A_74, %get3A_75, %get3A_76, %get3A_77] : memref<91x4x8x100xf32, #tpu.memory_space<vmem>>, vector<1x4x8x100xf32>
    %get3A_79 = vector.shape_cast %get3A_78 : vector<1x4x8x100xf32> to vector<4x8x100xf32>
    %broadcast_in_dim3A_80 = vector.shape_cast %broadcast_in_dim3A_73 : vector<1x8x100xi1> to vector<1x8x100xi1>
    %broadcast_in_dim3A_81 = vector.broadcast %broadcast_in_dim3A_80 : vector<1x8x100xi1> to vector<4x8x100xi1>
    %select_n3A_82 = arith.select %broadcast_in_dim3A_81, %get3A_79, %select_n3A_69 : vector<4x8x100xi1>, vector<4x8x100xf32>
    %eq3A_83 = arith.constant 7 : i32
    %eq3A_84 = vector.broadcast %eq3A_83 : i32 to vector<8x100xi32>
    %eq3A_85 = arith.cmpi eq, %get3A_1, %eq3A_84 : vector<8x100xi32>
    %broadcast_in_dim3A_86 = vector.shape_cast %eq3A_85 : vector<8x100xi1> to vector<1x8x100xi1>
    %get3A_87 = arith.constant 7 : index
    %get3A_88 = arith.constant 0 : index
    %get3A_89 = arith.constant 0 : index
    %get3A_90 = arith.constant 0 : index
    %get3A_91 = vector.load %arg2[%get3A_87, %get3A_88, %get3A_89, %get3A_90] : memref<91x4x8x100xf32, #tpu.memory_space<vmem>>, vector<1x4x8x100xf32>
    %get3A_92 = vector.shape_cast %get3A_91 : vector<1x4x8x100xf32> to vector<4x8x100xf32>
    %broadcast_in_dim3A_93 = vector.shape_cast %broadcast_in_dim3A_86 : vector<1x8x100xi1> to vector<1x8x100xi1>
    %broadcast_in_dim3A_94 = vector.broadcast %broadcast_in_dim3A_93 : vector<1x8x100xi1> to vector<4x8x100xi1>
    %select_n3A_95 = arith.select %broadcast_in_dim3A_94, %get3A_92, %select_n3A_82 : vector<4x8x100xi1>, vector<4x8x100xf32>
    %eq3A_96 = arith.constant 8 : i32
    %eq3A_97 = vector.broadcast %eq3A_96 : i32 to vector<8x100xi32>
    %eq3A_98 = arith.cmpi eq, %get3A_1, %eq3A_97 : vector<8x100xi32>
    %broadcast_in_dim3A_99 = vector.shape_cast %eq3A_98 : vector<8x100xi1> to vector<1x8x100xi1>
    %get3A_100 = arith.constant 8 : index
    %get3A_101 = arith.constant 0 : index
    %get3A_102 = arith.constant 0 : index
    %get3A_103 = arith.constant 0 : index
    %get3A_104 = vector.load %arg2[%get3A_100, %get3A_101, %get3A_102, %get3A_103] : memref<91x4x8x100xf32, #tpu.memory_space<vmem>>, vector<1x4x8x100xf32>
    %get3A_105 = vector.shape_cast %get3A_104 : vector<1x4x8x100xf32> to vector<4x8x100xf32>
    %broadcast_in_dim3A_106 = vector.shape_cast %broadcast_in_dim3A_99 : vector<1x8x100xi1> to vector<1x8x100xi1>
    %broadcast_in_dim3A_107 = vector.broadcast %broadcast_in_dim3A_106 : vector<1x8x100xi1> to vector<4x8x100xi1>
    %select_n3A_108 = arith.select %broadcast_in_dim3A_107, %get3A_105, %select_n3A_95 : vector<4x8x100xi1>, vector<4x8x100xf32>
    %eq3A_109 = arith.constant 9 : i32
    %eq3A_110 = vector.broadcast %eq3A_109 : i32 to vector<8x100xi32>
    %eq3A_111 = arith.cmpi eq, %get3A_1, %eq3A_110 : vector<8x100xi32>
    %broadcast_in_dim3A_112 = vector.shape_cast %eq3A_111 : vector<8x100xi1> to vector<1x8x100xi1>
    %get3A_113 = arith.constant 9 : index
    %get3A_114 = arith.constant 0 : index
    %get3A_115 = arith.constant 0 : index
    %get3A_116 = arith.constant 0 : index
    %get3A_117 = vector.load %arg2[%get3A_113, %get3A_114, %get3A_115, %get3A_116] : memref<91x4x8x100xf32, #tpu.memory_space<vmem>>, vector<1x4x8x100xf32>
    %get3A_118 = vector.shape_cast %get3A_117 : vector<1x4x8x100xf32> to vector<4x8x100xf32>
    %broadcast_in_dim3A_119 = vector.shape_cast %broadcast_in_dim3A_112 : vector<1x8x100xi1> to vector<1x8x100xi1>
    %broadcast_in_dim3A_120 = vector.broadcast %broadcast_in_dim3A_119 : vector<1x8x100xi1> to vector<4x8x100xi1>
    %select_n3A_121 = arith.select %broadcast_in_dim3A_120, %get3A_118, %select_n3A_108 : vector<4x8x100xi1>, vector<4x8x100xf32>
    %eq3A_122 = arith.constant 10 : i32
    %eq3A_123 = vector.broadcast %eq3A_122 : i32 to vector<8x100xi32>
    %eq3A_124 = arith.cmpi eq, %get3A_1, %eq3A_123 : vector<8x100xi32>
    %broadcast_in_dim3A_125 = vector.shape_cast %eq3A_124 : vector<8x100xi1> to vector<1x8x100xi1>
    %get3A_126 = arith.constant 10 : index
    %get3A_127 = arith.constant 0 : index
    %get3A_128 = arith.constant 0 : index
    %get3A_129 = arith.constant 0 : index
    %get3A_130 = vector.load %arg2[%get3A_126, %get3A_127, %get3A_128, %get3A_129] : memref<91x4x8x100xf32, #tpu.memory_space<vmem>>, vector<1x4x8x100xf32>
    %get3A_131 = vector.shape_cast %get3A_130 : vector<1x4x8x100xf32> to vector<4x8x100xf32>
    %broadcast_in_dim3A_132 = vector.shape_cast %broadcast_in_dim3A_125 : vector<1x8x100xi1> to vector<1x8x100xi1>
    %broadcast_in_dim3A_133 = vector.broadcast %broadcast_in_dim3A_132 : vector<1x8x100xi1> to vector<4x8x100xi1>
    %select_n3A_134 = arith.select %broadcast_in_dim3A_133, %get3A_131, %select_n3A_121 : vector<4x8x100xi1>, vector<4x8x100xf32>
    %eq3A_135 = arith.constant 11 : i32
    %eq3A_136 = vector.broadcast %eq3A_135 : i32 to vector<8x100xi32>
    %eq3A_137 = arith.cmpi eq, %get3A_1, %eq3A_136 : vector<8x100xi32>
    %broadcast_in_dim3A_138 = vector.shape_cast %eq3A_137 : vector<8x100xi1> to vector<1x8x100xi1>
    %get3A_139 = arith.constant 11 : index
    %get3A_140 = arith.constant 0 : index
    %get3A_141 = arith.constant 0 : index
    %get3A_142 = arith.constant 0 : index
    %get3A_143 = vector.load %arg2[%get3A_139, %get3A_140, %get3A_141, %get3A_142] : memref<91x4x8x100xf32, #tpu.memory_space<vmem>>, vector<1x4x8x100xf32>
    %get3A_144 = vector.shape_cast %get3A_143 : vector<1x4x8x100xf32> to vector<4x8x100xf32>
    %broadcast_in_dim3A_145 = vector.shape_cast %broadcast_in_dim3A_138 : vector<1x8x100xi1> to vector<1x8x100xi1>
    %broadcast_in_dim3A_146 = vector.broadcast %broadcast_in_dim3A_145 : vector<1x8x100xi1> to vector<4x8x100xi1>
    %select_n3A_147 = arith.select %broadcast_in_dim3A_146, %get3A_144, %select_n3A_134 : vector<4x8x100xi1>, vector<4x8x100xf32>
    %eq3A_148 = arith.constant 12 : i32
    %eq3A_149 = vector.broadcast %eq3A_148 : i32 to vector<8x100xi32>
    %eq3A_150 = arith.cmpi eq, %get3A_1, %eq3A_149 : vector<8x100xi32>
    %broadcast_in_dim3A_151 = vector.shape_cast %eq3A_150 : vector<8x100xi1> to vector<1x8x100xi1>
    %get3A_152 = arith.constant 12 : index
    %get3A_153 = arith.constant 0 : index
    %get3A_154 = arith.constant 0 : index
    %get3A_155 = arith.constant 0 : index
    %get3A_156 = vector.load %arg2[%get3A_152, %get3A_153, %get3A_154, %get3A_155] : memref<91x4x8x100xf32, #tpu.memory_space<vmem>>, vector<1x4x8x100xf32>
    %get3A_157 = vector.shape_cast %get3A_156 : vector<1x4x8x100xf32> to vector<4x8x100xf32>
    %broadcast_in_dim3A_158 = vector.shape_cast %broadcast_in_dim3A_151 : vector<1x8x100xi1> to vector<1x8x100xi1>
    %broadcast_in_dim3A_159 = vector.broadcast %broadcast_in_dim3A_158 : vector<1x8x100xi1> to vector<4x8x100xi1>
    %select_n3A_160 = arith.select %broadcast_in_dim3A_159, %get3A_157, %select_n3A_147 : vector<4x8x100xi1>, vector<4x8x100xf32>
    %eq3A_161 = arith.constant 13 : i32
    %eq3A_162 = vector.broadcast %eq3A_161 : i32 to vector<8x100xi32>
    %eq3A_163 = arith.cmpi eq, %get3A_1, %eq3A_162 : vector<8x100xi32>
    %broadcast_in_dim3A_164 = vector.shape_cast %eq3A_163 : vector<8x100xi1> to vector<1x8x100xi1>
    %get3A_165 = arith.constant 13 : index
    %get3A_166 = arith.constant 0 : index
    %get3A_167 = arith.constant 0 : index
    %get3A_168 = arith.constant 0 : index
    %get3A_169 = vector.load %arg2[%get3A_165, %get3A_166, %get3A_167, %get3A_168] : memref<91x4x8x100xf32, #tpu.memory_space<vmem>>, vector<1x4x8x100xf32>
    %get3A_170 = vector.shape_cast %get3A_169 : vector<1x4x8x100xf32> to vector<4x8x100xf32>
    %broadcast_in_dim3A_171 = vector.shape_cast %broadcast_in_dim3A_164 : vector<1x8x100xi1> to vector<1x8x100xi1>
    %broadcast_in_dim3A_172 = vector.broadcast %broadcast_in_dim3A_171 : vector<1x8x100xi1> to vector<4x8x100xi1>
    %select_n3A_173 = arith.select %broadcast_in_dim3A_172, %get3A_170, %select_n3A_160 : vector<4x8x100xi1>, vector<4x8x100xf32>
    %eq3A_174 = arith.constant 14 : i32
    %eq3A_175 = vector.broadcast %eq3A_174 : i32 to vector<8x100xi32>
    %eq3A_176 = arith.cmpi eq, %get3A_1, %eq3A_175 : vector<8x100xi32>
    %broadcast_in_dim3A_177 = vector.shape_cast %eq3A_176 : vector<8x100xi1> to vector<1x8x100xi1>
    %get3A_178 = arith.constant 14 : index
    %get3A_179 = arith.constant 0 : index
    %get3A_180 = arith.constant 0 : index
    %get3A_181 = arith.constant 0 : index
    %get3A_182 = vector.load %arg2[%get3A_178, %get3A_179, %get3A_180, %get3A_181] : memref<91x4x8x100xf32, #tpu.memory_space<vmem>>, vector<1x4x8x100xf32>
    %get3A_183 = vector.shape_cast %get3A_182 : vector<1x4x8x100xf32> to vector<4x8x100xf32>
    %broadcast_in_dim3A_184 = vector.shape_cast %broadcast_in_dim3A_177 : vector<1x8x100xi1> to vector<1x8x100xi1>
    %broadcast_in_dim3A_185 = vector.broadcast %broadcast_in_dim3A_184 : vector<1x8x100xi1> to vector<4x8x100xi1>
    %select_n3A_186 = arith.select %broadcast_in_dim3A_185, %get3A_183, %select_n3A_173 : vector<4x8x100xi1>, vector<4x8x100xf32>
    %eq3A_187 = arith.constant 15 : i32
    %eq3A_188 = vector.broadcast %eq3A_187 : i32 to vector<8x100xi32>
    %eq3A_189 = arith.cmpi eq, %get3A_1, %eq3A_188 : vector<8x100xi32>
    %broadcast_in_dim3A_190 = vector.shape_cast %eq3A_189 : vector<8x100xi1> to vector<1x8x100xi1>
    %get3A_191 = arith.constant 15 : index
    %get3A_192 = arith.constant 0 : index
    %get3A_193 = arith.constant 0 : index
    %get3A_194 = arith.constant 0 : index
    %get3A_195 = vector.load %arg2[%get3A_191, %get3A_192, %get3A_193, %get3A_194] : memref<91x4x8x100xf32, #tpu.memory_space<vmem>>, vector<1x4x8x100xf32>
    %get3A_196 = vector.shape_cast %get3A_195 : vector<1x4x8x100xf32> to vector<4x8x100xf32>
    %broadcast_in_dim3A_197 = vector.shape_cast %broadcast_in_dim3A_190 : vector<1x8x100xi1> to vector<1x8x100xi1>
    %broadcast_in_dim3A_198 = vector.broadcast %broadcast_in_dim3A_197 : vector<1x8x100xi1> to vector<4x8x100xi1>
    %select_n3A_199 = arith.select %broadcast_in_dim3A_198, %get3A_196, %select_n3A_186 : vector<4x8x100xi1>, vector<4x8x100xf32>
    %eq3A_200 = arith.constant 16 : i32
    %eq3A_201 = vector.broadcast %eq3A_200 : i32 to vector<8x100xi32>
    %eq3A_202 = arith.cmpi eq, %get3A_1, %eq3A_201 : vector<8x100xi32>
    %broadcast_in_dim3A_203 = vector.shape_cast %eq3A_202 : vector<8x100xi1> to vector<1x8x100xi1>
    %get3A_204 = arith.constant 16 : index
    %get3A_205 = arith.constant 0 : index
    %get3A_206 = arith.constant 0 : index
    %get3A_207 = arith.constant 0 : index
    %get3A_208 = vector.load %arg2[%get3A_204, %get3A_205, %get3A_206, %get3A_207] : memref<91x4x8x100xf32, #tpu.memory_space<vmem>>, vector<1x4x8x100xf32>
    %get3A_209 = vector.shape_cast %get3A_208 : vector<1x4x8x100xf32> to vector<4x8x100xf32>
    %broadcast_in_dim3A_210 = vector.shape_cast %broadcast_in_dim3A_203 : vector<1x8x100xi1> to vector<1x8x100xi1>
    %broadcast_in_dim3A_211 = vector.broadcast %broadcast_in_dim3A_210 : vector<1x8x100xi1> to vector<4x8x100xi1>
    %select_n3A_212 = arith.select %broadcast_in_dim3A_211, %get3A_209, %select_n3A_199 : vector<4x8x100xi1>, vector<4x8x100xf32>
    %eq3A_213 = arith.constant 17 : i32
    %eq3A_214 = vector.broadcast %eq3A_213 : i32 to vector<8x100xi32>
    %eq3A_215 = arith.cmpi eq, %get3A_1, %eq3A_214 : vector<8x100xi32>
    %broadcast_in_dim3A_216 = vector.shape_cast %eq3A_215 : vector<8x100xi1> to vector<1x8x100xi1>
    %get3A_217 = arith.constant 17 : index
    %get3A_218 = arith.constant 0 : index
    %get3A_219 = arith.constant 0 : index
    %get3A_220 = arith.constant 0 : index
    %get3A_221 = vector.load %arg2[%get3A_217, %get3A_218, %get3A_219, %get3A_220] : memref<91x4x8x100xf32, #tpu.memory_space<vmem>>, vector<1x4x8x100xf32>
    %get3A_222 = vector.shape_cast %get3A_221 : vector<1x4x8x100xf32> to vector<4x8x100xf32>
    %broadcast_in_dim3A_223 = vector.shape_cast %broadcast_in_dim3A_216 : vector<1x8x100xi1> to vector<1x8x100xi1>
    %broadcast_in_dim3A_224 = vector.broadcast %broadcast_in_dim3A_223 : vector<1x8x100xi1> to vector<4x8x100xi1>
    %select_n3A_225 = arith.select %broadcast_in_dim3A_224, %get3A_222, %select_n3A_212 : vector<4x8x100xi1>, vector<4x8x100xf32>
    %eq3A_226 = arith.constant 18 : i32
    %eq3A_227 = vector.broadcast %eq3A_226 : i32 to vector<8x100xi32>
    %eq3A_228 = arith.cmpi eq, %get3A_1, %eq3A_227 : vector<8x100xi32>
    %broadcast_in_dim3A_229 = vector.shape_cast %eq3A_228 : vector<8x100xi1> to vector<1x8x100xi1>
    %get3A_230 = arith.constant 18 : index
    %get3A_231 = arith.constant 0 : index
    %get3A_232 = arith.constant 0 : index
    %get3A_233 = arith.constant 0 : index
    %get3A_234 = vector.load %arg2[%get3A_230, %get3A_231, %get3A_232, %get3A_233] : memref<91x4x8x100xf32, #tpu.memory_space<vmem>>, vector<1x4x8x100xf32>
    %get3A_235 = vector.shape_cast %get3A_234 : vector<1x4x8x100xf32> to vector<4x8x100xf32>
    %broadcast_in_dim3A_236 = vector.shape_cast %broadcast_in_dim3A_229 : vector<1x8x100xi1> to vector<1x8x100xi1>
    %broadcast_in_dim3A_237 = vector.broadcast %broadcast_in_dim3A_236 : vector<1x8x100xi1> to vector<4x8x100xi1>
    %select_n3A_238 = arith.select %broadcast_in_dim3A_237, %get3A_235, %select_n3A_225 : vector<4x8x100xi1>, vector<4x8x100xf32>
    %eq3A_239 = arith.constant 19 : i32
    %eq3A_240 = vector.broadcast %eq3A_239 : i32 to vector<8x100xi32>
    %eq3A_241 = arith.cmpi eq, %get3A_1, %eq3A_240 : vector<8x100xi32>
    %broadcast_in_dim3A_242 = vector.shape_cast %eq3A_241 : vector<8x100xi1> to vector<1x8x100xi1>
    %get3A_243 = arith.constant 19 : index
    %get3A_244 = arith.constant 0 : index
    %get3A_245 = arith.constant 0 : index
    %get3A_246 = arith.constant 0 : index
    %get3A_247 = vector.load %arg2[%get3A_243, %get3A_244, %get3A_245, %get3A_246] : memref<91x4x8x100xf32, #tpu.memory_space<vmem>>, vector<1x4x8x100xf32>
    %get3A_248 = vector.shape_cast %get3A_247 : vector<1x4x8x100xf32> to vector<4x8x100xf32>
    %broadcast_in_dim3A_249 = vector.shape_cast %broadcast_in_dim3A_242 : vector<1x8x100xi1> to vector<1x8x100xi1>
    %broadcast_in_dim3A_250 = vector.broadcast %broadcast_in_dim3A_249 : vector<1x8x100xi1> to vector<4x8x100xi1>
    %select_n3A_251 = arith.select %broadcast_in_dim3A_250, %get3A_248, %select_n3A_238 : vector<4x8x100xi1>, vector<4x8x100xf32>
    %eq3A_252 = arith.constant 20 : i32
    %eq3A_253 = vector.broadcast %eq3A_252 : i32 to vector<8x100xi32>
    %eq3A_254 = arith.cmpi eq, %get3A_1, %eq3A_253 : vector<8x100xi32>
    %broadcast_in_dim3A_255 = vector.shape_cast %eq3A_254 : vector<8x100xi1> to vector<1x8x100xi1>
    %get3A_256 = arith.constant 20 : index
    %get3A_257 = arith.constant 0 : index
    %get3A_258 = arith.constant 0 : index
    %get3A_259 = arith.constant 0 : index
    %get3A_260 = vector.load %arg2[%get3A_256, %get3A_257, %get3A_258, %get3A_259] : memref<91x4x8x100xf32, #tpu.memory_space<vmem>>, vector<1x4x8x100xf32>
    %get3A_261 = vector.shape_cast %get3A_260 : vector<1x4x8x100xf32> to vector<4x8x100xf32>
    %broadcast_in_dim3A_262 = vector.shape_cast %broadcast_in_dim3A_255 : vector<1x8x100xi1> to vector<1x8x100xi1>
    %broadcast_in_dim3A_263 = vector.broadcast %broadcast_in_dim3A_262 : vector<1x8x100xi1> to vector<4x8x100xi1>
    %select_n3A_264 = arith.select %broadcast_in_dim3A_263, %get3A_261, %select_n3A_251 : vector<4x8x100xi1>, vector<4x8x100xf32>
    %eq3A_265 = arith.constant 21 : i32
    %eq3A_266 = vector.broadcast %eq3A_265 : i32 to vector<8x100xi32>
    %eq3A_267 = arith.cmpi eq, %get3A_1, %eq3A_266 : vector<8x100xi32>
    %broadcast_in_dim3A_268 = vector.shape_cast %eq3A_267 : vector<8x100xi1> to vector<1x8x100xi1>
    %get3A_269 = arith.constant 21 : index
    %get3A_270 = arith.constant 0 : index
    %get3A_271 = arith.constant 0 : index
    %get3A_272 = arith.constant 0 : index
    %get3A_273 = vector.load %arg2[%get3A_269, %get3A_270, %get3A_271, %get3A_272] : memref<91x4x8x100xf32, #tpu.memory_space<vmem>>, vector<1x4x8x100xf32>
    %get3A_274 = vector.shape_cast %get3A_273 : vector<1x4x8x100xf32> to vector<4x8x100xf32>
    %broadcast_in_dim3A_275 = vector.shape_cast %broadcast_in_dim3A_268 : vector<1x8x100xi1> to vector<1x8x100xi1>
    %broadcast_in_dim3A_276 = vector.broadcast %broadcast_in_dim3A_275 : vector<1x8x100xi1> to vector<4x8x100xi1>
    %select_n3A_277 = arith.select %broadcast_in_dim3A_276, %get3A_274, %select_n3A_264 : vector<4x8x100xi1>, vector<4x8x100xf32>
    %eq3A_278 = arith.constant 22 : i32
    %eq3A_279 = vector.broadcast %eq3A_278 : i32 to vector<8x100xi32>
    %eq3A_280 = arith.cmpi eq, %get3A_1, %eq3A_279 : vector<8x100xi32>
    %broadcast_in_dim3A_281 = vector.shape_cast %eq3A_280 : vector<8x100xi1> to vector<1x8x100xi1>
    %get3A_282 = arith.constant 22 : index
    %get3A_283 = arith.constant 0 : index
    %get3A_284 = arith.constant 0 : index
    %get3A_285 = arith.constant 0 : index
    %get3A_286 = vector.load %arg2[%get3A_282, %get3A_283, %get3A_284, %get3A_285] : memref<91x4x8x100xf32, #tpu.memory_space<vmem>>, vector<1x4x8x100xf32>
    %get3A_287 = vector.shape_cast %get3A_286 : vector<1x4x8x100xf32> to vector<4x8x100xf32>
    %broadcast_in_dim3A_288 = vector.shape_cast %broadcast_in_dim3A_281 : vector<1x8x100xi1> to vector<1x8x100xi1>
    %broadcast_in_dim3A_289 = vector.broadcast %broadcast_in_dim3A_288 : vector<1x8x100xi1> to vector<4x8x100xi1>
    %select_n3A_290 = arith.select %broadcast_in_dim3A_289, %get3A_287, %select_n3A_277 : vector<4x8x100xi1>, vector<4x8x100xf32>
    %eq3A_291 = arith.constant 23 : i32
    %eq3A_292 = vector.broadcast %eq3A_291 : i32 to vector<8x100xi32>
    %eq3A_293 = arith.cmpi eq, %get3A_1, %eq3A_292 : vector<8x100xi32>
    %broadcast_in_dim3A_294 = vector.shape_cast %eq3A_293 : vector<8x100xi1> to vector<1x8x100xi1>
    %get3A_295 = arith.constant 23 : index
    %get3A_296 = arith.constant 0 : index
    %get3A_297 = arith.constant 0 : index
    %get3A_298 = arith.constant 0 : index
    %get3A_299 = vector.load %arg2[%get3A_295, %get3A_296, %get3A_297, %get3A_298] : memref<91x4x8x100xf32, #tpu.memory_space<vmem>>, vector<1x4x8x100xf32>
    %get3A_300 = vector.shape_cast %get3A_299 : vector<1x4x8x100xf32> to vector<4x8x100xf32>
    %broadcast_in_dim3A_301 = vector.shape_cast %broadcast_in_dim3A_294 : vector<1x8x100xi1> to vector<1x8x100xi1>
    %broadcast_in_dim3A_302 = vector.broadcast %broadcast_in_dim3A_301 : vector<1x8x100xi1> to vector<4x8x100xi1>
    %select_n3A_303 = arith.select %broadcast_in_dim3A_302, %get3A_300, %select_n3A_290 : vector<4x8x100xi1>, vector<4x8x100xf32>
    %eq3A_304 = arith.constant 24 : i32
    %eq3A_305 = vector.broadcast %eq3A_304 : i32 to vector<8x100xi32>
    %eq3A_306 = arith.cmpi eq, %get3A_1, %eq3A_305 : vector<8x100xi32>
    %broadcast_in_dim3A_307 = vector.shape_cast %eq3A_306 : vector<8x100xi1> to vector<1x8x100xi1>
    %get3A_308 = arith.constant 24 : index
    %get3A_309 = arith.constant 0 : index
    %get3A_310 = arith.constant 0 : index
    %get3A_311 = arith.constant 0 : index
    %get3A_312 = vector.load %arg2[%get3A_308, %get3A_309, %get3A_310, %get3A_311] : memref<91x4x8x100xf32, #tpu.memory_space<vmem>>, vector<1x4x8x100xf32>
    %get3A_313 = vector.shape_cast %get3A_312 : vector<1x4x8x100xf32> to vector<4x8x100xf32>
    %broadcast_in_dim3A_314 = vector.shape_cast %broadcast_in_dim3A_307 : vector<1x8x100xi1> to vector<1x8x100xi1>
    %broadcast_in_dim3A_315 = vector.broadcast %broadcast_in_dim3A_314 : vector<1x8x100xi1> to vector<4x8x100xi1>
    %select_n3A_316 = arith.select %broadcast_in_dim3A_315, %get3A_313, %select_n3A_303 : vector<4x8x100xi1>, vector<4x8x100xf32>
    %eq3A_317 = arith.constant 25 : i32
    %eq3A_318 = vector.broadcast %eq3A_317 : i32 to vector<8x100xi32>
    %eq3A_319 = arith.cmpi eq, %get3A_1, %eq3A_318 : vector<8x100xi32>
    %broadcast_in_dim3A_320 = vector.shape_cast %eq3A_319 : vector<8x100xi1> to vector<1x8x100xi1>
    %get3A_321 = arith.constant 25 : index
    %get3A_322 = arith.constant 0 : index
    %get3A_323 = arith.constant 0 : index
    %get3A_324 = arith.constant 0 : index
    %get3A_325 = vector.load %arg2[%get3A_321, %get3A_322, %get3A_323, %get3A_324] : memref<91x4x8x100xf32, #tpu.memory_space<vmem>>, vector<1x4x8x100xf32>
    %get3A_326 = vector.shape_cast %get3A_325 : vector<1x4x8x100xf32> to vector<4x8x100xf32>
    %broadcast_in_dim3A_327 = vector.shape_cast %broadcast_in_dim3A_320 : vector<1x8x100xi1> to vector<1x8x100xi1>
    %broadcast_in_dim3A_328 = vector.broadcast %broadcast_in_dim3A_327 : vector<1x8x100xi1> to vector<4x8x100xi1>
    %select_n3A_329 = arith.select %broadcast_in_dim3A_328, %get3A_326, %select_n3A_316 : vector<4x8x100xi1>, vector<4x8x100xf32>
    %eq3A_330 = arith.constant 26 : i32
    %eq3A_331 = vector.broadcast %eq3A_330 : i32 to vector<8x100xi32>
    %eq3A_332 = arith.cmpi eq, %get3A_1, %eq3A_331 : vector<8x100xi32>
    %broadcast_in_dim3A_333 = vector.shape_cast %eq3A_332 : vector<8x100xi1> to vector<1x8x100xi1>
    %get3A_334 = arith.constant 26 : index
    %get3A_335 = arith.constant 0 : index
    %get3A_336 = arith.constant 0 : index
    %get3A_337 = arith.constant 0 : index
    %get3A_338 = vector.load %arg2[%get3A_334, %get3A_335, %get3A_336, %get3A_337] : memref<91x4x8x100xf32, #tpu.memory_space<vmem>>, vector<1x4x8x100xf32>
    %get3A_339 = vector.shape_cast %get3A_338 : vector<1x4x8x100xf32> to vector<4x8x100xf32>
    %broadcast_in_dim3A_340 = vector.shape_cast %broadcast_in_dim3A_333 : vector<1x8x100xi1> to vector<1x8x100xi1>
    %broadcast_in_dim3A_341 = vector.broadcast %broadcast_in_dim3A_340 : vector<1x8x100xi1> to vector<4x8x100xi1>
    %select_n3A_342 = arith.select %broadcast_in_dim3A_341, %get3A_339, %select_n3A_329 : vector<4x8x100xi1>, vector<4x8x100xf32>
    %eq3A_343 = arith.constant 27 : i32
    %eq3A_344 = vector.broadcast %eq3A_343 : i32 to vector<8x100xi32>
    %eq3A_345 = arith.cmpi eq, %get3A_1, %eq3A_344 : vector<8x100xi32>
    %broadcast_in_dim3A_346 = vector.shape_cast %eq3A_345 : vector<8x100xi1> to vector<1x8x100xi1>
    %get3A_347 = arith.constant 27 : index
    %get3A_348 = arith.constant 0 : index
    %get3A_349 = arith.constant 0 : index
    %get3A_350 = arith.constant 0 : index
    %get3A_351 = vector.load %arg2[%get3A_347, %get3A_348, %get3A_349, %get3A_350] : memref<91x4x8x100xf32, #tpu.memory_space<vmem>>, vector<1x4x8x100xf32>
    %get3A_352 = vector.shape_cast %get3A_351 : vector<1x4x8x100xf32> to vector<4x8x100xf32>
    %broadcast_in_dim3A_353 = vector.shape_cast %broadcast_in_dim3A_346 : vector<1x8x100xi1> to vector<1x8x100xi1>
    %broadcast_in_dim3A_354 = vector.broadcast %broadcast_in_dim3A_353 : vector<1x8x100xi1> to vector<4x8x100xi1>
    %select_n3A_355 = arith.select %broadcast_in_dim3A_354, %get3A_352, %select_n3A_342 : vector<4x8x100xi1>, vector<4x8x100xf32>
    %eq3A_356 = arith.constant 28 : i32
    %eq3A_357 = vector.broadcast %eq3A_356 : i32 to vector<8x100xi32>
    %eq3A_358 = arith.cmpi eq, %get3A_1, %eq3A_357 : vector<8x100xi32>
    %broadcast_in_dim3A_359 = vector.shape_cast %eq3A_358 : vector<8x100xi1> to vector<1x8x100xi1>
    %get3A_360 = arith.constant 28 : index
    %get3A_361 = arith.constant 0 : index
    %get3A_362 = arith.constant 0 : index
    %get3A_363 = arith.constant 0 : index
    %get3A_364 = vector.load %arg2[%get3A_360, %get3A_361, %get3A_362, %get3A_363] : memref<91x4x8x100xf32, #tpu.memory_space<vmem>>, vector<1x4x8x100xf32>
    %get3A_365 = vector.shape_cast %get3A_364 : vector<1x4x8x100xf32> to vector<4x8x100xf32>
    %broadcast_in_dim3A_366 = vector.shape_cast %broadcast_in_dim3A_359 : vector<1x8x100xi1> to vector<1x8x100xi1>
    %broadcast_in_dim3A_367 = vector.broadcast %broadcast_in_dim3A_366 : vector<1x8x100xi1> to vector<4x8x100xi1>
    %select_n3A_368 = arith.select %broadcast_in_dim3A_367, %get3A_365, %select_n3A_355 : vector<4x8x100xi1>, vector<4x8x100xf32>
    %eq3A_369 = arith.constant 29 : i32
    %eq3A_370 = vector.broadcast %eq3A_369 : i32 to vector<8x100xi32>
    %eq3A_371 = arith.cmpi eq, %get3A_1, %eq3A_370 : vector<8x100xi32>
    %broadcast_in_dim3A_372 = vector.shape_cast %eq3A_371 : vector<8x100xi1> to vector<1x8x100xi1>
    %get3A_373 = arith.constant 29 : index
    %get3A_374 = arith.constant 0 : index
    %get3A_375 = arith.constant 0 : index
    %get3A_376 = arith.constant 0 : index
    %get3A_377 = vector.load %arg2[%get3A_373, %get3A_374, %get3A_375, %get3A_376] : memref<91x4x8x100xf32, #tpu.memory_space<vmem>>, vector<1x4x8x100xf32>
    %get3A_378 = vector.shape_cast %get3A_377 : vector<1x4x8x100xf32> to vector<4x8x100xf32>
    %broadcast_in_dim3A_379 = vector.shape_cast %broadcast_in_dim3A_372 : vector<1x8x100xi1> to vector<1x8x100xi1>
    %broadcast_in_dim3A_380 = vector.broadcast %broadcast_in_dim3A_379 : vector<1x8x100xi1> to vector<4x8x100xi1>
    %select_n3A_381 = arith.select %broadcast_in_dim3A_380, %get3A_378, %select_n3A_368 : vector<4x8x100xi1>, vector<4x8x100xf32>
    %eq3A_382 = arith.constant 30 : i32
    %eq3A_383 = vector.broadcast %eq3A_382 : i32 to vector<8x100xi32>
    %eq3A_384 = arith.cmpi eq, %get3A_1, %eq3A_383 : vector<8x100xi32>
    %broadcast_in_dim3A_385 = vector.shape_cast %eq3A_384 : vector<8x100xi1> to vector<1x8x100xi1>
    %get3A_386 = arith.constant 30 : index
    %get3A_387 = arith.constant 0 : index
    %get3A_388 = arith.constant 0 : index
    %get3A_389 = arith.constant 0 : index
    %get3A_390 = vector.load %arg2[%get3A_386, %get3A_387, %get3A_388, %get3A_389] : memref<91x4x8x100xf32, #tpu.memory_space<vmem>>, vector<1x4x8x100xf32>
    %get3A_391 = vector.shape_cast %get3A_390 : vector<1x4x8x100xf32> to vector<4x8x100xf32>
    %broadcast_in_dim3A_392 = vector.shape_cast %broadcast_in_dim3A_385 : vector<1x8x100xi1> to vector<1x8x100xi1>
    %broadcast_in_dim3A_393 = vector.broadcast %broadcast_in_dim3A_392 : vector<1x8x100xi1> to vector<4x8x100xi1>
    %select_n3A_394 = arith.select %broadcast_in_dim3A_393, %get3A_391, %select_n3A_381 : vector<4x8x100xi1>, vector<4x8x100xf32>
    %eq3A_395 = arith.constant 31 : i32
    %eq3A_396 = vector.broadcast %eq3A_395 : i32 to vector<8x100xi32>
    %eq3A_397 = arith.cmpi eq, %get3A_1, %eq3A_396 : vector<8x100xi32>
    %broadcast_in_dim3A_398 = vector.shape_cast %eq3A_397 : vector<8x100xi1> to vector<1x8x100xi1>
    %get3A_399 = arith.constant 31 : index
    %get3A_400 = arith.constant 0 : index
    %get3A_401 = arith.constant 0 : index
    %get3A_402 = arith.constant 0 : index
    %get3A_403 = vector.load %arg2[%get3A_399, %get3A_400, %get3A_401, %get3A_402] : memref<91x4x8x100xf32, #tpu.memory_space<vmem>>, vector<1x4x8x100xf32>
    %get3A_404 = vector.shape_cast %get3A_403 : vector<1x4x8x100xf32> to vector<4x8x100xf32>
    %broadcast_in_dim3A_405 = vector.shape_cast %broadcast_in_dim3A_398 : vector<1x8x100xi1> to vector<1x8x100xi1>
    %broadcast_in_dim3A_406 = vector.broadcast %broadcast_in_dim3A_405 : vector<1x8x100xi1> to vector<4x8x100xi1>
    %select_n3A_407 = arith.select %broadcast_in_dim3A_406, %get3A_404, %select_n3A_394 : vector<4x8x100xi1>, vector<4x8x100xf32>
    %eq3A_408 = arith.constant 32 : i32
    %eq3A_409 = vector.broadcast %eq3A_408 : i32 to vector<8x100xi32>
    %eq3A_410 = arith.cmpi eq, %get3A_1, %eq3A_409 : vector<8x100xi32>
    %broadcast_in_dim3A_411 = vector.shape_cast %eq3A_410 : vector<8x100xi1> to vector<1x8x100xi1>
    %get3A_412 = arith.constant 32 : index
    %get3A_413 = arith.constant 0 : index
    %get3A_414 = arith.constant 0 : index
    %get3A_415 = arith.constant 0 : index
    %get3A_416 = vector.load %arg2[%get3A_412, %get3A_413, %get3A_414, %get3A_415] : memref<91x4x8x100xf32, #tpu.memory_space<vmem>>, vector<1x4x8x100xf32>
    %get3A_417 = vector.shape_cast %get3A_416 : vector<1x4x8x100xf32> to vector<4x8x100xf32>
    %broadcast_in_dim3A_418 = vector.shape_cast %broadcast_in_dim3A_411 : vector<1x8x100xi1> to vector<1x8x100xi1>
    %broadcast_in_dim3A_419 = vector.broadcast %broadcast_in_dim3A_418 : vector<1x8x100xi1> to vector<4x8x100xi1>
    %select_n3A_420 = arith.select %broadcast_in_dim3A_419, %get3A_417, %select_n3A_407 : vector<4x8x100xi1>, vector<4x8x100xf32>
    %eq3A_421 = arith.constant 33 : i32
    %eq3A_422 = vector.broadcast %eq3A_421 : i32 to vector<8x100xi32>
    %eq3A_423 = arith.cmpi eq, %get3A_1, %eq3A_422 : vector<8x100xi32>
    %broadcast_in_dim3A_424 = vector.shape_cast %eq3A_423 : vector<8x100xi1> to vector<1x8x100xi1>
    %get3A_425 = arith.constant 33 : index
    %get3A_426 = arith.constant 0 : index
    %get3A_427 = arith.constant 0 : index
    %get3A_428 = arith.constant 0 : index
    %get3A_429 = vector.load %arg2[%get3A_425, %get3A_426, %get3A_427, %get3A_428] : memref<91x4x8x100xf32, #tpu.memory_space<vmem>>, vector<1x4x8x100xf32>
    %get3A_430 = vector.shape_cast %get3A_429 : vector<1x4x8x100xf32> to vector<4x8x100xf32>
    %broadcast_in_dim3A_431 = vector.shape_cast %broadcast_in_dim3A_424 : vector<1x8x100xi1> to vector<1x8x100xi1>
    %broadcast_in_dim3A_432 = vector.broadcast %broadcast_in_dim3A_431 : vector<1x8x100xi1> to vector<4x8x100xi1>
    %select_n3A_433 = arith.select %broadcast_in_dim3A_432, %get3A_430, %select_n3A_420 : vector<4x8x100xi1>, vector<4x8x100xf32>
    %eq3A_434 = arith.constant 34 : i32
    %eq3A_435 = vector.broadcast %eq3A_434 : i32 to vector<8x100xi32>
    %eq3A_436 = arith.cmpi eq, %get3A_1, %eq3A_435 : vector<8x100xi32>
    %broadcast_in_dim3A_437 = vector.shape_cast %eq3A_436 : vector<8x100xi1> to vector<1x8x100xi1>
    %get3A_438 = arith.constant 34 : index
    %get3A_439 = arith.constant 0 : index
    %get3A_440 = arith.constant 0 : index
    %get3A_441 = arith.constant 0 : index
    %get3A_442 = vector.load %arg2[%get3A_438, %get3A_439, %get3A_440, %get3A_441] : memref<91x4x8x100xf32, #tpu.memory_space<vmem>>, vector<1x4x8x100xf32>
    %get3A_443 = vector.shape_cast %get3A_442 : vector<1x4x8x100xf32> to vector<4x8x100xf32>
    %broadcast_in_dim3A_444 = vector.shape_cast %broadcast_in_dim3A_437 : vector<1x8x100xi1> to vector<1x8x100xi1>
    %broadcast_in_dim3A_445 = vector.broadcast %broadcast_in_dim3A_444 : vector<1x8x100xi1> to vector<4x8x100xi1>
    %select_n3A_446 = arith.select %broadcast_in_dim3A_445, %get3A_443, %select_n3A_433 : vector<4x8x100xi1>, vector<4x8x100xf32>
    %eq3A_447 = arith.constant 35 : i32
    %eq3A_448 = vector.broadcast %eq3A_447 : i32 to vector<8x100xi32>
    %eq3A_449 = arith.cmpi eq, %get3A_1, %eq3A_448 : vector<8x100xi32>
    %broadcast_in_dim3A_450 = vector.shape_cast %eq3A_449 : vector<8x100xi1> to vector<1x8x100xi1>
    %get3A_451 = arith.constant 35 : index
    %get3A_452 = arith.constant 0 : index
    %get3A_453 = arith.constant 0 : index
    %get3A_454 = arith.constant 0 : index
    %get3A_455 = vector.load %arg2[%get3A_451, %get3A_452, %get3A_453, %get3A_454] : memref<91x4x8x100xf32, #tpu.memory_space<vmem>>, vector<1x4x8x100xf32>
    %get3A_456 = vector.shape_cast %get3A_455 : vector<1x4x8x100xf32> to vector<4x8x100xf32>
    %broadcast_in_dim3A_457 = vector.shape_cast %broadcast_in_dim3A_450 : vector<1x8x100xi1> to vector<1x8x100xi1>
    %broadcast_in_dim3A_458 = vector.broadcast %broadcast_in_dim3A_457 : vector<1x8x100xi1> to vector<4x8x100xi1>
    %select_n3A_459 = arith.select %broadcast_in_dim3A_458, %get3A_456, %select_n3A_446 : vector<4x8x100xi1>, vector<4x8x100xf32>
    %eq3A_460 = arith.constant 36 : i32
    %eq3A_461 = vector.broadcast %eq3A_460 : i32 to vector<8x100xi32>
    %eq3A_462 = arith.cmpi eq, %get3A_1, %eq3A_461 : vector<8x100xi32>
    %broadcast_in_dim3A_463 = vector.shape_cast %eq3A_462 : vector<8x100xi1> to vector<1x8x100xi1>
    %get3A_464 = arith.constant 36 : index
    %get3A_465 = arith.constant 0 : index
    %get3A_466 = arith.constant 0 : index
    %get3A_467 = arith.constant 0 : index
    %get3A_468 = vector.load %arg2[%get3A_464, %get3A_465, %get3A_466, %get3A_467] : memref<91x4x8x100xf32, #tpu.memory_space<vmem>>, vector<1x4x8x100xf32>
    %get3A_469 = vector.shape_cast %get3A_468 : vector<1x4x8x100xf32> to vector<4x8x100xf32>
    %broadcast_in_dim3A_470 = vector.shape_cast %broadcast_in_dim3A_463 : vector<1x8x100xi1> to vector<1x8x100xi1>
    %broadcast_in_dim3A_471 = vector.broadcast %broadcast_in_dim3A_470 : vector<1x8x100xi1> to vector<4x8x100xi1>
    %select_n3A_472 = arith.select %broadcast_in_dim3A_471, %get3A_469, %select_n3A_459 : vector<4x8x100xi1>, vector<4x8x100xf32>
    %eq3A_473 = arith.constant 37 : i32
    %eq3A_474 = vector.broadcast %eq3A_473 : i32 to vector<8x100xi32>
    %eq3A_475 = arith.cmpi eq, %get3A_1, %eq3A_474 : vector<8x100xi32>
    %broadcast_in_dim3A_476 = vector.shape_cast %eq3A_475 : vector<8x100xi1> to vector<1x8x100xi1>
    %get3A_477 = arith.constant 37 : index
    %get3A_478 = arith.constant 0 : index
    %get3A_479 = arith.constant 0 : index
    %get3A_480 = arith.constant 0 : index
    %get3A_481 = vector.load %arg2[%get3A_477, %get3A_478, %get3A_479, %get3A_480] : memref<91x4x8x100xf32, #tpu.memory_space<vmem>>, vector<1x4x8x100xf32>
    %get3A_482 = vector.shape_cast %get3A_481 : vector<1x4x8x100xf32> to vector<4x8x100xf32>
    %broadcast_in_dim3A_483 = vector.shape_cast %broadcast_in_dim3A_476 : vector<1x8x100xi1> to vector<1x8x100xi1>
    %broadcast_in_dim3A_484 = vector.broadcast %broadcast_in_dim3A_483 : vector<1x8x100xi1> to vector<4x8x100xi1>
    %select_n3A_485 = arith.select %broadcast_in_dim3A_484, %get3A_482, %select_n3A_472 : vector<4x8x100xi1>, vector<4x8x100xf32>
    %eq3A_486 = arith.constant 38 : i32
    %eq3A_487 = vector.broadcast %eq3A_486 : i32 to vector<8x100xi32>
    %eq3A_488 = arith.cmpi eq, %get3A_1, %eq3A_487 : vector<8x100xi32>
    %broadcast_in_dim3A_489 = vector.shape_cast %eq3A_488 : vector<8x100xi1> to vector<1x8x100xi1>
    %get3A_490 = arith.constant 38 : index
    %get3A_491 = arith.constant 0 : index
    %get3A_492 = arith.constant 0 : index
    %get3A_493 = arith.constant 0 : index
    %get3A_494 = vector.load %arg2[%get3A_490, %get3A_491, %get3A_492, %get3A_493] : memref<91x4x8x100xf32, #tpu.memory_space<vmem>>, vector<1x4x8x100xf32>
    %get3A_495 = vector.shape_cast %get3A_494 : vector<1x4x8x100xf32> to vector<4x8x100xf32>
    %broadcast_in_dim3A_496 = vector.shape_cast %broadcast_in_dim3A_489 : vector<1x8x100xi1> to vector<1x8x100xi1>
    %broadcast_in_dim3A_497 = vector.broadcast %broadcast_in_dim3A_496 : vector<1x8x100xi1> to vector<4x8x100xi1>
    %select_n3A_498 = arith.select %broadcast_in_dim3A_497, %get3A_495, %select_n3A_485 : vector<4x8x100xi1>, vector<4x8x100xf32>
    %eq3A_499 = arith.constant 39 : i32
    %eq3A_500 = vector.broadcast %eq3A_499 : i32 to vector<8x100xi32>
    %eq3A_501 = arith.cmpi eq, %get3A_1, %eq3A_500 : vector<8x100xi32>
    %broadcast_in_dim3A_502 = vector.shape_cast %eq3A_501 : vector<8x100xi1> to vector<1x8x100xi1>
    %get3A_503 = arith.constant 39 : index
    %get3A_504 = arith.constant 0 : index
    %get3A_505 = arith.constant 0 : index
    %get3A_506 = arith.constant 0 : index
    %get3A_507 = vector.load %arg2[%get3A_503, %get3A_504, %get3A_505, %get3A_506] : memref<91x4x8x100xf32, #tpu.memory_space<vmem>>, vector<1x4x8x100xf32>
    %get3A_508 = vector.shape_cast %get3A_507 : vector<1x4x8x100xf32> to vector<4x8x100xf32>
    %broadcast_in_dim3A_509 = vector.shape_cast %broadcast_in_dim3A_502 : vector<1x8x100xi1> to vector<1x8x100xi1>
    %broadcast_in_dim3A_510 = vector.broadcast %broadcast_in_dim3A_509 : vector<1x8x100xi1> to vector<4x8x100xi1>
    %select_n3A_511 = arith.select %broadcast_in_dim3A_510, %get3A_508, %select_n3A_498 : vector<4x8x100xi1>, vector<4x8x100xf32>
    %eq3A_512 = arith.constant 40 : i32
    %eq3A_513 = vector.broadcast %eq3A_512 : i32 to vector<8x100xi32>
    %eq3A_514 = arith.cmpi eq, %get3A_1, %eq3A_513 : vector<8x100xi32>
    %broadcast_in_dim3A_515 = vector.shape_cast %eq3A_514 : vector<8x100xi1> to vector<1x8x100xi1>
    %get3A_516 = arith.constant 40 : index
    %get3A_517 = arith.constant 0 : index
    %get3A_518 = arith.constant 0 : index
    %get3A_519 = arith.constant 0 : index
    %get3A_520 = vector.load %arg2[%get3A_516, %get3A_517, %get3A_518, %get3A_519] : memref<91x4x8x100xf32, #tpu.memory_space<vmem>>, vector<1x4x8x100xf32>
    %get3A_521 = vector.shape_cast %get3A_520 : vector<1x4x8x100xf32> to vector<4x8x100xf32>
    %broadcast_in_dim3A_522 = vector.shape_cast %broadcast_in_dim3A_515 : vector<1x8x100xi1> to vector<1x8x100xi1>
    %broadcast_in_dim3A_523 = vector.broadcast %broadcast_in_dim3A_522 : vector<1x8x100xi1> to vector<4x8x100xi1>
    %select_n3A_524 = arith.select %broadcast_in_dim3A_523, %get3A_521, %select_n3A_511 : vector<4x8x100xi1>, vector<4x8x100xf32>
    %eq3A_525 = arith.constant 41 : i32
    %eq3A_526 = vector.broadcast %eq3A_525 : i32 to vector<8x100xi32>
    %eq3A_527 = arith.cmpi eq, %get3A_1, %eq3A_526 : vector<8x100xi32>
    %broadcast_in_dim3A_528 = vector.shape_cast %eq3A_527 : vector<8x100xi1> to vector<1x8x100xi1>
    %get3A_529 = arith.constant 41 : index
    %get3A_530 = arith.constant 0 : index
    %get3A_531 = arith.constant 0 : index
    %get3A_532 = arith.constant 0 : index
    %get3A_533 = vector.load %arg2[%get3A_529, %get3A_530, %get3A_531, %get3A_532] : memref<91x4x8x100xf32, #tpu.memory_space<vmem>>, vector<1x4x8x100xf32>
    %get3A_534 = vector.shape_cast %get3A_533 : vector<1x4x8x100xf32> to vector<4x8x100xf32>
    %broadcast_in_dim3A_535 = vector.shape_cast %broadcast_in_dim3A_528 : vector<1x8x100xi1> to vector<1x8x100xi1>
    %broadcast_in_dim3A_536 = vector.broadcast %broadcast_in_dim3A_535 : vector<1x8x100xi1> to vector<4x8x100xi1>
    %select_n3A_537 = arith.select %broadcast_in_dim3A_536, %get3A_534, %select_n3A_524 : vector<4x8x100xi1>, vector<4x8x100xf32>
    %eq3A_538 = arith.constant 42 : i32
    %eq3A_539 = vector.broadcast %eq3A_538 : i32 to vector<8x100xi32>
    %eq3A_540 = arith.cmpi eq, %get3A_1, %eq3A_539 : vector<8x100xi32>
    %broadcast_in_dim3A_541 = vector.shape_cast %eq3A_540 : vector<8x100xi1> to vector<1x8x100xi1>
    %get3A_542 = arith.constant 42 : index
    %get3A_543 = arith.constant 0 : index
    %get3A_544 = arith.constant 0 : index
    %get3A_545 = arith.constant 0 : index
    %get3A_546 = vector.load %arg2[%get3A_542, %get3A_543, %get3A_544, %get3A_545] : memref<91x4x8x100xf32, #tpu.memory_space<vmem>>, vector<1x4x8x100xf32>
    %get3A_547 = vector.shape_cast %get3A_546 : vector<1x4x8x100xf32> to vector<4x8x100xf32>
    %broadcast_in_dim3A_548 = vector.shape_cast %broadcast_in_dim3A_541 : vector<1x8x100xi1> to vector<1x8x100xi1>
    %broadcast_in_dim3A_549 = vector.broadcast %broadcast_in_dim3A_548 : vector<1x8x100xi1> to vector<4x8x100xi1>
    %select_n3A_550 = arith.select %broadcast_in_dim3A_549, %get3A_547, %select_n3A_537 : vector<4x8x100xi1>, vector<4x8x100xf32>
    %eq3A_551 = arith.constant 43 : i32
    %eq3A_552 = vector.broadcast %eq3A_551 : i32 to vector<8x100xi32>
    %eq3A_553 = arith.cmpi eq, %get3A_1, %eq3A_552 : vector<8x100xi32>
    %broadcast_in_dim3A_554 = vector.shape_cast %eq3A_553 : vector<8x100xi1> to vector<1x8x100xi1>
    %get3A_555 = arith.constant 43 : index
    %get3A_556 = arith.constant 0 : index
    %get3A_557 = arith.constant 0 : index
    %get3A_558 = arith.constant 0 : index
    %get3A_559 = vector.load %arg2[%get3A_555, %get3A_556, %get3A_557, %get3A_558] : memref<91x4x8x100xf32, #tpu.memory_space<vmem>>, vector<1x4x8x100xf32>
    %get3A_560 = vector.shape_cast %get3A_559 : vector<1x4x8x100xf32> to vector<4x8x100xf32>
    %broadcast_in_dim3A_561 = vector.shape_cast %broadcast_in_dim3A_554 : vector<1x8x100xi1> to vector<1x8x100xi1>
    %broadcast_in_dim3A_562 = vector.broadcast %broadcast_in_dim3A_561 : vector<1x8x100xi1> to vector<4x8x100xi1>
    %select_n3A_563 = arith.select %broadcast_in_dim3A_562, %get3A_560, %select_n3A_550 : vector<4x8x100xi1>, vector<4x8x100xf32>
    %eq3A_564 = arith.constant 44 : i32
    %eq3A_565 = vector.broadcast %eq3A_564 : i32 to vector<8x100xi32>
    %eq3A_566 = arith.cmpi eq, %get3A_1, %eq3A_565 : vector<8x100xi32>
    %broadcast_in_dim3A_567 = vector.shape_cast %eq3A_566 : vector<8x100xi1> to vector<1x8x100xi1>
    %get3A_568 = arith.constant 44 : index
    %get3A_569 = arith.constant 0 : index
    %get3A_570 = arith.constant 0 : index
    %get3A_571 = arith.constant 0 : index
    %get3A_572 = vector.load %arg2[%get3A_568, %get3A_569, %get3A_570, %get3A_571] : memref<91x4x8x100xf32, #tpu.memory_space<vmem>>, vector<1x4x8x100xf32>
    %get3A_573 = vector.shape_cast %get3A_572 : vector<1x4x8x100xf32> to vector<4x8x100xf32>
    %broadcast_in_dim3A_574 = vector.shape_cast %broadcast_in_dim3A_567 : vector<1x8x100xi1> to vector<1x8x100xi1>
    %broadcast_in_dim3A_575 = vector.broadcast %broadcast_in_dim3A_574 : vector<1x8x100xi1> to vector<4x8x100xi1>
    %select_n3A_576 = arith.select %broadcast_in_dim3A_575, %get3A_573, %select_n3A_563 : vector<4x8x100xi1>, vector<4x8x100xf32>
    %eq3A_577 = arith.constant 45 : i32
    %eq3A_578 = vector.broadcast %eq3A_577 : i32 to vector<8x100xi32>
    %eq3A_579 = arith.cmpi eq, %get3A_1, %eq3A_578 : vector<8x100xi32>
    %broadcast_in_dim3A_580 = vector.shape_cast %eq3A_579 : vector<8x100xi1> to vector<1x8x100xi1>
    %get3A_581 = arith.constant 45 : index
    %get3A_582 = arith.constant 0 : index
    %get3A_583 = arith.constant 0 : index
    %get3A_584 = arith.constant 0 : index
    %get3A_585 = vector.load %arg2[%get3A_581, %get3A_582, %get3A_583, %get3A_584] : memref<91x4x8x100xf32, #tpu.memory_space<vmem>>, vector<1x4x8x100xf32>
    %get3A_586 = vector.shape_cast %get3A_585 : vector<1x4x8x100xf32> to vector<4x8x100xf32>
    %broadcast_in_dim3A_587 = vector.shape_cast %broadcast_in_dim3A_580 : vector<1x8x100xi1> to vector<1x8x100xi1>
    %broadcast_in_dim3A_588 = vector.broadcast %broadcast_in_dim3A_587 : vector<1x8x100xi1> to vector<4x8x100xi1>
    %select_n3A_589 = arith.select %broadcast_in_dim3A_588, %get3A_586, %select_n3A_576 : vector<4x8x100xi1>, vector<4x8x100xf32>
    %eq3A_590 = arith.constant 46 : i32
    %eq3A_591 = vector.broadcast %eq3A_590 : i32 to vector<8x100xi32>
    %eq3A_592 = arith.cmpi eq, %get3A_1, %eq3A_591 : vector<8x100xi32>
    %broadcast_in_dim3A_593 = vector.shape_cast %eq3A_592 : vector<8x100xi1> to vector<1x8x100xi1>
    %get3A_594 = arith.constant 46 : index
    %get3A_595 = arith.constant 0 : index
    %get3A_596 = arith.constant 0 : index
    %get3A_597 = arith.constant 0 : index
    %get3A_598 = vector.load %arg2[%get3A_594, %get3A_595, %get3A_596, %get3A_597] : memref<91x4x8x100xf32, #tpu.memory_space<vmem>>, vector<1x4x8x100xf32>
    %get3A_599 = vector.shape_cast %get3A_598 : vector<1x4x8x100xf32> to vector<4x8x100xf32>
    %broadcast_in_dim3A_600 = vector.shape_cast %broadcast_in_dim3A_593 : vector<1x8x100xi1> to vector<1x8x100xi1>
    %broadcast_in_dim3A_601 = vector.broadcast %broadcast_in_dim3A_600 : vector<1x8x100xi1> to vector<4x8x100xi1>
    %select_n3A_602 = arith.select %broadcast_in_dim3A_601, %get3A_599, %select_n3A_589 : vector<4x8x100xi1>, vector<4x8x100xf32>
    %eq3A_603 = arith.constant 47 : i32
    %eq3A_604 = vector.broadcast %eq3A_603 : i32 to vector<8x100xi32>
    %eq3A_605 = arith.cmpi eq, %get3A_1, %eq3A_604 : vector<8x100xi32>
    %broadcast_in_dim3A_606 = vector.shape_cast %eq3A_605 : vector<8x100xi1> to vector<1x8x100xi1>
    %get3A_607 = arith.constant 47 : index
    %get3A_608 = arith.constant 0 : index
    %get3A_609 = arith.constant 0 : index
    %get3A_610 = arith.constant 0 : index
    %get3A_611 = vector.load %arg2[%get3A_607, %get3A_608, %get3A_609, %get3A_610] : memref<91x4x8x100xf32, #tpu.memory_space<vmem>>, vector<1x4x8x100xf32>
    %get3A_612 = vector.shape_cast %get3A_611 : vector<1x4x8x100xf32> to vector<4x8x100xf32>
    %broadcast_in_dim3A_613 = vector.shape_cast %broadcast_in_dim3A_606 : vector<1x8x100xi1> to vector<1x8x100xi1>
    %broadcast_in_dim3A_614 = vector.broadcast %broadcast_in_dim3A_613 : vector<1x8x100xi1> to vector<4x8x100xi1>
    %select_n3A_615 = arith.select %broadcast_in_dim3A_614, %get3A_612, %select_n3A_602 : vector<4x8x100xi1>, vector<4x8x100xf32>
    %eq3A_616 = arith.constant 48 : i32
    %eq3A_617 = vector.broadcast %eq3A_616 : i32 to vector<8x100xi32>
    %eq3A_618 = arith.cmpi eq, %get3A_1, %eq3A_617 : vector<8x100xi32>
    %broadcast_in_dim3A_619 = vector.shape_cast %eq3A_618 : vector<8x100xi1> to vector<1x8x100xi1>
    %get3A_620 = arith.constant 48 : index
    %get3A_621 = arith.constant 0 : index
    %get3A_622 = arith.constant 0 : index
    %get3A_623 = arith.constant 0 : index
    %get3A_624 = vector.load %arg2[%get3A_620, %get3A_621, %get3A_622, %get3A_623] : memref<91x4x8x100xf32, #tpu.memory_space<vmem>>, vector<1x4x8x100xf32>
    %get3A_625 = vector.shape_cast %get3A_624 : vector<1x4x8x100xf32> to vector<4x8x100xf32>
    %broadcast_in_dim3A_626 = vector.shape_cast %broadcast_in_dim3A_619 : vector<1x8x100xi1> to vector<1x8x100xi1>
    %broadcast_in_dim3A_627 = vector.broadcast %broadcast_in_dim3A_626 : vector<1x8x100xi1> to vector<4x8x100xi1>
    %select_n3A_628 = arith.select %broadcast_in_dim3A_627, %get3A_625, %select_n3A_615 : vector<4x8x100xi1>, vector<4x8x100xf32>
    %eq3A_629 = arith.constant 49 : i32
    %eq3A_630 = vector.broadcast %eq3A_629 : i32 to vector<8x100xi32>
    %eq3A_631 = arith.cmpi eq, %get3A_1, %eq3A_630 : vector<8x100xi32>
    %broadcast_in_dim3A_632 = vector.shape_cast %eq3A_631 : vector<8x100xi1> to vector<1x8x100xi1>
    %get3A_633 = arith.constant 49 : index
    %get3A_634 = arith.constant 0 : index
    %get3A_635 = arith.constant 0 : index
    %get3A_636 = arith.constant 0 : index
    %get3A_637 = vector.load %arg2[%get3A_633, %get3A_634, %get3A_635, %get3A_636] : memref<91x4x8x100xf32, #tpu.memory_space<vmem>>, vector<1x4x8x100xf32>
    %get3A_638 = vector.shape_cast %get3A_637 : vector<1x4x8x100xf32> to vector<4x8x100xf32>
    %broadcast_in_dim3A_639 = vector.shape_cast %broadcast_in_dim3A_632 : vector<1x8x100xi1> to vector<1x8x100xi1>
    %broadcast_in_dim3A_640 = vector.broadcast %broadcast_in_dim3A_639 : vector<1x8x100xi1> to vector<4x8x100xi1>
    %select_n3A_641 = arith.select %broadcast_in_dim3A_640, %get3A_638, %select_n3A_628 : vector<4x8x100xi1>, vector<4x8x100xf32>
    %eq3A_642 = arith.constant 50 : i32
    %eq3A_643 = vector.broadcast %eq3A_642 : i32 to vector<8x100xi32>
    %eq3A_644 = arith.cmpi eq, %get3A_1, %eq3A_643 : vector<8x100xi32>
    %broadcast_in_dim3A_645 = vector.shape_cast %eq3A_644 : vector<8x100xi1> to vector<1x8x100xi1>
    %get3A_646 = arith.constant 50 : index
    %get3A_647 = arith.constant 0 : index
    %get3A_648 = arith.constant 0 : index
    %get3A_649 = arith.constant 0 : index
    %get3A_650 = vector.load %arg2[%get3A_646, %get3A_647, %get3A_648, %get3A_649] : memref<91x4x8x100xf32, #tpu.memory_space<vmem>>, vector<1x4x8x100xf32>
    %get3A_651 = vector.shape_cast %get3A_650 : vector<1x4x8x100xf32> to vector<4x8x100xf32>
    %broadcast_in_dim3A_652 = vector.shape_cast %broadcast_in_dim3A_645 : vector<1x8x100xi1> to vector<1x8x100xi1>
    %broadcast_in_dim3A_653 = vector.broadcast %broadcast_in_dim3A_652 : vector<1x8x100xi1> to vector<4x8x100xi1>
    %select_n3A_654 = arith.select %broadcast_in_dim3A_653, %get3A_651, %select_n3A_641 : vector<4x8x100xi1>, vector<4x8x100xf32>
    %eq3A_655 = arith.constant 51 : i32
    %eq3A_656 = vector.broadcast %eq3A_655 : i32 to vector<8x100xi32>
    %eq3A_657 = arith.cmpi eq, %get3A_1, %eq3A_656 : vector<8x100xi32>
    %broadcast_in_dim3A_658 = vector.shape_cast %eq3A_657 : vector<8x100xi1> to vector<1x8x100xi1>
    %get3A_659 = arith.constant 51 : index
    %get3A_660 = arith.constant 0 : index
    %get3A_661 = arith.constant 0 : index
    %get3A_662 = arith.constant 0 : index
    %get3A_663 = vector.load %arg2[%get3A_659, %get3A_660, %get3A_661, %get3A_662] : memref<91x4x8x100xf32, #tpu.memory_space<vmem>>, vector<1x4x8x100xf32>
    %get3A_664 = vector.shape_cast %get3A_663 : vector<1x4x8x100xf32> to vector<4x8x100xf32>
    %broadcast_in_dim3A_665 = vector.shape_cast %broadcast_in_dim3A_658 : vector<1x8x100xi1> to vector<1x8x100xi1>
    %broadcast_in_dim3A_666 = vector.broadcast %broadcast_in_dim3A_665 : vector<1x8x100xi1> to vector<4x8x100xi1>
    %select_n3A_667 = arith.select %broadcast_in_dim3A_666, %get3A_664, %select_n3A_654 : vector<4x8x100xi1>, vector<4x8x100xf32>
    %eq3A_668 = arith.constant 52 : i32
    %eq3A_669 = vector.broadcast %eq3A_668 : i32 to vector<8x100xi32>
    %eq3A_670 = arith.cmpi eq, %get3A_1, %eq3A_669 : vector<8x100xi32>
    %broadcast_in_dim3A_671 = vector.shape_cast %eq3A_670 : vector<8x100xi1> to vector<1x8x100xi1>
    %get3A_672 = arith.constant 52 : index
    %get3A_673 = arith.constant 0 : index
    %get3A_674 = arith.constant 0 : index
    %get3A_675 = arith.constant 0 : index
    %get3A_676 = vector.load %arg2[%get3A_672, %get3A_673, %get3A_674, %get3A_675] : memref<91x4x8x100xf32, #tpu.memory_space<vmem>>, vector<1x4x8x100xf32>
    %get3A_677 = vector.shape_cast %get3A_676 : vector<1x4x8x100xf32> to vector<4x8x100xf32>
    %broadcast_in_dim3A_678 = vector.shape_cast %broadcast_in_dim3A_671 : vector<1x8x100xi1> to vector<1x8x100xi1>
    %broadcast_in_dim3A_679 = vector.broadcast %broadcast_in_dim3A_678 : vector<1x8x100xi1> to vector<4x8x100xi1>
    %select_n3A_680 = arith.select %broadcast_in_dim3A_679, %get3A_677, %select_n3A_667 : vector<4x8x100xi1>, vector<4x8x100xf32>
    %eq3A_681 = arith.constant 53 : i32
    %eq3A_682 = vector.broadcast %eq3A_681 : i32 to vector<8x100xi32>
    %eq3A_683 = arith.cmpi eq, %get3A_1, %eq3A_682 : vector<8x100xi32>
    %broadcast_in_dim3A_684 = vector.shape_cast %eq3A_683 : vector<8x100xi1> to vector<1x8x100xi1>
    %get3A_685 = arith.constant 53 : index
    %get3A_686 = arith.constant 0 : index
    %get3A_687 = arith.constant 0 : index
    %get3A_688 = arith.constant 0 : index
    %get3A_689 = vector.load %arg2[%get3A_685, %get3A_686, %get3A_687, %get3A_688] : memref<91x4x8x100xf32, #tpu.memory_space<vmem>>, vector<1x4x8x100xf32>
    %get3A_690 = vector.shape_cast %get3A_689 : vector<1x4x8x100xf32> to vector<4x8x100xf32>
    %broadcast_in_dim3A_691 = vector.shape_cast %broadcast_in_dim3A_684 : vector<1x8x100xi1> to vector<1x8x100xi1>
    %broadcast_in_dim3A_692 = vector.broadcast %broadcast_in_dim3A_691 : vector<1x8x100xi1> to vector<4x8x100xi1>
    %select_n3A_693 = arith.select %broadcast_in_dim3A_692, %get3A_690, %select_n3A_680 : vector<4x8x100xi1>, vector<4x8x100xf32>
    %eq3A_694 = arith.constant 54 : i32
    %eq3A_695 = vector.broadcast %eq3A_694 : i32 to vector<8x100xi32>
    %eq3A_696 = arith.cmpi eq, %get3A_1, %eq3A_695 : vector<8x100xi32>
    %broadcast_in_dim3A_697 = vector.shape_cast %eq3A_696 : vector<8x100xi1> to vector<1x8x100xi1>
    %get3A_698 = arith.constant 54 : index
    %get3A_699 = arith.constant 0 : index
    %get3A_700 = arith.constant 0 : index
    %get3A_701 = arith.constant 0 : index
    %get3A_702 = vector.load %arg2[%get3A_698, %get3A_699, %get3A_700, %get3A_701] : memref<91x4x8x100xf32, #tpu.memory_space<vmem>>, vector<1x4x8x100xf32>
    %get3A_703 = vector.shape_cast %get3A_702 : vector<1x4x8x100xf32> to vector<4x8x100xf32>
    %broadcast_in_dim3A_704 = vector.shape_cast %broadcast_in_dim3A_697 : vector<1x8x100xi1> to vector<1x8x100xi1>
    %broadcast_in_dim3A_705 = vector.broadcast %broadcast_in_dim3A_704 : vector<1x8x100xi1> to vector<4x8x100xi1>
    %select_n3A_706 = arith.select %broadcast_in_dim3A_705, %get3A_703, %select_n3A_693 : vector<4x8x100xi1>, vector<4x8x100xf32>
    %eq3A_707 = arith.constant 55 : i32
    %eq3A_708 = vector.broadcast %eq3A_707 : i32 to vector<8x100xi32>
    %eq3A_709 = arith.cmpi eq, %get3A_1, %eq3A_708 : vector<8x100xi32>
    %broadcast_in_dim3A_710 = vector.shape_cast %eq3A_709 : vector<8x100xi1> to vector<1x8x100xi1>
    %get3A_711 = arith.constant 55 : index
    %get3A_712 = arith.constant 0 : index
    %get3A_713 = arith.constant 0 : index
    %get3A_714 = arith.constant 0 : index
    %get3A_715 = vector.load %arg2[%get3A_711, %get3A_712, %get3A_713, %get3A_714] : memref<91x4x8x100xf32, #tpu.memory_space<vmem>>, vector<1x4x8x100xf32>
    %get3A_716 = vector.shape_cast %get3A_715 : vector<1x4x8x100xf32> to vector<4x8x100xf32>
    %broadcast_in_dim3A_717 = vector.shape_cast %broadcast_in_dim3A_710 : vector<1x8x100xi1> to vector<1x8x100xi1>
    %broadcast_in_dim3A_718 = vector.broadcast %broadcast_in_dim3A_717 : vector<1x8x100xi1> to vector<4x8x100xi1>
    %select_n3A_719 = arith.select %broadcast_in_dim3A_718, %get3A_716, %select_n3A_706 : vector<4x8x100xi1>, vector<4x8x100xf32>
    %eq3A_720 = arith.constant 56 : i32
    %eq3A_721 = vector.broadcast %eq3A_720 : i32 to vector<8x100xi32>
    %eq3A_722 = arith.cmpi eq, %get3A_1, %eq3A_721 : vector<8x100xi32>
    %broadcast_in_dim3A_723 = vector.shape_cast %eq3A_722 : vector<8x100xi1> to vector<1x8x100xi1>
    %get3A_724 = arith.constant 56 : index
    %get3A_725 = arith.constant 0 : index
    %get3A_726 = arith.constant 0 : index
    %get3A_727 = arith.constant 0 : index
    %get3A_728 = vector.load %arg2[%get3A_724, %get3A_725, %get3A_726, %get3A_727] : memref<91x4x8x100xf32, #tpu.memory_space<vmem>>, vector<1x4x8x100xf32>
    %get3A_729 = vector.shape_cast %get3A_728 : vector<1x4x8x100xf32> to vector<4x8x100xf32>
    %broadcast_in_dim3A_730 = vector.shape_cast %broadcast_in_dim3A_723 : vector<1x8x100xi1> to vector<1x8x100xi1>
    %broadcast_in_dim3A_731 = vector.broadcast %broadcast_in_dim3A_730 : vector<1x8x100xi1> to vector<4x8x100xi1>
    %select_n3A_732 = arith.select %broadcast_in_dim3A_731, %get3A_729, %select_n3A_719 : vector<4x8x100xi1>, vector<4x8x100xf32>
    %eq3A_733 = arith.constant 57 : i32
    %eq3A_734 = vector.broadcast %eq3A_733 : i32 to vector<8x100xi32>
    %eq3A_735 = arith.cmpi eq, %get3A_1, %eq3A_734 : vector<8x100xi32>
    %broadcast_in_dim3A_736 = vector.shape_cast %eq3A_735 : vector<8x100xi1> to vector<1x8x100xi1>
    %get3A_737 = arith.constant 57 : index
    %get3A_738 = arith.constant 0 : index
    %get3A_739 = arith.constant 0 : index
    %get3A_740 = arith.constant 0 : index
    %get3A_741 = vector.load %arg2[%get3A_737, %get3A_738, %get3A_739, %get3A_740] : memref<91x4x8x100xf32, #tpu.memory_space<vmem>>, vector<1x4x8x100xf32>
    %get3A_742 = vector.shape_cast %get3A_741 : vector<1x4x8x100xf32> to vector<4x8x100xf32>
    %broadcast_in_dim3A_743 = vector.shape_cast %broadcast_in_dim3A_736 : vector<1x8x100xi1> to vector<1x8x100xi1>
    %broadcast_in_dim3A_744 = vector.broadcast %broadcast_in_dim3A_743 : vector<1x8x100xi1> to vector<4x8x100xi1>
    %select_n3A_745 = arith.select %broadcast_in_dim3A_744, %get3A_742, %select_n3A_732 : vector<4x8x100xi1>, vector<4x8x100xf32>
    %eq3A_746 = arith.constant 58 : i32
    %eq3A_747 = vector.broadcast %eq3A_746 : i32 to vector<8x100xi32>
    %eq3A_748 = arith.cmpi eq, %get3A_1, %eq3A_747 : vector<8x100xi32>
    %broadcast_in_dim3A_749 = vector.shape_cast %eq3A_748 : vector<8x100xi1> to vector<1x8x100xi1>
    %get3A_750 = arith.constant 58 : index
    %get3A_751 = arith.constant 0 : index
    %get3A_752 = arith.constant 0 : index
    %get3A_753 = arith.constant 0 : index
    %get3A_754 = vector.load %arg2[%get3A_750, %get3A_751, %get3A_752, %get3A_753] : memref<91x4x8x100xf32, #tpu.memory_space<vmem>>, vector<1x4x8x100xf32>
    %get3A_755 = vector.shape_cast %get3A_754 : vector<1x4x8x100xf32> to vector<4x8x100xf32>
    %broadcast_in_dim3A_756 = vector.shape_cast %broadcast_in_dim3A_749 : vector<1x8x100xi1> to vector<1x8x100xi1>
    %broadcast_in_dim3A_757 = vector.broadcast %broadcast_in_dim3A_756 : vector<1x8x100xi1> to vector<4x8x100xi1>
    %select_n3A_758 = arith.select %broadcast_in_dim3A_757, %get3A_755, %select_n3A_745 : vector<4x8x100xi1>, vector<4x8x100xf32>
    %eq3A_759 = arith.constant 59 : i32
    %eq3A_760 = vector.broadcast %eq3A_759 : i32 to vector<8x100xi32>
    %eq3A_761 = arith.cmpi eq, %get3A_1, %eq3A_760 : vector<8x100xi32>
    %broadcast_in_dim3A_762 = vector.shape_cast %eq3A_761 : vector<8x100xi1> to vector<1x8x100xi1>
    %get3A_763 = arith.constant 59 : index
    %get3A_764 = arith.constant 0 : index
    %get3A_765 = arith.constant 0 : index
    %get3A_766 = arith.constant 0 : index
    %get3A_767 = vector.load %arg2[%get3A_763, %get3A_764, %get3A_765, %get3A_766] : memref<91x4x8x100xf32, #tpu.memory_space<vmem>>, vector<1x4x8x100xf32>
    %get3A_768 = vector.shape_cast %get3A_767 : vector<1x4x8x100xf32> to vector<4x8x100xf32>
    %broadcast_in_dim3A_769 = vector.shape_cast %broadcast_in_dim3A_762 : vector<1x8x100xi1> to vector<1x8x100xi1>
    %broadcast_in_dim3A_770 = vector.broadcast %broadcast_in_dim3A_769 : vector<1x8x100xi1> to vector<4x8x100xi1>
    %select_n3A_771 = arith.select %broadcast_in_dim3A_770, %get3A_768, %select_n3A_758 : vector<4x8x100xi1>, vector<4x8x100xf32>
    %eq3A_772 = arith.constant 60 : i32
    %eq3A_773 = vector.broadcast %eq3A_772 : i32 to vector<8x100xi32>
    %eq3A_774 = arith.cmpi eq, %get3A_1, %eq3A_773 : vector<8x100xi32>
    %broadcast_in_dim3A_775 = vector.shape_cast %eq3A_774 : vector<8x100xi1> to vector<1x8x100xi1>
    %get3A_776 = arith.constant 60 : index
    %get3A_777 = arith.constant 0 : index
    %get3A_778 = arith.constant 0 : index
    %get3A_779 = arith.constant 0 : index
    %get3A_780 = vector.load %arg2[%get3A_776, %get3A_777, %get3A_778, %get3A_779] : memref<91x4x8x100xf32, #tpu.memory_space<vmem>>, vector<1x4x8x100xf32>
    %get3A_781 = vector.shape_cast %get3A_780 : vector<1x4x8x100xf32> to vector<4x8x100xf32>
    %broadcast_in_dim3A_782 = vector.shape_cast %broadcast_in_dim3A_775 : vector<1x8x100xi1> to vector<1x8x100xi1>
    %broadcast_in_dim3A_783 = vector.broadcast %broadcast_in_dim3A_782 : vector<1x8x100xi1> to vector<4x8x100xi1>
    %select_n3A_784 = arith.select %broadcast_in_dim3A_783, %get3A_781, %select_n3A_771 : vector<4x8x100xi1>, vector<4x8x100xf32>
    %eq3A_785 = arith.constant 61 : i32
    %eq3A_786 = vector.broadcast %eq3A_785 : i32 to vector<8x100xi32>
    %eq3A_787 = arith.cmpi eq, %get3A_1, %eq3A_786 : vector<8x100xi32>
    %broadcast_in_dim3A_788 = vector.shape_cast %eq3A_787 : vector<8x100xi1> to vector<1x8x100xi1>
    %get3A_789 = arith.constant 61 : index
    %get3A_790 = arith.constant 0 : index
    %get3A_791 = arith.constant 0 : index
    %get3A_792 = arith.constant 0 : index
    %get3A_793 = vector.load %arg2[%get3A_789, %get3A_790, %get3A_791, %get3A_792] : memref<91x4x8x100xf32, #tpu.memory_space<vmem>>, vector<1x4x8x100xf32>
    %get3A_794 = vector.shape_cast %get3A_793 : vector<1x4x8x100xf32> to vector<4x8x100xf32>
    %broadcast_in_dim3A_795 = vector.shape_cast %broadcast_in_dim3A_788 : vector<1x8x100xi1> to vector<1x8x100xi1>
    %broadcast_in_dim3A_796 = vector.broadcast %broadcast_in_dim3A_795 : vector<1x8x100xi1> to vector<4x8x100xi1>
    %select_n3A_797 = arith.select %broadcast_in_dim3A_796, %get3A_794, %select_n3A_784 : vector<4x8x100xi1>, vector<4x8x100xf32>
    %eq3A_798 = arith.constant 62 : i32
    %eq3A_799 = vector.broadcast %eq3A_798 : i32 to vector<8x100xi32>
    %eq3A_800 = arith.cmpi eq, %get3A_1, %eq3A_799 : vector<8x100xi32>
    %broadcast_in_dim3A_801 = vector.shape_cast %eq3A_800 : vector<8x100xi1> to vector<1x8x100xi1>
    %get3A_802 = arith.constant 62 : index
    %get3A_803 = arith.constant 0 : index
    %get3A_804 = arith.constant 0 : index
    %get3A_805 = arith.constant 0 : index
    %get3A_806 = vector.load %arg2[%get3A_802, %get3A_803, %get3A_804, %get3A_805] : memref<91x4x8x100xf32, #tpu.memory_space<vmem>>, vector<1x4x8x100xf32>
    %get3A_807 = vector.shape_cast %get3A_806 : vector<1x4x8x100xf32> to vector<4x8x100xf32>
    %broadcast_in_dim3A_808 = vector.shape_cast %broadcast_in_dim3A_801 : vector<1x8x100xi1> to vector<1x8x100xi1>
    %broadcast_in_dim3A_809 = vector.broadcast %broadcast_in_dim3A_808 : vector<1x8x100xi1> to vector<4x8x100xi1>
    %select_n3A_810 = arith.select %broadcast_in_dim3A_809, %get3A_807, %select_n3A_797 : vector<4x8x100xi1>, vector<4x8x100xf32>
    %eq3A_811 = arith.constant 63 : i32
    %eq3A_812 = vector.broadcast %eq3A_811 : i32 to vector<8x100xi32>
    %eq3A_813 = arith.cmpi eq, %get3A_1, %eq3A_812 : vector<8x100xi32>
    %broadcast_in_dim3A_814 = vector.shape_cast %eq3A_813 : vector<8x100xi1> to vector<1x8x100xi1>
    %get3A_815 = arith.constant 63 : index
    %get3A_816 = arith.constant 0 : index
    %get3A_817 = arith.constant 0 : index
    %get3A_818 = arith.constant 0 : index
    %get3A_819 = vector.load %arg2[%get3A_815, %get3A_816, %get3A_817, %get3A_818] : memref<91x4x8x100xf32, #tpu.memory_space<vmem>>, vector<1x4x8x100xf32>
    %get3A_820 = vector.shape_cast %get3A_819 : vector<1x4x8x100xf32> to vector<4x8x100xf32>
    %broadcast_in_dim3A_821 = vector.shape_cast %broadcast_in_dim3A_814 : vector<1x8x100xi1> to vector<1x8x100xi1>
    %broadcast_in_dim3A_822 = vector.broadcast %broadcast_in_dim3A_821 : vector<1x8x100xi1> to vector<4x8x100xi1>
    %select_n3A_823 = arith.select %broadcast_in_dim3A_822, %get3A_820, %select_n3A_810 : vector<4x8x100xi1>, vector<4x8x100xf32>
    %eq3A_824 = arith.constant 64 : i32
    %eq3A_825 = vector.broadcast %eq3A_824 : i32 to vector<8x100xi32>
    %eq3A_826 = arith.cmpi eq, %get3A_1, %eq3A_825 : vector<8x100xi32>
    %broadcast_in_dim3A_827 = vector.shape_cast %eq3A_826 : vector<8x100xi1> to vector<1x8x100xi1>
    %get3A_828 = arith.constant 64 : index
    %get3A_829 = arith.constant 0 : index
    %get3A_830 = arith.constant 0 : index
    %get3A_831 = arith.constant 0 : index
    %get3A_832 = vector.load %arg2[%get3A_828, %get3A_829, %get3A_830, %get3A_831] : memref<91x4x8x100xf32, #tpu.memory_space<vmem>>, vector<1x4x8x100xf32>
    %get3A_833 = vector.shape_cast %get3A_832 : vector<1x4x8x100xf32> to vector<4x8x100xf32>
    %broadcast_in_dim3A_834 = vector.shape_cast %broadcast_in_dim3A_827 : vector<1x8x100xi1> to vector<1x8x100xi1>
    %broadcast_in_dim3A_835 = vector.broadcast %broadcast_in_dim3A_834 : vector<1x8x100xi1> to vector<4x8x100xi1>
    %select_n3A_836 = arith.select %broadcast_in_dim3A_835, %get3A_833, %select_n3A_823 : vector<4x8x100xi1>, vector<4x8x100xf32>
    %eq3A_837 = arith.constant 65 : i32
    %eq3A_838 = vector.broadcast %eq3A_837 : i32 to vector<8x100xi32>
    %eq3A_839 = arith.cmpi eq, %get3A_1, %eq3A_838 : vector<8x100xi32>
    %broadcast_in_dim3A_840 = vector.shape_cast %eq3A_839 : vector<8x100xi1> to vector<1x8x100xi1>
    %get3A_841 = arith.constant 65 : index
    %get3A_842 = arith.constant 0 : index
    %get3A_843 = arith.constant 0 : index
    %get3A_844 = arith.constant 0 : index
    %get3A_845 = vector.load %arg2[%get3A_841, %get3A_842, %get3A_843, %get3A_844] : memref<91x4x8x100xf32, #tpu.memory_space<vmem>>, vector<1x4x8x100xf32>
    %get3A_846 = vector.shape_cast %get3A_845 : vector<1x4x8x100xf32> to vector<4x8x100xf32>
    %broadcast_in_dim3A_847 = vector.shape_cast %broadcast_in_dim3A_840 : vector<1x8x100xi1> to vector<1x8x100xi1>
    %broadcast_in_dim3A_848 = vector.broadcast %broadcast_in_dim3A_847 : vector<1x8x100xi1> to vector<4x8x100xi1>
    %select_n3A_849 = arith.select %broadcast_in_dim3A_848, %get3A_846, %select_n3A_836 : vector<4x8x100xi1>, vector<4x8x100xf32>
    %eq3A_850 = arith.constant 66 : i32
    %eq3A_851 = vector.broadcast %eq3A_850 : i32 to vector<8x100xi32>
    %eq3A_852 = arith.cmpi eq, %get3A_1, %eq3A_851 : vector<8x100xi32>
    %broadcast_in_dim3A_853 = vector.shape_cast %eq3A_852 : vector<8x100xi1> to vector<1x8x100xi1>
    %get3A_854 = arith.constant 66 : index
    %get3A_855 = arith.constant 0 : index
    %get3A_856 = arith.constant 0 : index
    %get3A_857 = arith.constant 0 : index
    %get3A_858 = vector.load %arg2[%get3A_854, %get3A_855, %get3A_856, %get3A_857] : memref<91x4x8x100xf32, #tpu.memory_space<vmem>>, vector<1x4x8x100xf32>
    %get3A_859 = vector.shape_cast %get3A_858 : vector<1x4x8x100xf32> to vector<4x8x100xf32>
    %broadcast_in_dim3A_860 = vector.shape_cast %broadcast_in_dim3A_853 : vector<1x8x100xi1> to vector<1x8x100xi1>
    %broadcast_in_dim3A_861 = vector.broadcast %broadcast_in_dim3A_860 : vector<1x8x100xi1> to vector<4x8x100xi1>
    %select_n3A_862 = arith.select %broadcast_in_dim3A_861, %get3A_859, %select_n3A_849 : vector<4x8x100xi1>, vector<4x8x100xf32>
    %eq3A_863 = arith.constant 67 : i32
    %eq3A_864 = vector.broadcast %eq3A_863 : i32 to vector<8x100xi32>
    %eq3A_865 = arith.cmpi eq, %get3A_1, %eq3A_864 : vector<8x100xi32>
    %broadcast_in_dim3A_866 = vector.shape_cast %eq3A_865 : vector<8x100xi1> to vector<1x8x100xi1>
    %get3A_867 = arith.constant 67 : index
    %get3A_868 = arith.constant 0 : index
    %get3A_869 = arith.constant 0 : index
    %get3A_870 = arith.constant 0 : index
    %get3A_871 = vector.load %arg2[%get3A_867, %get3A_868, %get3A_869, %get3A_870] : memref<91x4x8x100xf32, #tpu.memory_space<vmem>>, vector<1x4x8x100xf32>
    %get3A_872 = vector.shape_cast %get3A_871 : vector<1x4x8x100xf32> to vector<4x8x100xf32>
    %broadcast_in_dim3A_873 = vector.shape_cast %broadcast_in_dim3A_866 : vector<1x8x100xi1> to vector<1x8x100xi1>
    %broadcast_in_dim3A_874 = vector.broadcast %broadcast_in_dim3A_873 : vector<1x8x100xi1> to vector<4x8x100xi1>
    %select_n3A_875 = arith.select %broadcast_in_dim3A_874, %get3A_872, %select_n3A_862 : vector<4x8x100xi1>, vector<4x8x100xf32>
    %eq3A_876 = arith.constant 68 : i32
    %eq3A_877 = vector.broadcast %eq3A_876 : i32 to vector<8x100xi32>
    %eq3A_878 = arith.cmpi eq, %get3A_1, %eq3A_877 : vector<8x100xi32>
    %broadcast_in_dim3A_879 = vector.shape_cast %eq3A_878 : vector<8x100xi1> to vector<1x8x100xi1>
    %get3A_880 = arith.constant 68 : index
    %get3A_881 = arith.constant 0 : index
    %get3A_882 = arith.constant 0 : index
    %get3A_883 = arith.constant 0 : index
    %get3A_884 = vector.load %arg2[%get3A_880, %get3A_881, %get3A_882, %get3A_883] : memref<91x4x8x100xf32, #tpu.memory_space<vmem>>, vector<1x4x8x100xf32>
    %get3A_885 = vector.shape_cast %get3A_884 : vector<1x4x8x100xf32> to vector<4x8x100xf32>
    %broadcast_in_dim3A_886 = vector.shape_cast %broadcast_in_dim3A_879 : vector<1x8x100xi1> to vector<1x8x100xi1>
    %broadcast_in_dim3A_887 = vector.broadcast %broadcast_in_dim3A_886 : vector<1x8x100xi1> to vector<4x8x100xi1>
    %select_n3A_888 = arith.select %broadcast_in_dim3A_887, %get3A_885, %select_n3A_875 : vector<4x8x100xi1>, vector<4x8x100xf32>
    %eq3A_889 = arith.constant 69 : i32
    %eq3A_890 = vector.broadcast %eq3A_889 : i32 to vector<8x100xi32>
    %eq3A_891 = arith.cmpi eq, %get3A_1, %eq3A_890 : vector<8x100xi32>
    %broadcast_in_dim3A_892 = vector.shape_cast %eq3A_891 : vector<8x100xi1> to vector<1x8x100xi1>
    %get3A_893 = arith.constant 69 : index
    %get3A_894 = arith.constant 0 : index
    %get3A_895 = arith.constant 0 : index
    %get3A_896 = arith.constant 0 : index
    %get3A_897 = vector.load %arg2[%get3A_893, %get3A_894, %get3A_895, %get3A_896] : memref<91x4x8x100xf32, #tpu.memory_space<vmem>>, vector<1x4x8x100xf32>
    %get3A_898 = vector.shape_cast %get3A_897 : vector<1x4x8x100xf32> to vector<4x8x100xf32>
    %broadcast_in_dim3A_899 = vector.shape_cast %broadcast_in_dim3A_892 : vector<1x8x100xi1> to vector<1x8x100xi1>
    %broadcast_in_dim3A_900 = vector.broadcast %broadcast_in_dim3A_899 : vector<1x8x100xi1> to vector<4x8x100xi1>
    %select_n3A_901 = arith.select %broadcast_in_dim3A_900, %get3A_898, %select_n3A_888 : vector<4x8x100xi1>, vector<4x8x100xf32>
    %eq3A_902 = arith.constant 70 : i32
    %eq3A_903 = vector.broadcast %eq3A_902 : i32 to vector<8x100xi32>
    %eq3A_904 = arith.cmpi eq, %get3A_1, %eq3A_903 : vector<8x100xi32>
    %broadcast_in_dim3A_905 = vector.shape_cast %eq3A_904 : vector<8x100xi1> to vector<1x8x100xi1>
    %get3A_906 = arith.constant 70 : index
    %get3A_907 = arith.constant 0 : index
    %get3A_908 = arith.constant 0 : index
    %get3A_909 = arith.constant 0 : index
    %get3A_910 = vector.load %arg2[%get3A_906, %get3A_907, %get3A_908, %get3A_909] : memref<91x4x8x100xf32, #tpu.memory_space<vmem>>, vector<1x4x8x100xf32>
    %get3A_911 = vector.shape_cast %get3A_910 : vector<1x4x8x100xf32> to vector<4x8x100xf32>
    %broadcast_in_dim3A_912 = vector.shape_cast %broadcast_in_dim3A_905 : vector<1x8x100xi1> to vector<1x8x100xi1>
    %broadcast_in_dim3A_913 = vector.broadcast %broadcast_in_dim3A_912 : vector<1x8x100xi1> to vector<4x8x100xi1>
    %select_n3A_914 = arith.select %broadcast_in_dim3A_913, %get3A_911, %select_n3A_901 : vector<4x8x100xi1>, vector<4x8x100xf32>
    %eq3A_915 = arith.constant 71 : i32
    %eq3A_916 = vector.broadcast %eq3A_915 : i32 to vector<8x100xi32>
    %eq3A_917 = arith.cmpi eq, %get3A_1, %eq3A_916 : vector<8x100xi32>
    %broadcast_in_dim3A_918 = vector.shape_cast %eq3A_917 : vector<8x100xi1> to vector<1x8x100xi1>
    %get3A_919 = arith.constant 71 : index
    %get3A_920 = arith.constant 0 : index
    %get3A_921 = arith.constant 0 : index
    %get3A_922 = arith.constant 0 : index
    %get3A_923 = vector.load %arg2[%get3A_919, %get3A_920, %get3A_921, %get3A_922] : memref<91x4x8x100xf32, #tpu.memory_space<vmem>>, vector<1x4x8x100xf32>
    %get3A_924 = vector.shape_cast %get3A_923 : vector<1x4x8x100xf32> to vector<4x8x100xf32>
    %broadcast_in_dim3A_925 = vector.shape_cast %broadcast_in_dim3A_918 : vector<1x8x100xi1> to vector<1x8x100xi1>
    %broadcast_in_dim3A_926 = vector.broadcast %broadcast_in_dim3A_925 : vector<1x8x100xi1> to vector<4x8x100xi1>
    %select_n3A_927 = arith.select %broadcast_in_dim3A_926, %get3A_924, %select_n3A_914 : vector<4x8x100xi1>, vector<4x8x100xf32>
    %eq3A_928 = arith.constant 72 : i32
    %eq3A_929 = vector.broadcast %eq3A_928 : i32 to vector<8x100xi32>
    %eq3A_930 = arith.cmpi eq, %get3A_1, %eq3A_929 : vector<8x100xi32>
    %broadcast_in_dim3A_931 = vector.shape_cast %eq3A_930 : vector<8x100xi1> to vector<1x8x100xi1>
    %get3A_932 = arith.constant 72 : index
    %get3A_933 = arith.constant 0 : index
    %get3A_934 = arith.constant 0 : index
    %get3A_935 = arith.constant 0 : index
    %get3A_936 = vector.load %arg2[%get3A_932, %get3A_933, %get3A_934, %get3A_935] : memref<91x4x8x100xf32, #tpu.memory_space<vmem>>, vector<1x4x8x100xf32>
    %get3A_937 = vector.shape_cast %get3A_936 : vector<1x4x8x100xf32> to vector<4x8x100xf32>
    %broadcast_in_dim3A_938 = vector.shape_cast %broadcast_in_dim3A_931 : vector<1x8x100xi1> to vector<1x8x100xi1>
    %broadcast_in_dim3A_939 = vector.broadcast %broadcast_in_dim3A_938 : vector<1x8x100xi1> to vector<4x8x100xi1>
    %select_n3A_940 = arith.select %broadcast_in_dim3A_939, %get3A_937, %select_n3A_927 : vector<4x8x100xi1>, vector<4x8x100xf32>
    %eq3A_941 = arith.constant 73 : i32
    %eq3A_942 = vector.broadcast %eq3A_941 : i32 to vector<8x100xi32>
    %eq3A_943 = arith.cmpi eq, %get3A_1, %eq3A_942 : vector<8x100xi32>
    %broadcast_in_dim3A_944 = vector.shape_cast %eq3A_943 : vector<8x100xi1> to vector<1x8x100xi1>
    %get3A_945 = arith.constant 73 : index
    %get3A_946 = arith.constant 0 : index
    %get3A_947 = arith.constant 0 : index
    %get3A_948 = arith.constant 0 : index
    %get3A_949 = vector.load %arg2[%get3A_945, %get3A_946, %get3A_947, %get3A_948] : memref<91x4x8x100xf32, #tpu.memory_space<vmem>>, vector<1x4x8x100xf32>
    %get3A_950 = vector.shape_cast %get3A_949 : vector<1x4x8x100xf32> to vector<4x8x100xf32>
    %broadcast_in_dim3A_951 = vector.shape_cast %broadcast_in_dim3A_944 : vector<1x8x100xi1> to vector<1x8x100xi1>
    %broadcast_in_dim3A_952 = vector.broadcast %broadcast_in_dim3A_951 : vector<1x8x100xi1> to vector<4x8x100xi1>
    %select_n3A_953 = arith.select %broadcast_in_dim3A_952, %get3A_950, %select_n3A_940 : vector<4x8x100xi1>, vector<4x8x100xf32>
    %eq3A_954 = arith.constant 74 : i32
    %eq3A_955 = vector.broadcast %eq3A_954 : i32 to vector<8x100xi32>
    %eq3A_956 = arith.cmpi eq, %get3A_1, %eq3A_955 : vector<8x100xi32>
    %broadcast_in_dim3A_957 = vector.shape_cast %eq3A_956 : vector<8x100xi1> to vector<1x8x100xi1>
    %get3A_958 = arith.constant 74 : index
    %get3A_959 = arith.constant 0 : index
    %get3A_960 = arith.constant 0 : index
    %get3A_961 = arith.constant 0 : index
    %get3A_962 = vector.load %arg2[%get3A_958, %get3A_959, %get3A_960, %get3A_961] : memref<91x4x8x100xf32, #tpu.memory_space<vmem>>, vector<1x4x8x100xf32>
    %get3A_963 = vector.shape_cast %get3A_962 : vector<1x4x8x100xf32> to vector<4x8x100xf32>
    %broadcast_in_dim3A_964 = vector.shape_cast %broadcast_in_dim3A_957 : vector<1x8x100xi1> to vector<1x8x100xi1>
    %broadcast_in_dim3A_965 = vector.broadcast %broadcast_in_dim3A_964 : vector<1x8x100xi1> to vector<4x8x100xi1>
    %select_n3A_966 = arith.select %broadcast_in_dim3A_965, %get3A_963, %select_n3A_953 : vector<4x8x100xi1>, vector<4x8x100xf32>
    %eq3A_967 = arith.constant 75 : i32
    %eq3A_968 = vector.broadcast %eq3A_967 : i32 to vector<8x100xi32>
    %eq3A_969 = arith.cmpi eq, %get3A_1, %eq3A_968 : vector<8x100xi32>
    %broadcast_in_dim3A_970 = vector.shape_cast %eq3A_969 : vector<8x100xi1> to vector<1x8x100xi1>
    %get3A_971 = arith.constant 75 : index
    %get3A_972 = arith.constant 0 : index
    %get3A_973 = arith.constant 0 : index
    %get3A_974 = arith.constant 0 : index
    %get3A_975 = vector.load %arg2[%get3A_971, %get3A_972, %get3A_973, %get3A_974] : memref<91x4x8x100xf32, #tpu.memory_space<vmem>>, vector<1x4x8x100xf32>
    %get3A_976 = vector.shape_cast %get3A_975 : vector<1x4x8x100xf32> to vector<4x8x100xf32>
    %broadcast_in_dim3A_977 = vector.shape_cast %broadcast_in_dim3A_970 : vector<1x8x100xi1> to vector<1x8x100xi1>
    %broadcast_in_dim3A_978 = vector.broadcast %broadcast_in_dim3A_977 : vector<1x8x100xi1> to vector<4x8x100xi1>
    %select_n3A_979 = arith.select %broadcast_in_dim3A_978, %get3A_976, %select_n3A_966 : vector<4x8x100xi1>, vector<4x8x100xf32>
    %eq3A_980 = arith.constant 76 : i32
    %eq3A_981 = vector.broadcast %eq3A_980 : i32 to vector<8x100xi32>
    %eq3A_982 = arith.cmpi eq, %get3A_1, %eq3A_981 : vector<8x100xi32>
    %broadcast_in_dim3A_983 = vector.shape_cast %eq3A_982 : vector<8x100xi1> to vector<1x8x100xi1>
    %get3A_984 = arith.constant 76 : index
    %get3A_985 = arith.constant 0 : index
    %get3A_986 = arith.constant 0 : index
    %get3A_987 = arith.constant 0 : index
    %get3A_988 = vector.load %arg2[%get3A_984, %get3A_985, %get3A_986, %get3A_987] : memref<91x4x8x100xf32, #tpu.memory_space<vmem>>, vector<1x4x8x100xf32>
    %get3A_989 = vector.shape_cast %get3A_988 : vector<1x4x8x100xf32> to vector<4x8x100xf32>
    %broadcast_in_dim3A_990 = vector.shape_cast %broadcast_in_dim3A_983 : vector<1x8x100xi1> to vector<1x8x100xi1>
    %broadcast_in_dim3A_991 = vector.broadcast %broadcast_in_dim3A_990 : vector<1x8x100xi1> to vector<4x8x100xi1>
    %select_n3A_992 = arith.select %broadcast_in_dim3A_991, %get3A_989, %select_n3A_979 : vector<4x8x100xi1>, vector<4x8x100xf32>
    %eq3A_993 = arith.constant 77 : i32
    %eq3A_994 = vector.broadcast %eq3A_993 : i32 to vector<8x100xi32>
    %eq3A_995 = arith.cmpi eq, %get3A_1, %eq3A_994 : vector<8x100xi32>
    %broadcast_in_dim3A_996 = vector.shape_cast %eq3A_995 : vector<8x100xi1> to vector<1x8x100xi1>
    %get3A_997 = arith.constant 77 : index
    %get3A_998 = arith.constant 0 : index
    %get3A_999 = arith.constant 0 : index
    %get3A_1000 = arith.constant 0 : index
    %get3A_1001 = vector.load %arg2[%get3A_997, %get3A_998, %get3A_999, %get3A_1000] : memref<91x4x8x100xf32, #tpu.memory_space<vmem>>, vector<1x4x8x100xf32>
    %get3A_1002 = vector.shape_cast %get3A_1001 : vector<1x4x8x100xf32> to vector<4x8x100xf32>
    %broadcast_in_dim3A_1003 = vector.shape_cast %broadcast_in_dim3A_996 : vector<1x8x100xi1> to vector<1x8x100xi1>
    %broadcast_in_dim3A_1004 = vector.broadcast %broadcast_in_dim3A_1003 : vector<1x8x100xi1> to vector<4x8x100xi1>
    %select_n3A_1005 = arith.select %broadcast_in_dim3A_1004, %get3A_1002, %select_n3A_992 : vector<4x8x100xi1>, vector<4x8x100xf32>
    %eq3A_1006 = arith.constant 78 : i32
    %eq3A_1007 = vector.broadcast %eq3A_1006 : i32 to vector<8x100xi32>
    %eq3A_1008 = arith.cmpi eq, %get3A_1, %eq3A_1007 : vector<8x100xi32>
    %broadcast_in_dim3A_1009 = vector.shape_cast %eq3A_1008 : vector<8x100xi1> to vector<1x8x100xi1>
    %get3A_1010 = arith.constant 78 : index
    %get3A_1011 = arith.constant 0 : index
    %get3A_1012 = arith.constant 0 : index
    %get3A_1013 = arith.constant 0 : index
    %get3A_1014 = vector.load %arg2[%get3A_1010, %get3A_1011, %get3A_1012, %get3A_1013] : memref<91x4x8x100xf32, #tpu.memory_space<vmem>>, vector<1x4x8x100xf32>
    %get3A_1015 = vector.shape_cast %get3A_1014 : vector<1x4x8x100xf32> to vector<4x8x100xf32>
    %broadcast_in_dim3A_1016 = vector.shape_cast %broadcast_in_dim3A_1009 : vector<1x8x100xi1> to vector<1x8x100xi1>
    %broadcast_in_dim3A_1017 = vector.broadcast %broadcast_in_dim3A_1016 : vector<1x8x100xi1> to vector<4x8x100xi1>
    %select_n3A_1018 = arith.select %broadcast_in_dim3A_1017, %get3A_1015, %select_n3A_1005 : vector<4x8x100xi1>, vector<4x8x100xf32>
    %eq3A_1019 = arith.constant 79 : i32
    %eq3A_1020 = vector.broadcast %eq3A_1019 : i32 to vector<8x100xi32>
    %eq3A_1021 = arith.cmpi eq, %get3A_1, %eq3A_1020 : vector<8x100xi32>
    %broadcast_in_dim3A_1022 = vector.shape_cast %eq3A_1021 : vector<8x100xi1> to vector<1x8x100xi1>
    %get3A_1023 = arith.constant 79 : index
    %get3A_1024 = arith.constant 0 : index
    %get3A_1025 = arith.constant 0 : index
    %get3A_1026 = arith.constant 0 : index
    %get3A_1027 = vector.load %arg2[%get3A_1023, %get3A_1024, %get3A_1025, %get3A_1026] : memref<91x4x8x100xf32, #tpu.memory_space<vmem>>, vector<1x4x8x100xf32>
    %get3A_1028 = vector.shape_cast %get3A_1027 : vector<1x4x8x100xf32> to vector<4x8x100xf32>
    %broadcast_in_dim3A_1029 = vector.shape_cast %broadcast_in_dim3A_1022 : vector<1x8x100xi1> to vector<1x8x100xi1>
    %broadcast_in_dim3A_1030 = vector.broadcast %broadcast_in_dim3A_1029 : vector<1x8x100xi1> to vector<4x8x100xi1>
    %select_n3A_1031 = arith.select %broadcast_in_dim3A_1030, %get3A_1028, %select_n3A_1018 : vector<4x8x100xi1>, vector<4x8x100xf32>
    %eq3A_1032 = arith.constant 80 : i32
    %eq3A_1033 = vector.broadcast %eq3A_1032 : i32 to vector<8x100xi32>
    %eq3A_1034 = arith.cmpi eq, %get3A_1, %eq3A_1033 : vector<8x100xi32>
    %broadcast_in_dim3A_1035 = vector.shape_cast %eq3A_1034 : vector<8x100xi1> to vector<1x8x100xi1>
    %get3A_1036 = arith.constant 80 : index
    %get3A_1037 = arith.constant 0 : index
    %get3A_1038 = arith.constant 0 : index
    %get3A_1039 = arith.constant 0 : index
    %get3A_1040 = vector.load %arg2[%get3A_1036, %get3A_1037, %get3A_1038, %get3A_1039] : memref<91x4x8x100xf32, #tpu.memory_space<vmem>>, vector<1x4x8x100xf32>
    %get3A_1041 = vector.shape_cast %get3A_1040 : vector<1x4x8x100xf32> to vector<4x8x100xf32>
    %broadcast_in_dim3A_1042 = vector.shape_cast %broadcast_in_dim3A_1035 : vector<1x8x100xi1> to vector<1x8x100xi1>
    %broadcast_in_dim3A_1043 = vector.broadcast %broadcast_in_dim3A_1042 : vector<1x8x100xi1> to vector<4x8x100xi1>
    %select_n3A_1044 = arith.select %broadcast_in_dim3A_1043, %get3A_1041, %select_n3A_1031 : vector<4x8x100xi1>, vector<4x8x100xf32>
    %eq3A_1045 = arith.constant 81 : i32
    %eq3A_1046 = vector.broadcast %eq3A_1045 : i32 to vector<8x100xi32>
    %eq3A_1047 = arith.cmpi eq, %get3A_1, %eq3A_1046 : vector<8x100xi32>
    %broadcast_in_dim3A_1048 = vector.shape_cast %eq3A_1047 : vector<8x100xi1> to vector<1x8x100xi1>
    %get3A_1049 = arith.constant 81 : index
    %get3A_1050 = arith.constant 0 : index
    %get3A_1051 = arith.constant 0 : index
    %get3A_1052 = arith.constant 0 : index
    %get3A_1053 = vector.load %arg2[%get3A_1049, %get3A_1050, %get3A_1051, %get3A_1052] : memref<91x4x8x100xf32, #tpu.memory_space<vmem>>, vector<1x4x8x100xf32>
    %get3A_1054 = vector.shape_cast %get3A_1053 : vector<1x4x8x100xf32> to vector<4x8x100xf32>
    %broadcast_in_dim3A_1055 = vector.shape_cast %broadcast_in_dim3A_1048 : vector<1x8x100xi1> to vector<1x8x100xi1>
    %broadcast_in_dim3A_1056 = vector.broadcast %broadcast_in_dim3A_1055 : vector<1x8x100xi1> to vector<4x8x100xi1>
    %select_n3A_1057 = arith.select %broadcast_in_dim3A_1056, %get3A_1054, %select_n3A_1044 : vector<4x8x100xi1>, vector<4x8x100xf32>
    %eq3A_1058 = arith.constant 82 : i32
    %eq3A_1059 = vector.broadcast %eq3A_1058 : i32 to vector<8x100xi32>
    %eq3A_1060 = arith.cmpi eq, %get3A_1, %eq3A_1059 : vector<8x100xi32>
    %broadcast_in_dim3A_1061 = vector.shape_cast %eq3A_1060 : vector<8x100xi1> to vector<1x8x100xi1>
    %get3A_1062 = arith.constant 82 : index
    %get3A_1063 = arith.constant 0 : index
    %get3A_1064 = arith.constant 0 : index
    %get3A_1065 = arith.constant 0 : index
    %get3A_1066 = vector.load %arg2[%get3A_1062, %get3A_1063, %get3A_1064, %get3A_1065] : memref<91x4x8x100xf32, #tpu.memory_space<vmem>>, vector<1x4x8x100xf32>
    %get3A_1067 = vector.shape_cast %get3A_1066 : vector<1x4x8x100xf32> to vector<4x8x100xf32>
    %broadcast_in_dim3A_1068 = vector.shape_cast %broadcast_in_dim3A_1061 : vector<1x8x100xi1> to vector<1x8x100xi1>
    %broadcast_in_dim3A_1069 = vector.broadcast %broadcast_in_dim3A_1068 : vector<1x8x100xi1> to vector<4x8x100xi1>
    %select_n3A_1070 = arith.select %broadcast_in_dim3A_1069, %get3A_1067, %select_n3A_1057 : vector<4x8x100xi1>, vector<4x8x100xf32>
    %eq3A_1071 = arith.constant 83 : i32
    %eq3A_1072 = vector.broadcast %eq3A_1071 : i32 to vector<8x100xi32>
    %eq3A_1073 = arith.cmpi eq, %get3A_1, %eq3A_1072 : vector<8x100xi32>
    %broadcast_in_dim3A_1074 = vector.shape_cast %eq3A_1073 : vector<8x100xi1> to vector<1x8x100xi1>
    %get3A_1075 = arith.constant 83 : index
    %get3A_1076 = arith.constant 0 : index
    %get3A_1077 = arith.constant 0 : index
    %get3A_1078 = arith.constant 0 : index
    %get3A_1079 = vector.load %arg2[%get3A_1075, %get3A_1076, %get3A_1077, %get3A_1078] : memref<91x4x8x100xf32, #tpu.memory_space<vmem>>, vector<1x4x8x100xf32>
    %get3A_1080 = vector.shape_cast %get3A_1079 : vector<1x4x8x100xf32> to vector<4x8x100xf32>
    %broadcast_in_dim3A_1081 = vector.shape_cast %broadcast_in_dim3A_1074 : vector<1x8x100xi1> to vector<1x8x100xi1>
    %broadcast_in_dim3A_1082 = vector.broadcast %broadcast_in_dim3A_1081 : vector<1x8x100xi1> to vector<4x8x100xi1>
    %select_n3A_1083 = arith.select %broadcast_in_dim3A_1082, %get3A_1080, %select_n3A_1070 : vector<4x8x100xi1>, vector<4x8x100xf32>
    %eq3A_1084 = arith.constant 84 : i32
    %eq3A_1085 = vector.broadcast %eq3A_1084 : i32 to vector<8x100xi32>
    %eq3A_1086 = arith.cmpi eq, %get3A_1, %eq3A_1085 : vector<8x100xi32>
    %broadcast_in_dim3A_1087 = vector.shape_cast %eq3A_1086 : vector<8x100xi1> to vector<1x8x100xi1>
    %get3A_1088 = arith.constant 84 : index
    %get3A_1089 = arith.constant 0 : index
    %get3A_1090 = arith.constant 0 : index
    %get3A_1091 = arith.constant 0 : index
    %get3A_1092 = vector.load %arg2[%get3A_1088, %get3A_1089, %get3A_1090, %get3A_1091] : memref<91x4x8x100xf32, #tpu.memory_space<vmem>>, vector<1x4x8x100xf32>
    %get3A_1093 = vector.shape_cast %get3A_1092 : vector<1x4x8x100xf32> to vector<4x8x100xf32>
    %broadcast_in_dim3A_1094 = vector.shape_cast %broadcast_in_dim3A_1087 : vector<1x8x100xi1> to vector<1x8x100xi1>
    %broadcast_in_dim3A_1095 = vector.broadcast %broadcast_in_dim3A_1094 : vector<1x8x100xi1> to vector<4x8x100xi1>
    %select_n3A_1096 = arith.select %broadcast_in_dim3A_1095, %get3A_1093, %select_n3A_1083 : vector<4x8x100xi1>, vector<4x8x100xf32>
    %eq3A_1097 = arith.constant 85 : i32
    %eq3A_1098 = vector.broadcast %eq3A_1097 : i32 to vector<8x100xi32>
    %eq3A_1099 = arith.cmpi eq, %get3A_1, %eq3A_1098 : vector<8x100xi32>
    %broadcast_in_dim3A_1100 = vector.shape_cast %eq3A_1099 : vector<8x100xi1> to vector<1x8x100xi1>
    %get3A_1101 = arith.constant 85 : index
    %get3A_1102 = arith.constant 0 : index
    %get3A_1103 = arith.constant 0 : index
    %get3A_1104 = arith.constant 0 : index
    %get3A_1105 = vector.load %arg2[%get3A_1101, %get3A_1102, %get3A_1103, %get3A_1104] : memref<91x4x8x100xf32, #tpu.memory_space<vmem>>, vector<1x4x8x100xf32>
    %get3A_1106 = vector.shape_cast %get3A_1105 : vector<1x4x8x100xf32> to vector<4x8x100xf32>
    %broadcast_in_dim3A_1107 = vector.shape_cast %broadcast_in_dim3A_1100 : vector<1x8x100xi1> to vector<1x8x100xi1>
    %broadcast_in_dim3A_1108 = vector.broadcast %broadcast_in_dim3A_1107 : vector<1x8x100xi1> to vector<4x8x100xi1>
    %select_n3A_1109 = arith.select %broadcast_in_dim3A_1108, %get3A_1106, %select_n3A_1096 : vector<4x8x100xi1>, vector<4x8x100xf32>
    %eq3A_1110 = arith.constant 86 : i32
    %eq3A_1111 = vector.broadcast %eq3A_1110 : i32 to vector<8x100xi32>
    %eq3A_1112 = arith.cmpi eq, %get3A_1, %eq3A_1111 : vector<8x100xi32>
    %broadcast_in_dim3A_1113 = vector.shape_cast %eq3A_1112 : vector<8x100xi1> to vector<1x8x100xi1>
    %get3A_1114 = arith.constant 86 : index
    %get3A_1115 = arith.constant 0 : index
    %get3A_1116 = arith.constant 0 : index
    %get3A_1117 = arith.constant 0 : index
    %get3A_1118 = vector.load %arg2[%get3A_1114, %get3A_1115, %get3A_1116, %get3A_1117] : memref<91x4x8x100xf32, #tpu.memory_space<vmem>>, vector<1x4x8x100xf32>
    %get3A_1119 = vector.shape_cast %get3A_1118 : vector<1x4x8x100xf32> to vector<4x8x100xf32>
    %broadcast_in_dim3A_1120 = vector.shape_cast %broadcast_in_dim3A_1113 : vector<1x8x100xi1> to vector<1x8x100xi1>
    %broadcast_in_dim3A_1121 = vector.broadcast %broadcast_in_dim3A_1120 : vector<1x8x100xi1> to vector<4x8x100xi1>
    %select_n3A_1122 = arith.select %broadcast_in_dim3A_1121, %get3A_1119, %select_n3A_1109 : vector<4x8x100xi1>, vector<4x8x100xf32>
    %eq3A_1123 = arith.constant 87 : i32
    %eq3A_1124 = vector.broadcast %eq3A_1123 : i32 to vector<8x100xi32>
    %eq3A_1125 = arith.cmpi eq, %get3A_1, %eq3A_1124 : vector<8x100xi32>
    %broadcast_in_dim3A_1126 = vector.shape_cast %eq3A_1125 : vector<8x100xi1> to vector<1x8x100xi1>
    %get3A_1127 = arith.constant 87 : index
    %get3A_1128 = arith.constant 0 : index
    %get3A_1129 = arith.constant 0 : index
    %get3A_1130 = arith.constant 0 : index
    %get3A_1131 = vector.load %arg2[%get3A_1127, %get3A_1128, %get3A_1129, %get3A_1130] : memref<91x4x8x100xf32, #tpu.memory_space<vmem>>, vector<1x4x8x100xf32>
    %get3A_1132 = vector.shape_cast %get3A_1131 : vector<1x4x8x100xf32> to vector<4x8x100xf32>
    %broadcast_in_dim3A_1133 = vector.shape_cast %broadcast_in_dim3A_1126 : vector<1x8x100xi1> to vector<1x8x100xi1>
    %broadcast_in_dim3A_1134 = vector.broadcast %broadcast_in_dim3A_1133 : vector<1x8x100xi1> to vector<4x8x100xi1>
    %select_n3A_1135 = arith.select %broadcast_in_dim3A_1134, %get3A_1132, %select_n3A_1122 : vector<4x8x100xi1>, vector<4x8x100xf32>
    %eq3A_1136 = arith.constant 88 : i32
    %eq3A_1137 = vector.broadcast %eq3A_1136 : i32 to vector<8x100xi32>
    %eq3A_1138 = arith.cmpi eq, %get3A_1, %eq3A_1137 : vector<8x100xi32>
    %broadcast_in_dim3A_1139 = vector.shape_cast %eq3A_1138 : vector<8x100xi1> to vector<1x8x100xi1>
    %get3A_1140 = arith.constant 88 : index
    %get3A_1141 = arith.constant 0 : index
    %get3A_1142 = arith.constant 0 : index
    %get3A_1143 = arith.constant 0 : index
    %get3A_1144 = vector.load %arg2[%get3A_1140, %get3A_1141, %get3A_1142, %get3A_1143] : memref<91x4x8x100xf32, #tpu.memory_space<vmem>>, vector<1x4x8x100xf32>
    %get3A_1145 = vector.shape_cast %get3A_1144 : vector<1x4x8x100xf32> to vector<4x8x100xf32>
    %broadcast_in_dim3A_1146 = vector.shape_cast %broadcast_in_dim3A_1139 : vector<1x8x100xi1> to vector<1x8x100xi1>
    %broadcast_in_dim3A_1147 = vector.broadcast %broadcast_in_dim3A_1146 : vector<1x8x100xi1> to vector<4x8x100xi1>
    %select_n3A_1148 = arith.select %broadcast_in_dim3A_1147, %get3A_1145, %select_n3A_1135 : vector<4x8x100xi1>, vector<4x8x100xf32>
    %eq3A_1149 = arith.constant 89 : i32
    %eq3A_1150 = vector.broadcast %eq3A_1149 : i32 to vector<8x100xi32>
    %eq3A_1151 = arith.cmpi eq, %get3A_1, %eq3A_1150 : vector<8x100xi32>
    %broadcast_in_dim3A_1152 = vector.shape_cast %eq3A_1151 : vector<8x100xi1> to vector<1x8x100xi1>
    %get3A_1153 = arith.constant 89 : index
    %get3A_1154 = arith.constant 0 : index
    %get3A_1155 = arith.constant 0 : index
    %get3A_1156 = arith.constant 0 : index
    %get3A_1157 = vector.load %arg2[%get3A_1153, %get3A_1154, %get3A_1155, %get3A_1156] : memref<91x4x8x100xf32, #tpu.memory_space<vmem>>, vector<1x4x8x100xf32>
    %get3A_1158 = vector.shape_cast %get3A_1157 : vector<1x4x8x100xf32> to vector<4x8x100xf32>
    %broadcast_in_dim3A_1159 = vector.shape_cast %broadcast_in_dim3A_1152 : vector<1x8x100xi1> to vector<1x8x100xi1>
    %broadcast_in_dim3A_1160 = vector.broadcast %broadcast_in_dim3A_1159 : vector<1x8x100xi1> to vector<4x8x100xi1>
    %select_n3A_1161 = arith.select %broadcast_in_dim3A_1160, %get3A_1158, %select_n3A_1148 : vector<4x8x100xi1>, vector<4x8x100xf32>
    %eq3A_1162 = arith.constant 90 : i32
    %eq3A_1163 = vector.broadcast %eq3A_1162 : i32 to vector<8x100xi32>
    %eq3A_1164 = arith.cmpi eq, %get3A_1, %eq3A_1163 : vector<8x100xi32>
    %broadcast_in_dim3A_1165 = vector.shape_cast %eq3A_1164 : vector<8x100xi1> to vector<1x8x100xi1>
    %get3A_1166 = arith.constant 90 : index
    %get3A_1167 = arith.constant 0 : index
    %get3A_1168 = arith.constant 0 : index
    %get3A_1169 = arith.constant 0 : index
    %get3A_1170 = vector.load %arg2[%get3A_1166, %get3A_1167, %get3A_1168, %get3A_1169] : memref<91x4x8x100xf32, #tpu.memory_space<vmem>>, vector<1x4x8x100xf32>
    %get3A_1171 = vector.shape_cast %get3A_1170 : vector<1x4x8x100xf32> to vector<4x8x100xf32>
    %broadcast_in_dim3A_1172 = vector.shape_cast %broadcast_in_dim3A_1165 : vector<1x8x100xi1> to vector<1x8x100xi1>
    %broadcast_in_dim3A_1173 = vector.broadcast %broadcast_in_dim3A_1172 : vector<1x8x100xi1> to vector<4x8x100xi1>
    %select_n3A_1174 = arith.select %broadcast_in_dim3A_1173, %get3A_1171, %select_n3A_1161 : vector<4x8x100xi1>, vector<4x8x100xf32>
    %swap3A = arith.constant 0 : index
    %swap3A_1175 = arith.constant 0 : index
    %swap3A_1176 = arith.constant 0 : index
    %swap3A_1177 = vector.load %arg3[%swap3A, %swap3A_1175, %swap3A_1176] : memref<4x8x100xf32, #tpu.memory_space<vmem>>, vector<4x8x100xf32>
    tpu.vector_store %arg3[%swap3A, %swap3A_1175, %swap3A_1176], %select_n3A_1174 {strides = array<i32>} : memref<4x8x100xf32, #tpu.memory_space<vmem>>, vector<4x8x100xf32>,
    return
  }
  func.func @transform_0(%arg0: i32) -> (i32, i32) {
    %c0_i32 = arith.constant 0 : i32
    %c0_i32_0 = arith.constant 0 : i32
    %c0_i32_1 = arith.constant 0 : i32
    return %c0_i32, %c0_i32_0 : i32, i32
  }
  func.func @transform_1(%arg0: i32) -> (i32, i32, i32, i32) {
    %c0_i32 = arith.constant 0 : i32
    %c0_i32_0 = arith.constant 0 : i32
    %c0_i32_1 = arith.constant 0 : i32
    %c0_i32_2 = arith.constant 0 : i32
    return %c0_i32, %arg0, %c0_i32_0, %c0_i32_1 : i32, i32, i32, i32
  }
  func.func @transform_2(%arg0: i32) -> (i32, i32, i32) {
    %c0_i32 = arith.constant 0 : i32
    %c0_i32_0 = arith.constant 0 : i32
    %c0_i32_1 = arith.constant 0 : i32
    return %arg0, %c0_i32, %c0_i32_0 : i32, i32, i32
  }
}

</mosaic_0001>

<sc_bundles>
// kernel: kernel.4.cloned.1.call-start
scs
__scs_entry_jumppad:
0x0: {  	(pc) =	sbr.rel $0x88, $3  }
0x1: {  	(tag) =	ssettag $0x0;
	lr =	simm.s32 $0x1  }
0x2: {  	[smem:$0x3F9F] =	sst lr;
	_ =	strace $0xD0000000  }
0x3: {  	_ = 	snop  }
0x4: {  	_ = 	snop  }
0x5: {  	_ = 	snop  }
0x6: {  	_ = 	snop  }
0x7: {  	_ = 	snop  }
__scs_overlays_trampoline_lowered:
0x8: {  	[smem:$0x3FAE] =	sst s0  }
0x9: {  	[smem:$0x3FAF] =	sst s1  }
0xa: {  	[smem:$0x3FB0] =	sst s2  }
0xb: {  	[smem:$0x3FB1] =	sst s3  }
0xc: {  	[smem:$0x3FB2] =	sst s4  }
0xd: {  	[smem:$0x3FB3] =	sst s5  }
0xe: {  	[smem:$0x3FB4] =	sst s6  }
0xf: {  	[smem:$0x3FB5] =	sst s7  }
0x10: {  	[smem:$0x3FB6] =	sst s8  }
0x11: {  	[smem:$0x3FB7] =	sst s9;
	s0 =	simm.s32 @!p0 $0x0  }
0x12: {  	s1 =	sld [smem:$0x3F9D];
	s0 =	simm.s32 @p0 $0x1  }
0x13: {  	[smem:$0x3FB8] =	sst s0;
	s0 =	simm.s32 @!p1 $0x0  }
0x14: {  	s2 =	sld [smem:$0x3F9C];
	s0 =	simm.s32 @p1 $0x1  }
0x15: {  	[smem:$0x3FB9] =	sst s0;
	s0 =	simm.s32 @!p2 $0x0  }
0x16: {  	s3 =	sld [smem:$0x3FDB];
	s0 =	simm.s32 @p2 $0x1  }
0x17: {  	s4 =	simm.s32 $0x1BF5;
	[smem:$0x3FBB] =	sst s0  }
0x18: {  	s0 =	sld [smem:$0x3F9E];
	_ =	swait.ge [sflag:s4], $0x0  }
0x19: {  	s7 =	sld [smem:$0x3F9F]  }
0x1a: {  	s8 =	sadd.s32 $0xFFFFE003, lr  }
0x1b: {  	s9 =	sadd.s32 $0xFFFFFEF7, lr;
	s5 =	simm.s32 $0xFFFFFFFF;
	p2 =	slt.u32 s8, $0xFFFFF086  }
0x1c: {  	p1 =	slt.u32 s9, $0xF7A;
	s5 =	simm.s32 @!p2 $0x0  }
0x1d: {  	s5 =	simm.s32 @p1 $0x1;
	p0 =	seq.s32 s7, s2  }
0x1e: {  	s7 =	smul.u32 @!p0 $0xF7A, s2;
	p2 =	seq.s32 @!p0 s5, $0x0  }
0x1f: {  	s9 =	smul.u32 $0xF7A, s1;
	s8 =	simm.s32 @!p0 $0x1BF5;
	p2 =	por !p2, p0  }
0x20: {  	[sflag:s8] =	ssyncset.s32 @!p0 $0xFFFFF086;
	s6 =	sadd.s32 @!p0 s3, s7;
	s7 =	simm.s32 @!p0 $0x108  }
0x21: {  	s3 =	sadd.s32 s3, s9;
	s6 =	sadd.s32 @!p0 $0x88, s6;
	s7 =	simm.s32 @p2 $0x1082  }
0x22: {  	[simem:s7], [sflag:s8] =	dma.local @!p0 [hbm:s6], $0xF7A  }
0x23: {  	s9 =	sor.u32 $0xD0000000, s2;
	s6 =	simm.s32 $0x108;
	_ =	swait.ge @!p0 [sflag:s8], $0x0  }
0x24: {  	s3 =	sadd.s32 $0x88, s3;
	s6 =	simm.s32 @!p1 $0x1082;
	[sflag:s4] =	ssyncset.s32 $0xFFFFF086  }
0x25: {  	[simem:s6], [sflag:s4] =	dma.local [hbm:s3], $0xF7A  }
0x26: {  	[smem:$0x3F9F] =	sst s1;
	(tag) =	ssettag s2;
	_ =	strace s9  }
0x27: {  	s1 =	sld [smem:$0x3FAF]  }
0x28: {  	s2 =	sld [smem:$0x3FB0]  }
0x29: {  	s4 =	sld [smem:$0x3FB2]  }
0x2a: {  	p0 =	seq.s32 s5, $0x0;
	s5 =	sld [smem:$0x3FB3]  }
0x2b: {  	s6 =	sld [smem:$0x3FB4]  }
0x2c: {  	s7 =	sld [smem:$0x3FB5]  }
0x2d: {  	s3 =	simm.s32 $0x108;
	s8 =	sld [smem:$0x3FB6]  }
0x2e: {  	s3 =	simm.s32 @!p0 $0x1082;
	s9 =	sld [smem:$0x3FB7]  }
0x2f: {  	lr =	sadd.s32 s0, s3;
	s0 =	sld [smem:$0x3FAE]  }
0x30: {  	s3 =	sld [smem:$0x3FB1]  }
0x31: {  	[smem:$0x3FBA] =	sst s10  }
0x32: {  	s10 =	sld [smem:$0x3FB8];
	_ =	sdelay $0x3  }
0x33: {  	p0 =	seq.s32 s10, $0x1;
	s10 =	sld [smem:$0x3FBA];
	_ =	sdelay $0x3  }
0x34: {  	[smem:$0x3FBA] =	sst s10  }
0x35: {  	s10 =	sld [smem:$0x3FB9];
	_ =	sdelay $0x3  }
0x36: {  	p1 =	seq.s32 s10, $0x1;
	s10 =	sld [smem:$0x3FBA];
	_ =	sdelay $0x3  }
0x37: {  	[smem:$0x3FBA] =	sst s10  }
0x38: {  	s10 =	sld [smem:$0x3FBB]  }
0x39: {  	_ = 	snop;
	(pc) =	sbr.ind lr, $3  }
0x3a: {  	_ = 	snop  }
0x3b: {  	_ = 	snop  }
0x3c: {  	p2 =	seq.s32 s10, $0x1;
	s10 =	sld [smem:$0x3FBA]  }
0x3d: {  	_ =	shalt  }
0x3e: {  	_ =	shalt  }
0x3f: {  	_ =	shalt  }
0x40: {  	_ =	shalt  }
0x41: {  	_ =	shalt  }
0x42: {  	_ =	shalt  }
0x43: {  	_ =	shalt  }
0x44: {  	_ =	shalt  }
0x45: {  	_ =	shalt  }
0x46: {  	_ =	shalt  }
0x47: {  	_ =	shalt  }
0x48: {  	_ =	shalt  }
0x49: {  	_ =	shalt  }
0x4a: {  	_ =	shalt  }
0x4b: {  	_ =	shalt  }
0x4c: {  	_ =	shalt  }
0x4d: {  	_ =	shalt  }
0x4e: {  	_ =	shalt  }
0x4f: {  	_ =	shalt  }
0x50: {  	_ =	shalt  }
0x51: {  	_ =	shalt  }
0x52: {  	_ =	shalt  }
0x53: {  	_ =	shalt  }
0x54: {  	_ =	shalt  }
0x55: {  	_ =	shalt  }
0x56: {  	_ =	shalt  }
0x57: {  	_ =	shalt  }
0x58: {  	_ =	shalt  }
0x59: {  	_ =	shalt  }
0x5a: {  	_ =	shalt  }
0x5b: {  	_ =	shalt  }
0x5c: {  	_ =	shalt  }
0x5d: {  	_ =	shalt  }
0x5e: {  	_ =	shalt  }
0x5f: {  	_ =	shalt  }
0x60: {  	_ =	shalt  }
0x61: {  	_ =	shalt  }
0x62: {  	_ =	shalt  }
0x63: {  	_ =	shalt  }
0x64: {  	_ =	shalt  }
0x65: {  	_ =	shalt  }
0x66: {  	_ =	shalt  }
0x67: {  	_ =	shalt  }
0x68: {  	_ =	shalt  }
0x69: {  	_ =	shalt  }
0x6a: {  	_ =	shalt  }
0x6b: {  	_ =	shalt  }
0x6c: {  	_ =	shalt  }
0x6d: {  	_ =	shalt  }
0x6e: {  	_ =	shalt  }
0x6f: {  	_ =	shalt  }
0x70: {  	_ =	shalt  }
0x71: {  	_ =	shalt  }
0x72: {  	_ =	shalt  }
0x73: {  	_ =	shalt  }
0x74: {  	_ =	shalt  }
0x75: {  	_ =	shalt  }
0x76: {  	_ =	shalt  }
0x77: {  	_ =	shalt  }
0x78: {  	_ =	shalt  }
0x79: {  	_ =	shalt  }
0x7a: {  	_ =	shalt  }
0x7b: {  	_ =	shalt  }
0x7c: {  	_ =	shalt  }
0x7d: {  	_ =	shalt  }
0x7e: {  	_ =	shalt  }
0x7f: {  	_ =	shalt  }
0x80: {  	_ =	shalt  }
0x81: {  	_ =	shalt  }
0x82: {  	_ =	shalt  }
0x83: {  	_ =	shalt  }
0x84: {  	_ =	shalt  }
0x85: {  	_ =	shalt  }
0x86: {  	_ =	shalt  }
0x87: {  	_ =	shalt  }
.Lfunc_end0:
.L_simem_size_0:
called_computation_lowered:
.L_overlay_start_0:
0x88: {  	s2 =	sld [smem:$0x3FD9]  }
0x89: {  	s3 =	sld [smem:$0x3FFE];
	_ =	sdelay $0x1  }
0x8a: {  	s1 =	srdreg.scid  }
0x8b: {  	s0 =	sand.u32 $0x1, s1  }
0x8c: {  	s17 =	sshll.u32 s0, $0xA;
	s2 =	sadd.s32 s3, s2  }
0x8d: {  	s2 =	sadd.s32 s2, s17  }
0x8e: {  	[smem:$0x3FC6] =	sst s2  }
0x8f: {  	_ = 	snop  }
0x90: {  	s2 =	sld [smem:$0x3FC9]  }
0x91: {  	s18 =	sld [smem:$0x3FD0];
	(tm) =	ssettm $0x1  }
0x92: {  	s4 =	sld [smem:$0x3FFB];
	_ =	sdelay $0x3  }
0x93: {  	_ =	strace s4  }
0x94: {  	s4 =	sld [smem:$0x3FFC];
	_ =	sdelay $0x3  }
0x95: {  	_ =	strace s4  }
0x96: {  	s4 =	sld [smem:$0x3FFD];
	_ =	sdelay $0x3  }
0x97: {  	_ =	strace s4  }
0x98: {  	_ =	strace $0x8FFFFFFF  }
0x99: {  	s19 =	sld [smem:$0x3FDB];
	_ =	sdelay $0x1  }
0x9a: {  	s5 =	simm.s32 $_scs_section_size  }
0x9b: {  	s6 =	simm.s32 $_size__tile_overlayer_lowered;
	s7 =	simm.s32 $_tile_overlayer_lowered  }
0x9c: {  	s22 =	simm.s32 $0x1BFF;
	s21 =	sshll.u32 s7, $0x1;
	s4 =	sadd.s32 s5, s19  }
0x9d: {  	s8 =	simm.s32 $0x0;
	s20 =	sshll.u32 s6, $0x1;
	s6 =	sadd.s32 s21, s4  }
0x9e: {  	[timem:s8], [sflag:s22] =	dma.local [hbm:s6], s20  }
0x9f: {  	_ =	swait.ge [sflag:s22], s20  }
0xa0: {  	s5 =	ssub.s32 $0x0, s20;
	[sflag:s22] =	ssyncset.done $0x0  }
0xa1: {  	[sflag:s22] =	ssyncadd.s32 s5;
	_ =	sdelay $0x1  }
0xa2: {  	s23 =	simm.s32 $0x1B8B  }
0xa3: {  	_ =	swait.ge [sflag:s23], $0x1  }
0xa4: {  	[sflag:s23] =	ssyncset.done $0x0  }
0xa5: {  	s25 =	simm.s32 $0x1B8E;
	s24 =	sld [smem:$0x3FFE];
	[sflag:s23] =	ssyncadd.s32 $0xFFFFFFFF  }
0xa6: {  	s26 =	simm.s32 $execute0_lowered;
	[smem:$0x3FD2] =	sst s25  }
0xa7: {  	s6 =	sshll.u32 s26, $0x1;
	_ =	strace $0x80000046;
	[dreg:$0x1] =	wrdreg $0xFFFFFFFF  }
0xa8: {  	s28 =	simm.s32 $_size_execute0_lowered;
	s4 =	sadd.s32 s4, s6;
	[dreg:$0x0] =	wrdreg $0x0  }
0xa9: {  	s6 =	sshll.u32 s28, $0x1;
	[dreg:$0x2] =	wrdreg s4  }
0xaa: {  	[dreg:$0x3] =	wrdreg s6  }
0xab: {  	[dreg:$0x4] =	wrdreg $0xC0  }
0xac: {  	_ =	task [dreg:s8], $0x5FFFF  }
0xad: {  	[dreg:$0x1] =	wrdreg $0xFFFFFFFF  }
0xae: {  	[dreg:$0x0] =	wrdreg $0x60  }
0xaf: {  	[dreg:$0x2] =	wrdreg s2  }
0xb0: {  	[dreg:$0x3] =	wrdreg s18  }
0xb1: {  	[dreg:$0x4] =	wrdreg s24  }
0xb2: {  	[dreg:$0x5] =	wrdreg $0x9  }
0xb3: {  	_ =	task.clear_ibuf [dreg:s8], $0x6FFFF;
	_ =	strace $0x90000046  }
0xb4: {  	s29 =	simm.s32 $0x9;
	_ =	strace $0x80000048  }
0xb5: {  	_ =	swait.ge [sflag:s29], $0x1  }
0xb6: {  	[sflag:s29] =	ssyncadd.s32 $0xFFFFFFFF  }
0xb7: {  	_ =	strace $0x90000048  }
0xb8: {  	_ =	sfence  }
0xb9: {  	s30 =	sld [smem:$0x0];
	_ =	sdelay $0x2  }
0xba: {  	s31 =	sshll.u32 s1, $0xD;
	s1 =	sshrl.u32 s1, $0x2  }
0xbb: {  	s3 =	sand.u32 $0x4000, s31;
	s1 =	sadd.s32 s1, s30  }
0xbc: {  	s0 =	sor.u32 s3, s0;
	s1 =	sshll.u32 s1, $0x11  }
0xbd: {  	s0 =	sor.u32 s1, s0  }
0xbe: {  	s0 =	sadd.s32 $0x8F2B, s0  }
0xbf: {  	[sflag:s0] =	ssyncadd.remote.s32 $0x1  }
0xc0: {  	_ =	sfence.sel $0xFFFF  }
0xc1: {  	[dreg:$0x0] =	wrdreg $0xFFFFFFFF;
	(pc) =	sbr.abs _section_cstart, $3  }
0xc2: {  	[dreg:$0x1] =	wrdreg $0xFFFFFFFF  }
0xc3: {  	_ =	task.clear_ibuf [dreg:s8], $0x2FFFF;
	_ =	strace $0x9FFFFFFF  }
0xc4: {  	(tm) =	ssettm $0x7FFFFFFF  }
0xc5: {  	_ =	shalt  }
tec
execute0_lowered:
.L_overlay_start_1:
0x0: {  	(tag) =	ssettag $0x1  }
0x1: {  	v0 =	vimm.s32 $0x87868584;
	v2 =	vimm.s32 $0x63626160  }
0x2: {  	v3 =	vimm.s32 $0x83828180;
	vm0 =	vcmask $0x1F10;
	v9 =	vimm.s32 $0xDFDEDDDC  }
0x3: {  	v12 =	vimm.s32 $0xE3E2E1E0;
	vm1 =	vcmask $0xF00;
	v13 =	vimm.s32 $0x183  }
0x4: {  	vm12 =	vcmask $0x300;
	vm13 =	vcmask $0x704;
	vm14 =	vcmask $0xB08  }
0x5: {  	vm4 =	vcmask $0x2320;
	vm11 =	vcmask $0xF0C;
	vm10 =	vcmask $0x1310  }
0x6: {  	vm5 =	vcmask $0x2724;
	vm9 =	vcmask $0x1714;
	vm8 =	vcmask $0x1B18  }
0x7: {  	vm6 =	vcmask $0x2B28;
	vm7 =	vcmask $0x1F1C;
	vm3 =	vcmask $0x2F2C  }
0x8: {  	vm2 =	vcmask $0x3330;
	vm15 =	vcmask $0x3B38;
	v21 =	vimm.s32 $0x28B  }
0x9: {  	v32 =	vimm.s32 $0x307;
	v33 =	vimm.s32 $0x383;
	v1 =	vunpack.c.0.s8.s32 v0  }
0xa: {  	v0 =	vimm.s32 $0x8B8A8988;
	v2 =	vunpack.c.0.s8.s32 v2;
	v3 =	vunpack.c.0.s8.s32 v3  }
0xb: {  	v11 =	vunpack.c.0.s8.s32 v9;
	v12 =	vunpack.c.0.s8.s32 v12;
	v13 =	vsel vm12, $0x158, v13  }
0xc: {  	v23 =	vsel vm12, $0x260, v21;
	v32 =	vsel vm12, $0x2DC, v32;
	v33 =	vsel vm12, $0x358, v33  }
0xd: {  	v4 =	vunpack.c.0.s8.s32 v0;
	v0 =	vlaneseq.u32;
	v25 =	vsel vm13, $0x261, v23  }
0xe: {  	v32 =	vsel vm13, $0x2DD, v32;
	v33 =	vsel vm13, $0x359, v33;
	v2 =	vsel vm0, v3, v2  }
0xf: {  	v3 =	vor.u32 $0x30, v0;
	v5 =	vor.u32 $0x50, v0;
	v7 =	vadd.s32 $0x8C, v0  }
0x10: {  	v8 =	vadd.s32 $0x9C, v0;
	v9 =	vadd.s32 $0xAC, v0;
	v10 =	vadd.s32 $0xBC, v0  }
0x11: {  	v11 =	vand.u32 $0xFF, v11;
	v12 =	vand.u32 $0xFF, v12;
	v16 =	vadd.s32 $0x138, v0  }
0x12: {  	v19 =	vadd.s32 $0x184, v0;
	v20 =	vadd.s32 $0x194, v0;
	v21 =	vadd.s32 $0x1A4, v0  }
0x13: {  	v22 =	vadd.s32 $0x1B4, v0;
	v23 =	vadd.s32 $0x1C4, v0;
	v24 =	vadd.s32 $0x1D4, v0  }
0x14: {  	v27 =	vsel vm14, $0x262, v25;
	v25 =	vor.u32 $0x200, v0;
	v26 =	vor.u32 $0x210, v0  }
0x15: {  	v28 =	vor.u32 $0x230, v0;
	v32 =	vsel vm14, $0x2DE, v32;
	v33 =	vsel vm14, $0x35A, v33  }
0x16: {  	v40 =	vadd.s32 $0x328, v0;
	v42 =	vadd.s32 $0x348, v0;
	v44 =	vadd.s32 $0x384, v0  }
0x17: {  	v45 =	vadd.s32 $0x394, v0;
	v46 =	vadd.s32 $0x3A4, v0;
	v47 =	vadd.s32 $0x3B4, v0  }
0x18: {  	v48 =	vadd.s32 $0x3C4, v0;
	v49 =	vadd.s32 $0x3D4, v0;
	v4 =	vsel vm0, v4, v1  }
0x19: {  	v1 =	vor.u32 $0x10, v0;
	v11 =	vnsel vm1, $0x107, v11;
	vm1 =	vcmask $0x3734  }
0x1a: {  	v29 =	vsel vm11, $0x263, v27;
	v27 =	vor.u32 $0x220, v0;
	v32 =	vsel vm11, $0x2DF, v32  }
0x1b: {  	v33 =	vsel vm11, $0x35B, v33;
	v6 =	vcombine.low v2, v4;
	v2 =	vor.u32 $0x20, v0  }
0x1c: {  	v4 =	vor.u32 $0x40, v0;
	v11 =	vsel vm0, v12, v11;
	v12 =	vsel vm13, $0x159, v13  }
0x1d: {  	v30 =	vsel vm10, $0x280, v29;
	v29 =	vor.u32 $0x240, v0;
	v32 =	vsel vm10, $0x2E0, v32  }
0x1e: {  	v33 =	vsel vm10, $0x35C, v33;
	v12 =	vsel vm14, $0x15A, v12;
	v11 =	vsel vm4, $0x100, v11  }
0x1f: {  	v31 =	vsel vm9, $0x281, v30;
	v30 =	vor.u32 $0x250, v0;
	v32 =	vsel vm9, $0x2E1, v32  }
0x20: {  	v33 =	vsel vm9, $0x35D, v33;
	v6 =	vand.u32 $0xFF, v6;
	v12 =	vsel vm11, $0x15B, v12  }
0x21: {  	v11 =	vsel vm5, $0x101, v11;
	v31 =	vsel vm8, $0x282, v31;
	v32 =	vsel vm8, $0x2E2, v32  }
0x22: {  	v33 =	vsel vm8, $0x35E, v33;
	v12 =	vsel vm10, $0x15C, v12;
	v11 =	vsel vm6, $0x102, v11  }
0x23: {  	v31 =	vsel vm7, $0x283, v31;
	v32 =	vsel vm7, $0x2E3, v32;
	v35 =	vsel vm7, $0x35F, v33  }
0x24: {  	v33 =	vadd.s32 $0x29C, v0;
	v12 =	vsel vm9, $0x15D, v12;
	v11 =	vsel vm3, $0x103, v11  }
0x25: {  	v31 =	vsel vm4, $0x284, v31;
	v34 =	vsel vm4, $0x300, v32;
	v32 =	vadd.s32 $0x28C, v0  }
0x26: {  	v35 =	vsel vm4, $0x360, v35;
	v12 =	vsel vm8, $0x15E, v12;
	v11 =	vsel vm2, $0x104, v11  }
0x27: {  	s5 =	rddreg [dreg:$0x0];
	v31 =	vsel vm5, $0x285, v31;
	v34 =	vsel vm5, $0x301, v34;
	v37 =	vsel vm5, $0x361, v35  }
0x28: {  	s0 =	rddreg [dreg:$0x1];
	v35 =	vadd.s32 $0x2BC, v0;
	v12 =	vsel vm7, $0x15F, v12;
	v13 =	vsel vm1, $0x105, v11  }
0x29: {  	s4 =	rddreg [dreg:$0x2];
	v11 =	vadd.s32 $0xCC, v0;
	v31 =	vsel vm6, $0x286, v31;
	v36 =	vsel vm6, $0x302, v34  }
0x2a: {  	s1 =	rddreg [dreg:$0x3];
	s3 =	srdreg.scid;
	v34 =	vadd.s32 $0x2AC, v0;
	v37 =	vsel vm6, $0x362, v37;
	v12 =	vsel vm4, $0x160, v12  }
0x2b: {  	s2 =	stileid.u32;
	s10 =	simm.s32 $0x380;
	s11 =	simm.s32 $0x1;
	v31 =	vsel vm3, $0x287, v31;
	v36 =	vsel vm3, $0x303, v36;
	v39 =	vsel vm3, $0x363, v37  }
0x2c: {  	s12 =	simm.s32 $0x16F80;
	s13 =	simm.s32 $0x0;
	s6 =	sand.u32 $0x1, s3;
	v12 =	vsel vm5, $0x161, v12;
	v31 =	vsel vm2, $0x288, v31;
	v38 =	vsel vm2, $0x304, v36  }
0x2d: {  	s7 =	sshll.u32 s2, $0x1;
	s8 =	smul.u32 $0x1C, s2;
	s3 =	simm.s32 $0x0;
	v36 =	vadd.s32 $0x2CC, v0;
	v41 =	vsel vm2, $0x380, v39;
	v39 =	vadd.s32 $0x318, v0  }
0x2e: {  	s7 =	sor.u32 s6, s7;
	s9 =	smul.u32 $0xE, s6;
	s6 =	ssub.s32 $0x2, s6;
	v14 =	vsel vm6, $0x162, v12;
	v12 =	vsel vm15, $0x106, v13;
	v13 =	vadd.s32 $0x108, v0  }
0x2f: {  	[smem:$0x7FF] =	sst s3;
	s7 =	smul.u32 $0x700, s7;
	s30 =	sshrl.u32 s6, $0x1;
	v31 =	vsel vm1, $0x289, v31;
	v38 =	vsel vm1, $0x305, v38;
	v43 =	vsel vm1, $0x381, v41  }
0x30: {  	_ =	strace $0x80000047;
	s8 =	sadd.s32 s9, s8;
	s6 =	ssub.s32 s6, s30;
	v41 =	vadd.s32 $0x338, v0;
	v15 =	vsel vm3, $0x163, v14;
	v14 =	vadd.s32 $0x118, v0  }
0x31: {  	s9 =	simm.s32 $0xC4000;
	s4 =	sadd.s32 s7, s4;
	s8 =	sshll.u32 s8, $0x7;
	v31 =	vsel vm15, $0x28A, v31;
	v37 =	vsel vm15, $0x306, v38;
	v17 =	vsel vm2, $0x180, v15  }
0x32: {  	s7 =	simm.s32 $0x2;
	s4 =	sadd.s32 $0x600, s4;
	s31 =	sadd.s32 s5, s8;
	v38 =	vadd.s32 $0x308, v0;
	v43 =	vsel vm15, $0x382, v43;
	v18 =	vsel vm1, $0x181, v17  }
0x33: {  	s5 =	smax.u32 s6, $0x1;
	s8 =	simm.s32 $0x400;
	s6 =	sadd.s32 $0xA800, s31;
	v15 =	vadd.s32 $0x128, v0;
	v17 =	vadd.s32 $0x148, v0;
	v18 =	vsel vm15, $0x182, v18  }
.LBB2_1:
0x34: {  	[tilespmem:s3], [sflag:$0x2] =	stream.linear.gather [hbm4b:s0+s3], $0x380, $0x38;
	[tilespmem:$0x1A780] =	vst v63  }
0x35: {  	_ =	swait.ge [sflag:s7], $0x380  }
0x36: {  	[sflag:s7] =	ssyncset.done $0x0  }
0x37: {  	s14 =	smov.u32 s6;
	s15 =	simm.s32 $0x0;
	[sflag:s7] =	ssyncadd.s32 $0xFFFFFC80  }
.LBB2_2:
0x38: {  	[tilespmem:s10], [sflag:$0x1] =	stream.strided.gather [hbm4b:s14+s8], $0x16C00, s9, s8, $0x38;
	[tilespmem:$0x1A780] =	vst v63  }
0x39: {  	_ =	swait.ge [sflag:s11], $0x16C00  }
0x3a: {  	[sflag:s11] =	ssyncset.done $0x0  }
0x3b: {  	[sflag:s11] =	ssyncadd.s32 $0xFFFE9400  }
0x3c: {  	v50 =	vld [tilespmem:$0x0];
	_ =	sdelay $0x4  }
0x3d: {  	v50 =	vshll.u32 v50, $0xA  }
0x3e: {  	v50 =	vor.u32 v0, v50;
	_ =	sdelay $0x3  }
0x3f: {  	s16 =	sshll.u32 s15, $0xA  }
0x40: {  	v51 =	vor.u32 s16, v0;
	v50 =	vld.idx.msk [tilespmem:v50+s10+$0x0], $0xffff;
	_ =	sdelay $0x4  }
0x41: {  	[tilespmem:v51+s12+$0x0] =	vst.idx.msk $0xffff, v50  }
0x42: {  	v50 =	vld [tilespmem:$0x10];
	_ =	sdelay $0x4  }
0x43: {  	v50 =	vshll.u32 v50, $0xA  }
0x44: {  	v50 =	vor.u32 v1, v50;
	_ =	sdelay $0x4  }
0x45: {  	v55 =	vor.u32 s16, v1;
	v50 =	vld.idx.msk [tilespmem:v50+s10+$0x0], $0xffff;
	_ =	sdelay $0x4  }
0x46: {  	[tilespmem:v55+s12+$0x0] =	vst.idx.msk $0xffff, v50  }
0x47: {  	v50 =	vld [tilespmem:$0x20];
	_ =	sdelay $0x4  }
0x48: {  	v50 =	vshll.u32 v50, $0xA  }
0x49: {  	v50 =	vor.u32 v2, v50;
	_ =	sdelay $0x4  }
0x4a: {  	v56 =	vor.u32 s16, v2;
	v50 =	vld.idx.msk [tilespmem:v50+s10+$0x0], $0xffff;
	_ =	sdelay $0x4  }
0x4b: {  	[tilespmem:v56+s12+$0x0] =	vst.idx.msk $0xffff, v50  }
0x4c: {  	v50 =	vld [tilespmem:$0x30];
	_ =	sdelay $0x4  }
0x4d: {  	v50 =	vshll.u32 v50, $0xA  }
0x4e: {  	v50 =	vor.u32 v3, v50;
	_ =	sdelay $0x4  }
0x4f: {  	v57 =	vor.u32 s16, v3;
	v50 =	vld.idx.msk [tilespmem:v50+s10+$0x0], $0xffff;
	_ =	sdelay $0x4  }
0x50: {  	[tilespmem:v57+s12+$0x0] =	vst.idx.msk $0xffff, v50  }
0x51: {  	v50 =	vld [tilespmem:$0x40];
	_ =	sdelay $0x4  }
0x52: {  	v50 =	vshll.u32 v50, $0xA  }
0x53: {  	v50 =	vor.u32 v4, v50;
	_ =	sdelay $0x4  }
0x54: {  	v58 =	vor.u32 s16, v4;
	v50 =	vld.idx.msk [tilespmem:v50+s10+$0x0], $0xffff;
	_ =	sdelay $0x4  }
0x55: {  	[tilespmem:v58+s12+$0x0] =	vst.idx.msk $0xffff, v50  }
0x56: {  	v50 =	vld [tilespmem:$0x50];
	_ =	sdelay $0x4  }
0x57: {  	v50 =	vshll.u32 v50, $0xA  }
0x58: {  	v50 =	vor.u32 v5, v50;
	_ =	sdelay $0x4  }
0x59: {  	v59 =	vor.u32 s16, v5;
	v50 =	vld.idx.msk [tilespmem:v50+s10+$0x0], $0xffff;
	_ =	sdelay $0x4  }
0x5a: {  	[tilespmem:v59+s12+$0x0] =	vst.idx.msk $0xffff, v50  }
0x5b: {  	v50 =	vld [tilespmem:$0x60];
	_ =	sdelay $0x4  }
0x5c: {  	v50 =	vshll.u32 v50, $0xA  }
0x5d: {  	v50 =	vor.u32 v6, v50;
	_ =	sdelay $0x4  }
0x5e: {  	v60 =	vor.u32 s16, v6;
	v50 =	vld.idx.msk [tilespmem:v50+s10+$0x0], $0xffff;
	_ =	sdelay $0x4  }
0x5f: {  	[tilespmem:v60+s12+$0x0] =	vst.idx.msk $0xffff, v50  }
0x60: {  	v50 =	vld [tilespmem:$0x70];
	_ =	sdelay $0x4  }
0x61: {  	v50 =	vshll.u32 v50, $0xA  }
0x62: {  	v50 =	vor.u32 v7, v50;
	_ =	sdelay $0x4  }
0x63: {  	v61 =	vor.u32 s16, v7;
	v50 =	vld.idx.msk [tilespmem:v50+s10+$0x0], $0xffff;
	_ =	sdelay $0x4  }
0x64: {  	[tilespmem:v61+s12+$0x0] =	vst.idx.msk $0xffff, v50  }
0x65: {  	v50 =	vld [tilespmem:$0x80];
	_ =	sdelay $0x4  }
0x66: {  	v50 =	vshll.u32 v50, $0xA  }
0x67: {  	v50 =	vor.u32 v8, v50;
	_ =	sdelay $0x4  }
0x68: {  	v62 =	vor.u32 s16, v8;
	v50 =	vld.idx.msk [tilespmem:v50+s10+$0x0], $0xffff;
	_ =	sdelay $0x4  }
0x69: {  	[tilespmem:v62+s12+$0x0] =	vst.idx.msk $0xffff, v50  }
0x6a: {  	v50 =	vld [tilespmem:$0x90];
	_ =	sdelay $0x4  }
0x6b: {  	v50 =	vshll.u32 v50, $0xA  }
0x6c: {  	v50 =	vor.u32 v9, v50;
	_ =	sdelay $0x4  }
0x6d: {  	v63 =	vor.u32 s16, v9;
	v50 =	vld.idx.msk [tilespmem:v50+s10+$0x0], $0xffff;
	_ =	sdelay $0x4  }
0x6e: {  	[tilespmem:v63+s12+$0x0] =	vst.idx.msk $0xffff, v50  }
0x6f: {  	v50 =	vld [tilespmem:$0xA0];
	_ =	sdelay $0x4  }
0x70: {  	v50 =	vshll.u32 v50, $0xA  }
0x71: {  	v50 =	vor.u32 v10, v50;
	_ =	sdelay $0x4  }
0x72: {  	v54 =	vor.u32 s16, v10;
	v50 =	vld.idx.msk [tilespmem:v50+s10+$0x0], $0xffff;
	_ =	sdelay $0x4  }
0x73: {  	[tilespmem:v54+s12+$0x0] =	vst.idx.msk $0xffff, v50  }
0x74: {  	v50 =	vld [tilespmem:$0xB0];
	_ =	sdelay $0x4  }
0x75: {  	v50 =	vshll.u32 v50, $0xA  }
0x76: {  	v50 =	vor.u32 v11, v50;
	_ =	sdelay $0x4  }
0x77: {  	v55 =	vor.u32 s16, v11;
	v50 =	vld.idx.msk [tilespmem:v50+s10+$0x0], $0xffff;
	_ =	sdelay $0x4  }
0x78: {  	[tilespmem:v55+s12+$0x0] =	vst.idx.msk $0xffff, v50  }
0x79: {  	v50 =	vld [tilespmem:$0xC0];
	_ =	sdelay $0x4  }
0x7a: {  	v50 =	vshll.u32 v50, $0xA  }
0x7b: {  	v50 =	vor.u32 v12, v50;
	_ =	sdelay $0x4  }
0x7c: {  	v56 =	vor.u32 s16, v12;
	v50 =	vld.idx.msk [tilespmem:v50+s10+$0x0], $0xffff;
	_ =	sdelay $0x4  }
0x7d: {  	[tilespmem:v56+s12+$0x0] =	vst.idx.msk $0xffff, v50  }
0x7e: {  	v50 =	vld [tilespmem:$0xD0];
	_ =	sdelay $0x4  }
0x7f: {  	v50 =	vshll.u32 v50, $0xA  }
0x80: {  	v50 =	vor.u32 v13, v50;
	_ =	sdelay $0x4  }
0x81: {  	v57 =	vor.u32 s16, v13;
	v50 =	vld.idx.msk [tilespmem:v50+s10+$0x0], $0xffff;
	_ =	sdelay $0x4  }
0x82: {  	[tilespmem:v57+s12+$0x0] =	vst.idx.msk $0xffff, v50  }
0x83: {  	v50 =	vld [tilespmem:$0xE0];
	_ =	sdelay $0x4  }
0x84: {  	v50 =	vshll.u32 v50, $0xA  }
0x85: {  	v50 =	vor.u32 v14, v50;
	_ =	sdelay $0x4  }
0x86: {  	v58 =	vor.u32 s16, v14;
	v50 =	vld.idx.msk [tilespmem:v50+s10+$0x0], $0xffff;
	_ =	sdelay $0x4  }
0x87: {  	[tilespmem:v58+s12+$0x0] =	vst.idx.msk $0xffff, v50  }
0x88: {  	v50 =	vld [tilespmem:$0xF0];
	_ =	sdelay $0x4  }
0x89: {  	v50 =	vshll.u32 v50, $0xA  }
0x8a: {  	v50 =	vor.u32 v15, v50;
	_ =	sdelay $0x4  }
0x8b: {  	v59 =	vor.u32 s16, v15;
	v50 =	vld.idx.msk [tilespmem:v50+s10+$0x0], $0xffff;
	_ =	sdelay $0x4  }
0x8c: {  	[tilespmem:v59+s12+$0x0] =	vst.idx.msk $0xffff, v50  }
0x8d: {  	v50 =	vld [tilespmem:$0x100];
	_ =	sdelay $0x4  }
0x8e: {  	v50 =	vshll.u32 v50, $0xA  }
0x8f: {  	v50 =	vor.u32 v16, v50;
	_ =	sdelay $0x4  }
0x90: {  	v60 =	vor.u32 s16, v16;
	v50 =	vld.idx.msk [tilespmem:v50+s10+$0x0], $0xffff;
	_ =	sdelay $0x4  }
0x91: {  	[tilespmem:v60+s12+$0x0] =	vst.idx.msk $0xffff, v50  }
0x92: {  	v50 =	vld [tilespmem:$0x110];
	_ =	sdelay $0x4  }
0x93: {  	v50 =	vshll.u32 v50, $0xA  }
0x94: {  	v50 =	vor.u32 v17, v50;
	_ =	sdelay $0x4  }
0x95: {  	v61 =	vor.u32 s16, v17;
	v50 =	vld.idx.msk [tilespmem:v50+s10+$0x0], $0xffff;
	_ =	sdelay $0x4  }
0x96: {  	[tilespmem:v61+s12+$0x0] =	vst.idx.msk $0xffff, v50  }
0x97: {  	v50 =	vld [tilespmem:$0x120];
	_ =	sdelay $0x4  }
0x98: {  	v50 =	vshll.u32 v50, $0xA  }
0x99: {  	v50 =	vor.u32 v18, v50;
	_ =	sdelay $0x4  }
0x9a: {  	v62 =	vor.u32 s16, v18;
	v50 =	vld.idx.msk [tilespmem:v50+s10+$0x0], $0xffff;
	_ =	sdelay $0x4  }
0x9b: {  	[tilespmem:v62+s12+$0x0] =	vst.idx.msk $0xffff, v50  }
0x9c: {  	v50 =	vld [tilespmem:$0x130];
	_ =	sdelay $0x4  }
0x9d: {  	v50 =	vshll.u32 v50, $0xA  }
0x9e: {  	v50 =	vor.u32 v19, v50;
	_ =	sdelay $0x4  }
0x9f: {  	v63 =	vor.u32 s16, v19;
	v50 =	vld.idx.msk [tilespmem:v50+s10+$0x0], $0xffff;
	_ =	sdelay $0x4  }
0xa0: {  	[tilespmem:v63+s12+$0x0] =	vst.idx.msk $0xffff, v50  }
0xa1: {  	v50 =	vld [tilespmem:$0x140];
	_ =	sdelay $0x4  }
0xa2: {  	v50 =	vshll.u32 v50, $0xA  }
0xa3: {  	v50 =	vor.u32 v20, v50;
	_ =	sdelay $0x4  }
0xa4: {  	v54 =	vor.u32 s16, v20;
	v50 =	vld.idx.msk [tilespmem:v50+s10+$0x0], $0xffff;
	_ =	sdelay $0x4  }
0xa5: {  	[tilespmem:v54+s12+$0x0] =	vst.idx.msk $0xffff, v50  }
0xa6: {  	v50 =	vld [tilespmem:$0x150];
	_ =	sdelay $0x4  }
0xa7: {  	v50 =	vshll.u32 v50, $0xA  }
0xa8: {  	v50 =	vor.u32 v21, v50;
	_ =	sdelay $0x4  }
0xa9: {  	v55 =	vor.u32 s16, v21;
	v50 =	vld.idx.msk [tilespmem:v50+s10+$0x0], $0xffff;
	_ =	sdelay $0x4  }
0xaa: {  	[tilespmem:v55+s12+$0x0] =	vst.idx.msk $0xffff, v50  }
0xab: {  	v50 =	vld [tilespmem:$0x160];
	_ =	sdelay $0x4  }
0xac: {  	v50 =	vshll.u32 v50, $0xA  }
0xad: {  	v50 =	vor.u32 v22, v50;
	_ =	sdelay $0x4  }
0xae: {  	v56 =	vor.u32 s16, v22;
	v50 =	vld.idx.msk [tilespmem:v50+s10+$0x0], $0xffff;
	_ =	sdelay $0x4  }
0xaf: {  	[tilespmem:v56+s12+$0x0] =	vst.idx.msk $0xffff, v50  }
0xb0: {  	v50 =	vld [tilespmem:$0x170];
	_ =	sdelay $0x4  }
0xb1: {  	v50 =	vshll.u32 v50, $0xA  }
0xb2: {  	v50 =	vor.u32 v23, v50;
	_ =	sdelay $0x4  }
0xb3: {  	v57 =	vor.u32 s16, v23;
	v50 =	vld.idx.msk [tilespmem:v50+s10+$0x0], $0xffff;
	_ =	sdelay $0x4  }
0xb4: {  	[tilespmem:v57+s12+$0x0] =	vst.idx.msk $0xffff, v50  }
0xb5: {  	v50 =	vld [tilespmem:$0x180];
	_ =	sdelay $0x4  }
0xb6: {  	v50 =	vshll.u32 v50, $0xA  }
0xb7: {  	v50 =	vor.u32 v24, v50;
	_ =	sdelay $0x4  }
0xb8: {  	v58 =	vor.u32 s16, v24;
	v50 =	vld.idx.msk [tilespmem:v50+s10+$0x0], $0xffff;
	_ =	sdelay $0x4  }
0xb9: {  	[tilespmem:v58+s12+$0x0] =	vst.idx.msk $0xffff, v50  }
0xba: {  	v50 =	vld [tilespmem:$0x190];
	_ =	sdelay $0x4  }
0xbb: {  	v50 =	vshll.u32 v50, $0xA  }
0xbc: {  	v50 =	vor.u32 v25, v50;
	_ =	sdelay $0x4  }
0xbd: {  	v59 =	vor.u32 s16, v25;
	v50 =	vld.idx.msk [tilespmem:v50+s10+$0x0], $0xffff;
	_ =	sdelay $0x4  }
0xbe: {  	[tilespmem:v59+s12+$0x0] =	vst.idx.msk $0xffff, v50  }
0xbf: {  	v50 =	vld [tilespmem:$0x1A0];
	_ =	sdelay $0x4  }
0xc0: {  	v50 =	vshll.u32 v50, $0xA  }
0xc1: {  	v50 =	vor.u32 v26, v50;
	_ =	sdelay $0x4  }
0xc2: {  	v60 =	vor.u32 s16, v26;
	v50 =	vld.idx.msk [tilespmem:v50+s10+$0x0], $0xffff;
	_ =	sdelay $0x4  }
0xc3: {  	[tilespmem:v60+s12+$0x0] =	vst.idx.msk $0xffff, v50  }
0xc4: {  	v50 =	vld [tilespmem:$0x1B0];
	_ =	sdelay $0x4  }
0xc5: {  	v50 =	vshll.u32 v50, $0xA  }
0xc6: {  	v50 =	vor.u32 v27, v50;
	_ =	sdelay $0x4  }
0xc7: {  	v61 =	vor.u32 s16, v27;
	v50 =	vld.idx.msk [tilespmem:v50+s10+$0x0], $0xffff;
	_ =	sdelay $0x4  }
0xc8: {  	[tilespmem:v61+s12+$0x0] =	vst.idx.msk $0xffff, v50  }
0xc9: {  	v50 =	vld [tilespmem:$0x1C0];
	_ =	sdelay $0x4  }
0xca: {  	v50 =	vshll.u32 v50, $0xA  }
0xcb: {  	v50 =	vor.u32 v28, v50;
	_ =	sdelay $0x4  }
0xcc: {  	v62 =	vor.u32 s16, v28;
	v50 =	vld.idx.msk [tilespmem:v50+s10+$0x0], $0xffff;
	_ =	sdelay $0x4  }
0xcd: {  	[tilespmem:v62+s12+$0x0] =	vst.idx.msk $0xffff, v50  }
0xce: {  	v50 =	vld [tilespmem:$0x1D0];
	_ =	sdelay $0x4  }
0xcf: {  	v50 =	vshll.u32 v50, $0xA  }
0xd0: {  	v50 =	vor.u32 v29, v50;
	_ =	sdelay $0x4  }
0xd1: {  	v63 =	vor.u32 s16, v29;
	v50 =	vld.idx.msk [tilespmem:v50+s10+$0x0], $0xffff;
	_ =	sdelay $0x4  }
0xd2: {  	[tilespmem:v63+s12+$0x0] =	vst.idx.msk $0xffff, v50  }
0xd3: {  	v50 =	vld [tilespmem:$0x1E0];
	_ =	sdelay $0x4  }
0xd4: {  	v50 =	vshll.u32 v50, $0xA  }
0xd5: {  	v50 =	vor.u32 v30, v50;
	_ =	sdelay $0x4  }
0xd6: {  	v54 =	vor.u32 s16, v30;
	v50 =	vld.idx.msk [tilespmem:v50+s10+$0x0], $0xffff;
	_ =	sdelay $0x4  }
0xd7: {  	[tilespmem:v54+s12+$0x0] =	vst.idx.msk $0xffff, v50  }
0xd8: {  	v50 =	vld [tilespmem:$0x1F0];
	_ =	sdelay $0x4  }
0xd9: {  	v50 =	vshll.u32 v50, $0xA  }
0xda: {  	v50 =	vor.u32 v31, v50;
	_ =	sdelay $0x4  }
0xdb: {  	v55 =	vor.u32 s16, v31;
	v50 =	vld.idx.msk [tilespmem:v50+s10+$0x0], $0xffff;
	_ =	sdelay $0x4  }
0xdc: {  	[tilespmem:v55+s12+$0x0] =	vst.idx.msk $0xffff, v50  }
0xdd: {  	v50 =	vld [tilespmem:$0x200];
	_ =	sdelay $0x4  }
0xde: {  	v50 =	vshll.u32 v50, $0xA  }
0xdf: {  	v50 =	vor.u32 v32, v50;
	_ =	sdelay $0x4  }
0xe0: {  	v56 =	vor.u32 s16, v32;
	v50 =	vld.idx.msk [tilespmem:v50+s10+$0x0], $0xffff;
	_ =	sdelay $0x4  }
0xe1: {  	[tilespmem:v56+s12+$0x0] =	vst.idx.msk $0xffff, v50  }
0xe2: {  	v50 =	vld [tilespmem:$0x210];
	_ =	sdelay $0x4  }
0xe3: {  	v50 =	vshll.u32 v50, $0xA  }
0xe4: {  	v50 =	vor.u32 v33, v50;
	_ =	sdelay $0x4  }
0xe5: {  	v57 =	vor.u32 s16, v33;
	v50 =	vld.idx.msk [tilespmem:v50+s10+$0x0], $0xffff;
	_ =	sdelay $0x4  }
0xe6: {  	[tilespmem:v57+s12+$0x0] =	vst.idx.msk $0xffff, v50  }
0xe7: {  	v50 =	vld [tilespmem:$0x220];
	_ =	sdelay $0x4  }
0xe8: {  	v50 =	vshll.u32 v50, $0xA  }
0xe9: {  	v50 =	vor.u32 v34, v50;
	_ =	sdelay $0x4  }
0xea: {  	v58 =	vor.u32 s16, v34;
	v50 =	vld.idx.msk [tilespmem:v50+s10+$0x0], $0xffff;
	_ =	sdelay $0x4  }
0xeb: {  	[tilespmem:v58+s12+$0x0] =	vst.idx.msk $0xffff, v50  }
0xec: {  	v50 =	vld [tilespmem:$0x230];
	_ =	sdelay $0x4  }
0xed: {  	v50 =	vshll.u32 v50, $0xA  }
0xee: {  	v50 =	vor.u32 v35, v50;
	_ =	sdelay $0x4  }
0xef: {  	v59 =	vor.u32 s16, v35;
	v50 =	vld.idx.msk [tilespmem:v50+s10+$0x0], $0xffff;
	_ =	sdelay $0x4  }
0xf0: {  	[tilespmem:v59+s12+$0x0] =	vst.idx.msk $0xffff, v50  }
0xf1: {  	v50 =	vld [tilespmem:$0x240];
	_ =	sdelay $0x4  }
0xf2: {  	v50 =	vshll.u32 v50, $0xA  }
0xf3: {  	v50 =	vor.u32 v36, v50;
	_ =	sdelay $0x4  }
0xf4: {  	v60 =	vor.u32 s16, v36;
	v50 =	vld.idx.msk [tilespmem:v50+s10+$0x0], $0xffff;
	_ =	sdelay $0x4  }
0xf5: {  	[tilespmem:v60+s12+$0x0] =	vst.idx.msk $0xffff, v50  }
0xf6: {  	v50 =	vld [tilespmem:$0x250];
	_ =	sdelay $0x4  }
0xf7: {  	v50 =	vshll.u32 v50, $0xA  }
0xf8: {  	v50 =	vor.u32 v37, v50;
	_ =	sdelay $0x4  }
0xf9: {  	v61 =	vor.u32 s16, v37;
	v50 =	vld.idx.msk [tilespmem:v50+s10+$0x0], $0xffff;
	_ =	sdelay $0x4  }
0xfa: {  	[tilespmem:v61+s12+$0x0] =	vst.idx.msk $0xffff, v50  }
0xfb: {  	v50 =	vld [tilespmem:$0x260];
	_ =	sdelay $0x4  }
0xfc: {  	v50 =	vshll.u32 v50, $0xA  }
0xfd: {  	v50 =	vor.u32 v38, v50;
	_ =	sdelay $0x4  }
0xfe: {  	v62 =	vor.u32 s16, v38;
	v50 =	vld.idx.msk [tilespmem:v50+s10+$0x0], $0xffff;
	_ =	sdelay $0x4  }
0xff: {  	[tilespmem:v62+s12+$0x0] =	vst.idx.msk $0xffff, v50  }
0x100: {  	v50 =	vld [tilespmem:$0x270];
	_ =	sdelay $0x4  }
0x101: {  	v50 =	vshll.u32 v50, $0xA  }
0x102: {  	v50 =	vor.u32 v39, v50;
	_ =	sdelay $0x4  }
0x103: {  	v63 =	vor.u32 s16, v39;
	v50 =	vld.idx.msk [tilespmem:v50+s10+$0x0], $0xffff;
	_ =	sdelay $0x4  }
0x104: {  	[tilespmem:v63+s12+$0x0] =	vst.idx.msk $0xffff, v50  }
0x105: {  	v50 =	vld [tilespmem:$0x280];
	_ =	sdelay $0x4  }
0x106: {  	v50 =	vshll.u32 v50, $0xA  }
0x107: {  	v50 =	vor.u32 v40, v50;
	_ =	sdelay $0x4  }
0x108: {  	v54 =	vor.u32 s16, v40;
	v50 =	vld.idx.msk [tilespmem:v50+s10+$0x0], $0xffff;
	_ =	sdelay $0x4  }
0x109: {  	[tilespmem:v54+s12+$0x0] =	vst.idx.msk $0xffff, v50  }
0x10a: {  	v50 =	vld [tilespmem:$0x290];
	_ =	sdelay $0x4  }
0x10b: {  	v50 =	vshll.u32 v50, $0xA  }
0x10c: {  	v50 =	vor.u32 v41, v50;
	_ =	sdelay $0x4  }
0x10d: {  	v55 =	vor.u32 s16, v41;
	v50 =	vld.idx.msk [tilespmem:v50+s10+$0x0], $0xffff;
	_ =	sdelay $0x4  }
0x10e: {  	[tilespmem:v55+s12+$0x0] =	vst.idx.msk $0xffff, v50  }
0x10f: {  	v50 =	vld [tilespmem:$0x2A0];
	_ =	sdelay $0x4  }
0x110: {  	v50 =	vshll.u32 v50, $0xA  }
0x111: {  	v50 =	vor.u32 v42, v50;
	_ =	sdelay $0x4  }
0x112: {  	v56 =	vor.u32 s16, v42;
	v50 =	vld.idx.msk [tilespmem:v50+s10+$0x0], $0xffff;
	_ =	sdelay $0x4  }
0x113: {  	[tilespmem:v56+s12+$0x0] =	vst.idx.msk $0xffff, v50  }
0x114: {  	v50 =	vld [tilespmem:$0x2B0];
	_ =	sdelay $0x4  }
0x115: {  	v50 =	vshll.u32 v50, $0xA  }
0x116: {  	v50 =	vor.u32 v43, v50;
	_ =	sdelay $0x4  }
0x117: {  	v57 =	vor.u32 s16, v43;
	v50 =	vld.idx.msk [tilespmem:v50+s10+$0x0], $0xffff;
	_ =	sdelay $0x4  }
0x118: {  	[tilespmem:v57+s12+$0x0] =	vst.idx.msk $0xffff, v50  }
0x119: {  	v50 =	vld [tilespmem:$0x2C0];
	_ =	sdelay $0x4  }
0x11a: {  	v50 =	vshll.u32 v50, $0xA  }
0x11b: {  	v50 =	vor.u32 v44, v50;
	_ =	sdelay $0x4  }
0x11c: {  	v58 =	vor.u32 s16, v44;
	v50 =	vld.idx.msk [tilespmem:v50+s10+$0x0], $0xffff;
	_ =	sdelay $0x4  }
0x11d: {  	[tilespmem:v58+s12+$0x0] =	vst.idx.msk $0xffff, v50  }
0x11e: {  	v50 =	vld [tilespmem:$0x2D0];
	_ =	sdelay $0x4  }
0x11f: {  	v50 =	vshll.u32 v50, $0xA  }
0x120: {  	v50 =	vor.u32 v45, v50;
	_ =	sdelay $0x4  }
0x121: {  	v59 =	vor.u32 s16, v45;
	v50 =	vld.idx.msk [tilespmem:v50+s10+$0x0], $0xffff;
	_ =	sdelay $0x4  }
0x122: {  	[tilespmem:v59+s12+$0x0] =	vst.idx.msk $0xffff, v50  }
0x123: {  	v50 =	vld [tilespmem:$0x2E0];
	_ =	sdelay $0x4  }
0x124: {  	v50 =	vshll.u32 v50, $0xA  }
0x125: {  	v50 =	vor.u32 v46, v50;
	_ =	sdelay $0x4  }
0x126: {  	v60 =	vor.u32 s16, v46;
	v50 =	vld.idx.msk [tilespmem:v50+s10+$0x0], $0xffff;
	_ =	sdelay $0x4  }
0x127: {  	[tilespmem:v60+s12+$0x0] =	vst.idx.msk $0xffff, v50  }
0x128: {  	v50 =	vld [tilespmem:$0x2F0];
	_ =	sdelay $0x4  }
0x129: {  	v50 =	vshll.u32 v50, $0xA  }
0x12a: {  	v50 =	vor.u32 v47, v50;
	_ =	sdelay $0x4  }
0x12b: {  	v61 =	vor.u32 s16, v47;
	v50 =	vld.idx.msk [tilespmem:v50+s10+$0x0], $0xffff;
	_ =	sdelay $0x4  }
0x12c: {  	[tilespmem:v61+s12+$0x0] =	vst.idx.msk $0xffff, v50  }
0x12d: {  	v50 =	vld [tilespmem:$0x300];
	_ =	sdelay $0x4  }
0x12e: {  	v50 =	vshll.u32 v50, $0xA  }
0x12f: {  	v50 =	vor.u32 v48, v50;
	_ =	sdelay $0x4  }
0x130: {  	v62 =	vor.u32 s16, v48;
	v50 =	vld.idx.msk [tilespmem:v50+s10+$0x0], $0xffff;
	_ =	sdelay $0x4  }
0x131: {  	[tilespmem:v62+s12+$0x0] =	vst.idx.msk $0xffff, v50  }
0x132: {  	v50 =	vld [tilespmem:$0x310];
	_ =	sdelay $0x4  }
0x133: {  	v50 =	vshll.u32 v50, $0xA  }
0x134: {  	v50 =	vor.u32 v49, v50;
	_ =	sdelay $0x4  }
0x135: {  	p0 =	sne.s32 s15, $0xD;
	v63 =	vor.u32 s16, v49;
	v50 =	vld.idx.msk [tilespmem:v50+s10+$0x0], $0xffff  }
.Ltmp0:
0x136: {  	_ = 	snop;
	(pc) =	sbr.rel @p0 .LBB2_2-.Ltmp0, $2  }
0x137: {  	_ =	sdelay $0x2  }
0x138: {  	s14 =	sadd.s32 $0x80, s14;
	s15 =	sadd.s32 $0x1, s15;
	[tilespmem:v63+s12+$0x0] =	vst.idx.msk $0xffff, v50  }
0x139: {  	s13 =	sadd.s32 $0x1, s13  }
0x13a: {  	p0 =	sne.s32 s13, s5  }
.Ltmp1:
0x13b: {  	_ = 	snop;
	(pc) =	sbr.rel @p0 .LBB2_1-.Ltmp1, $4  }
0x13c: {  	[hbm4b:s4+s3] =	stream.linear.scatter [tilespmem:s12], [sflag:$0x2], $0x3800, $0x38;
	[tilespmem:$0x1A780] =	vst v63  }
0x13d: {  	_ =	swait.ge [sflag:s7], $0x3800  }
0x13e: {  	[sflag:s7] =	ssyncset.done $0x0  }
0x13f: {  	[sflag:s7] =	ssyncadd.s32 $0xFFFFC800  }
0x140: {  	_ =	sfence.sel $0x180000  }
0x141: {  	[bflag:$0x0] =	sbarrier.arrive $0xFFFF  }
0x142: {  	p0 =	sne.s32 s2, $0x0;
	_ =	strace $0x90000047  }
0x143: {  	s0 =	sadd.s32 @!p0 $0x100000, s1;
	[bflag:$0x2] =	sbarrier.arrive $0xFFFF  }
0x144: {  	[sflag:s0] =	ssyncadd.tile.s32 @!p0 $0x1;
	_ =	shalt  }
.Lfunc_end2:
_tile_overlayer_lowered:
.L_overlay_start_2:
0x145: {  	(tag) =	ssettag $0x2  }
0x146: {  	s0 =	rddreg [dreg:$0x0];
	s2 =	stileid.u32  }
0x147: {  	s1 =	rddreg [dreg:$0x1];
	p0 =	sne.s32 s2, $0x0  }
0x148: {  	s3 =	rddreg [dreg:$0x2];
	[bflag:$0x3] =	sbarrier.arrive $0xFFFF;
	s2 =	simm.s32 @!p0 $0x1C02  }
0x149: {  	[timem:s3], [sflag:s2] =	dma.local @!p0 [hbm:s0], s1  }
0x14a: {  	s0 =	simm.s32 @!p0 $0x2  }
0x14b: {  	_ =	swait.ge @!p0 [sflag:s0], s1  }
0x14c: {  	s1 =	ssub.s32 @!p0 $0x0, s1;
	[sflag:s0] =	ssyncset.done @!p0 $0x0  }
0x14d: {  	[sflag:s0] =	ssyncadd.s32 @!p0 s1  }
0x14e: {  	[bflag:$0x3] =	sbarrier.arrive $0xFFFF  }
0x14f: {  	_ =	shalt  }

</sc_bundles>
